<compile_context>
chip_gen: v7x
topology: tpu7x:2x2x1
jax: 0.10.2.dev20260603
libtpu: 0.0.44.dev20260713+nightly
codegen_flags: <defaults>
</compile_context>

<pallas_src>
import functools

import jax
import jax.numpy as jnp
import numpy as np
from jax import lax
from jax.experimental import pallas as pl
from jax.experimental.pallas import tpu as pltpu
from jax.experimental.pallas import tpu_sc as plsc

B = 2
N = 8192
CIN = 4
WIDTH = 64
OUT = 128
STRIDE = 4
NS = 32
R1 = 0.1
R2 = 0.2
MID = 512
M = N // STRIDE

MB = 256
NBLK = 1024


def _stem_body(f_ref, w_ref, b_ref, o_ref):
    x = f_ref[0]
    w = w_ref[...]
    o_ref[0] = jnp.dot(x, w, preferred_element_type=jnp.float32) + b_ref[...]


def _stem(f_t, w_t, b2):
    return pl.pallas_call(
        _stem_body,
        grid=(B, N // NBLK),
        in_specs=[
            pl.BlockSpec((1, NBLK, CIN), lambda b, i: (b, i, 0)),
            pl.BlockSpec((CIN, WIDTH), lambda b, i: (0, 0)),
            pl.BlockSpec((1, WIDTH), lambda b, i: (0, 0)),
        ],
        out_specs=pl.BlockSpec((1, NBLK, WIDTH), lambda b, i: (b, i, 0)),
        out_shape=jax.ShapeDtypeStruct((B, N, WIDTH), jnp.float32),
    )(f_t, w_t, b2)


def _stage1_body(dp_ref, xf_ref, wp_ref, wf_ref, g_ref, b_ref, o_ref):
    dp = dp_ref[...].reshape(MB * NS, 3)
    xf = xf_ref[...].reshape(MB * NS, 2 * WIDTH)
    y = jnp.dot(dp, wp_ref[...], preferred_element_type=jnp.float32)
    y = y + jnp.dot(xf, wf_ref[...], preferred_element_type=jnp.float32)
    y = y * g_ref[...] + b_ref[...]
    y = jnp.maximum(y, 0.0)
    o_ref[0] = jnp.max(y.reshape(MB, NS, OUT), axis=1)


def _stage1(dp, xf, wp, wf, g2, b2):
    return pl.pallas_call(
        _stage1_body,
        grid=(B, M // MB),
        in_specs=[
            pl.BlockSpec((1, MB, NS, 3), lambda b, i: (b, i, 0, 0)),
            pl.BlockSpec((1, MB, NS, 2 * WIDTH), lambda b, i: (b, i, 0, 0)),
            pl.BlockSpec((3, OUT), lambda b, i: (0, 0)),
            pl.BlockSpec((2 * WIDTH, OUT), lambda b, i: (0, 0)),
            pl.BlockSpec((1, OUT), lambda b, i: (0, 0)),
            pl.BlockSpec((1, OUT), lambda b, i: (0, 0)),
        ],
        out_specs=pl.BlockSpec((1, MB, OUT), lambda b, i: (b, i, 0)),
        out_shape=jax.ShapeDtypeStruct((B, M, OUT), jnp.float32),
    )(dp, xf, wp, wf, g2, b2)


def _stage2_body(dp_ref, xf_ref, id_ref, wp_ref, wf_ref, gla_ref, bla_ref,
                 w1_ref, g1_ref, b1_ref, w2_ref, g2_ref, b2_ref, o_ref):
    dp = dp_ref[...].reshape(MB * NS, 3)
    xf = xf_ref[...].reshape(MB * NS, OUT)
    y = jnp.dot(dp, wp_ref[...], preferred_element_type=jnp.float32)
    y = y + jnp.dot(xf, wf_ref[...], preferred_element_type=jnp.float32)
    y = y * gla_ref[...] + bla_ref[...]
    y = jnp.maximum(y, 0.0)
    f2 = jnp.max(y.reshape(MB, NS, OUT), axis=1)
    h = jnp.dot(f2, w1_ref[...], preferred_element_type=jnp.float32)
    h = jnp.maximum(h * g1_ref[...] + b1_ref[...], 0.0)
    o = jnp.dot(h, w2_ref[...], preferred_element_type=jnp.float32)
    o = o * g2_ref[...] + b2_ref[...]
    o_ref[0] = jnp.maximum(o + id_ref[0], 0.0)


def _stage2(dp, xf, ident, wp, wf, gla2, bla2, w1t, g12, b12, w2t, g22, b22):
    return pl.pallas_call(
        _stage2_body,
        grid=(B, M // MB),
        in_specs=[
            pl.BlockSpec((1, MB, NS, 3), lambda b, i: (b, i, 0, 0)),
            pl.BlockSpec((1, MB, NS, OUT), lambda b, i: (b, i, 0, 0)),
            pl.BlockSpec((1, MB, OUT), lambda b, i: (b, i, 0)),
            pl.BlockSpec((3, OUT), lambda b, i: (0, 0)),
            pl.BlockSpec((OUT, OUT), lambda b, i: (0, 0)),
            pl.BlockSpec((1, OUT), lambda b, i: (0, 0)),
            pl.BlockSpec((1, OUT), lambda b, i: (0, 0)),
            pl.BlockSpec((OUT, MID), lambda b, i: (0, 0)),
            pl.BlockSpec((1, MID), lambda b, i: (0, 0)),
            pl.BlockSpec((1, MID), lambda b, i: (0, 0)),
            pl.BlockSpec((MID, OUT), lambda b, i: (0, 0)),
            pl.BlockSpec((1, OUT), lambda b, i: (0, 0)),
            pl.BlockSpec((1, OUT), lambda b, i: (0, 0)),
        ],
        out_specs=pl.BlockSpec((1, MB, OUT), lambda b, i: (b, i, 0)),
        out_shape=jax.ShapeDtypeStruct((B, M, OUT), jnp.float32),
    )(dp, xf, ident, wp, wf, gla2, bla2, w1t, g12, b12, w2t, g22, b22)


BIGF = 1e30
BIGI = 2**30

NTILES = 32
QPT = (B * M) // NTILES
CAP = 512


def _make_sc_ballquery(ncand, r2, feat_dim=None):
    mesh = plsc.VectorSubcoreMesh(core_axis_name="c", subcore_axis_name="s")
    out_type = [jax.ShapeDtypeStruct((B * M * NS,), jnp.int32),
                jax.ShapeDtypeStruct((B * M * NS,), jnp.float32),
                jax.ShapeDtypeStruct((B * M * NS,), jnp.float32),
                jax.ShapeDtypeStruct((B * M * NS,), jnp.float32)]
    scratch = [
        pltpu.VMEM((ncand,), jnp.float32),
        pltpu.VMEM((ncand,), jnp.float32),
        pltpu.VMEM((ncand,), jnp.float32),
        pltpu.VMEM((ncand,), jnp.float32),
        pltpu.VMEM((ncand,), jnp.float32),
        pltpu.VMEM((ncand,), jnp.float32),
        pltpu.VMEM((QPT,), jnp.float32),
        pltpu.VMEM((QPT,), jnp.float32),
        pltpu.VMEM((QPT,), jnp.float32),
        pltpu.VMEM((CAP,), jnp.float32),
        pltpu.VMEM((CAP,), jnp.int32),
        pltpu.VMEM((QPT * NS,), jnp.int32),
        pltpu.VMEM((QPT * NS,), jnp.float32),
        pltpu.VMEM((QPT * NS,), jnp.float32),
        pltpu.VMEM((QPT * NS,), jnp.float32),
        pltpu.VMEM((ncand,), jnp.float32),
    ]
    if feat_dim is not None:
        out_type = out_type + [
            jax.ShapeDtypeStruct((B * M * NS, feat_dim), jnp.float32)]
        scratch += [
            pltpu.VMEM((NS,), jnp.int32),
            pltpu.VMEM((NS, feat_dim), jnp.float32),
            pltpu.SemaphoreType.DMA,
        ]
    out_type = tuple(out_type)

    @functools.partial(
        pl.kernel, mesh=mesh, out_type=out_type, scratch_types=scratch,
        compiler_params=pltpu.CompilerParams(needs_layout_passes=False),
    )
    def k(*refs):
        if feat_dim is not None:
            (cx, cy, cz, qx, qy, qz, tab,
             o_hbm, ox_hbm, oy_hbm, oz_hbm, xf_hbm,
             xs, ys, zs, xr, yr, zr, qxv, qyv, qzv, keyb, idxb,
             outbuf, dpxb, dpyb, dpzb, s2s,
             gidx, rows, dsem) = refs
        else:
            (cx, cy, cz, qx, qy, qz,
             o_hbm, ox_hbm, oy_hbm, oz_hbm,
             xs, ys, zs, xr, yr, zr, qxv, qyv, qzv, keyb, idxb,
             outbuf, dpxb, dpyb, dpzb, s2s) = refs
        cid = lax.axis_index("c")
        sid = lax.axis_index("s")
        wid = sid * 2 + cid
        b = wid // (NTILES // B)
        pltpu.sync_copy(cx.at[b], xs)
        pltpu.sync_copy(cy.at[b], ys)
        pltpu.sync_copy(cz.at[b], zs)
        base_q = wid * QPT
        pltpu.sync_copy(qx.at[pl.ds(base_q, QPT)], qxv)
        pltpu.sync_copy(qy.at[pl.ds(base_q, QPT)], qyv)
        pltpu.sync_copy(qz.at[pl.ds(base_q, QPT)], qzv)
        iota16 = lax.iota(jnp.int32, 16)
        zeros16 = jnp.zeros((16,), jnp.int32)
        bigv = jnp.full((16,), BIGF, jnp.float32)

        def _rbf16(v):
            u = plsc.bitcast(v, jnp.int32)
            u = u + 0x7FFF + ((u >> 16) & 1)
            u = u & jnp.int32(-65536)
            return plsc.bitcast(u, jnp.float32)

        def prep(t, _):
            xv = xs[pl.ds(t * 16, 16)]
            yv = ys[pl.ds(t * 16, 16)]
            zv = zs[pl.ds(t * 16, 16)]
            s2s[pl.ds(t * 16, 16)] = (xv * xv + yv * yv) + zv * zv
            xr[pl.ds(t * 16, 16)] = _rbf16(xv)
            yr[pl.ds(t * 16, 16)] = _rbf16(yv)
            zr[pl.ds(t * 16, 16)] = _rbf16(zv)
            return 0

        lax.fori_loop(0, ncand // 16, prep, 0)

        def per_query(i, _):
            tq = (i // 16) * 16
            lane = zeros16 + (i - tq)
            qxb = qxv[pl.ds(tq, 16)][lane]
            qyb = qyv[pl.ds(tq, 16)][lane]
            qzb = qzv[pl.ds(tq, 16)][lane]
            q2b = (qxb * qxb + qyb * qyb) + qzb * qzb
            qxr = _rbf16(qxb)
            qyr = _rbf16(qyb)
            qzr = _rbf16(qzb)

            def body(t, cntv):
                dot = (xr[pl.ds(t * 16, 16)] * qxr
                       + yr[pl.ds(t * 16, 16)] * qyr
                       + zr[pl.ds(t * 16, 16)] * qzr)
                d2 = (q2b + s2s[pl.ds(t * 16, 16)]) - 2.0 * dot
                mask = d2 <= r2
                pos = plsc.cumsum(mask.astype(jnp.int32)) + cntv - 1
                pos = jnp.minimum(pos, CAP - 1)
                plsc.store_scatter(keyb, [pos], d2, mask=mask)
                plsc.store_scatter(idxb, [pos], iota16 + t * 16, mask=mask)
                return cntv + plsc.all_reduce_population_count(mask)

            cntv = lax.fori_loop(0, ncand // 16, body, zeros16)
            cnt = jnp.minimum(jnp.max(cntv), CAP)
            keyb[pl.ds(jnp.minimum(cnt, CAP - 16), 16)] = bigv
            nv = (cnt + 15) // 16

            def sel(t, carry):
                a0k, a0v, a1k, a1v = carry
                ck = keyb[pl.ds(t * 16, 16)]
                cv = idxb[pl.ds(t * 16, 16)]
                ck, cv = plsc.sort_key_val(ck, cv)
                ckr = lax.rev(ck, (0,))
                cvr = lax.rev(cv, (0,))
                m = a1k <= ckr
                lk = jnp.where(m, a1k, ckr)
                lv = jnp.where(m, a1v, cvr)
                lk, lv = plsc.sort_key_val(lk, lv)
                lkr = lax.rev(lk, (0,))
                lvr = lax.rev(lv, (0,))
                m2 = a0k <= lkr
                n0k = jnp.where(m2, a0k, lkr)
                n0v = jnp.where(m2, a0v, lvr)
                n1k = jnp.where(m2, lkr, a0k)
                n1v = jnp.where(m2, lvr, a0v)
                n0k, n0v = plsc.sort_key_val(n0k, n0v)
                n1k, n1v = plsc.sort_key_val(n1k, n1v)
                return n0k, n0v, n1k, n1v

            a0k, a0v, a1k, a1v = lax.fori_loop(
                0, nv, sel, (bigv, zeros16, bigv, zeros16))
            pad = a0v[zeros16]
            out0 = jnp.where(iota16 < cntv, a0v, pad)
            out1 = jnp.where(iota16 + 16 < cntv, a1v, pad)
            outbuf[pl.ds(i * NS, 16)] = out0
            outbuf[pl.ds(i * NS + 16, 16)] = out1
            dpxb[pl.ds(i * NS, 16)] = plsc.load_gather(xs, [out0]) - qxb
            dpxb[pl.ds(i * NS + 16, 16)] = plsc.load_gather(xs, [out1]) - qxb
            dpyb[pl.ds(i * NS, 16)] = plsc.load_gather(ys, [out0]) - qyb
            dpyb[pl.ds(i * NS + 16, 16)] = plsc.load_gather(ys, [out1]) - qyb
            dpzb[pl.ds(i * NS, 16)] = plsc.load_gather(zs, [out0]) - qzb
            dpzb[pl.ds(i * NS + 16, 16)] = plsc.load_gather(zs, [out1]) - qzb
            if feat_dim is not None:
                gidx[pl.ds(0, 16)] = out0 + b * ncand
                gidx[pl.ds(16, 16)] = out1 + b * ncand
                pltpu.async_copy(tab.at[gidx], rows, dsem).wait()
                pltpu.sync_copy(
                    rows, xf_hbm.at[pl.ds((base_q + i) * NS, NS)])
            return 0

        lax.fori_loop(0, QPT, per_query, 0)
        pltpu.sync_copy(outbuf, o_hbm.at[pl.ds(base_q * NS, QPT * NS)])
        pltpu.sync_copy(dpxb, ox_hbm.at[pl.ds(base_q * NS, QPT * NS)])
        pltpu.sync_copy(dpyb, oy_hbm.at[pl.ds(base_q * NS, QPT * NS)])
        pltpu.sync_copy(dpzb, oz_hbm.at[pl.ds(base_q * NS, QPT * NS)])

    return k


def _make_sc_rowgather(feat_dim):
    mesh = plsc.VectorSubcoreMesh(core_axis_name="c", subcore_axis_name="s")
    NIDX = B * M * NS
    IPT = NIDX // NTILES

    @functools.partial(
        pl.kernel, mesh=mesh,
        out_type=jax.ShapeDtypeStruct((NIDX, feat_dim), jnp.float32),
        scratch_types=[
            pltpu.VMEM((IPT,), jnp.int32),
            pltpu.VMEM((NS, feat_dim), jnp.float32),
            pltpu.SemaphoreType.DMA,
        ],
        compiler_params=pltpu.CompilerParams(needs_layout_passes=False),
    )
    def k(idx_hbm, tab, o_hbm, idxv, rows, dsem):
        cid = lax.axis_index("c")
        sid = lax.axis_index("s")
        wid = sid * 2 + cid
        base = wid * IPT
        pltpu.sync_copy(idx_hbm.at[pl.ds(base, IPT)], idxv)

        def per_chunk(i, _):
            pltpu.async_copy(
                tab.at[idxv.at[pl.ds(i * NS, NS)]], rows, dsem).wait()
            pltpu.sync_copy(rows, o_hbm.at[pl.ds(base + i * NS, NS)])
            return 0

        lax.fori_loop(0, IPT // NS, per_chunk, 0)

    return k


def _sc_ball(q, s, radius, ncand, tab=None, feat_dim=None):
    k = _make_sc_ballquery(ncand, radius * radius, feat_dim)
    cx = s[..., 0] + 0.0
    cy = s[..., 1] + 0.0
    cz = s[..., 2] + 0.0
    qx = q[..., 0].reshape(B * M)
    qy = q[..., 1].reshape(B * M)
    qz = q[..., 2].reshape(B * M)
    if feat_dim is None:
        nb, ox, oy, oz = k(cx, cy, cz, qx, qy, qz)
        dp = jnp.stack([ox, oy, oz], axis=-1).reshape(B, M, NS, 3)
        return nb.reshape(B, M, NS), dp
    nb, ox, oy, oz, xf = k(cx, cy, cz, qx, qy, qz, tab)
    dp = jnp.stack([ox, oy, oz], axis=-1).reshape(B, M, NS, 3)
    return nb.reshape(B, M, NS), dp, xf.reshape(B, M, NS, feat_dim)


def _select_body(ncand, r2, q_ref, st_ref, o_ref):
    q = q_ref[0]
    st = st_ref[0]
    q2 = jnp.sum(q * q, axis=1, keepdims=True)
    s2 = jnp.sum(st * st, axis=0, keepdims=True)
    d2 = q2 + s2 - 2.0 * jnp.dot(q, st, preferred_element_type=jnp.float32)
    iota = jax.lax.broadcasted_iota(jnp.int32, (MB, ncand), 1)
    mfull = jnp.min(d2, axis=1, keepdims=True)
    nearest = jnp.min(jnp.where(d2 <= mfull, iota, BIGI), axis=1, keepdims=True)
    cur = jnp.where(d2 <= r2, d2, BIGF)
    for k in range(NS):
        m = jnp.min(cur, axis=1, keepdims=True)
        a = jnp.min(jnp.where(cur <= m, iota, BIGI), axis=1, keepdims=True)
        o_ref[0, :, k:k + 1] = jnp.where(m < BIGF, a, nearest)
        cur = jnp.where(iota == a, BIGF, cur)


def _ball_select(q, st, radius, ncand):
    return pl.pallas_call(
        functools.partial(_select_body, ncand, radius * radius),
        grid=(B, M // MB),
        in_specs=[
            pl.BlockSpec((1, MB, 3), lambda b, i: (b, i, 0)),
            pl.BlockSpec((1, 3, ncand), lambda b, i: (b, 0, 0)),
        ],
        out_specs=pl.BlockSpec((1, MB, NS), lambda b, i: (b, i, 0)),
        out_shape=jax.ShapeDtypeStruct((B, M, NS), jnp.int32),
    )(q, st)


def _sample_idx():
    skey = jax.random.key(42)
    return jnp.stack([
        jax.random.choice(jax.random.fold_in(skey, i), N, shape=(M,), replace=False)
        for i in range(B)
    ])


def kernel(p, f, w_stem, b_stem, w_sa, g_sa, b_sa, w_la, g_la, b_la,
           w_pw1, g_pw1, b_pw1, w_pw2, g_pw2, b_pw2):
    f0 = _stem(jnp.transpose(f, (0, 2, 1)), w_stem.T, b_stem[None, :])

    idx_s = _sample_idx()
    new_p = jax.vmap(lambda pb, ib: pb[ib])(p, idx_s)

    tab = jnp.pad(f0.reshape(B * N, WIDTH), ((0, 0), (0, WIDTH)))
    nb, dp, xf = _sc_ball(new_p, p, R1, N, tab=tab, feat_dim=2 * WIDTH)

    wf_pad = jnp.pad(w_sa[:, 3:].T, ((0, WIDTH), (0, 0)))
    f1 = _stage1(dp, xf, w_sa[:, :3].T, wf_pad,
                 g_sa[None, :], b_sa[None, :])

    nb2, dp2 = _sc_ball(new_p, new_p, R2, M)
    gidx2 = (nb2 + jnp.arange(B, dtype=jnp.int32)[:, None, None] * M).reshape(-1)
    xf2 = _make_sc_rowgather(OUT)(gidx2, f1.reshape(B * M, OUT))
    xf2 = xf2.reshape(B, M, NS, OUT)

    out = _stage2(dp2, xf2, f1, w_la[:, :3].T, w_la[:, 3:].T,
                  g_la[None, :], b_la[None, :],
                  w_pw1.T, g_pw1[None, :], b_pw1[None, :],
                  w_pw2.T, g_pw2[None, :], b_pw2[None, :])
    return jnp.transpose(out, (0, 2, 1))

# --- scband reference (transcript-rebuilt; emitter-appended) ---
"""Pipeline reference for scband-point-next-lang-hierachical-encoder-64510408786140 (READ-ONLY COPY).

The authoritative reference and input builder live on the scoring server;
editing this copy changes nothing except your own understanding.
"""

import jax, jax.numpy as jnp
import numpy as np

B = 2; N = 8192; CIN = 4; WIDTH = 64; OUT = 128; STRIDE = 4; NS = 32; R1 = 0.1; R2 = 0.2; MID = 512


def setup_inputs(seed: int = 0) -> dict:
    key = jax.random.key(seed)
    ks = jax.random.split(key, 8)
    def w(k, shape):
        return jax.random.normal(k, shape, dtype=jnp.float32) / np.sqrt(shape[-1])
    return {
        'p': jax.random.uniform(ks[0], (B, N, 3), dtype=jnp.float32),
        'f': jax.random.normal(ks[1], (B, CIN, N), dtype=jnp.float32),
        'w_stem': w(ks[2], (WIDTH, CIN)),
        'b_stem': jnp.zeros((WIDTH,), jnp.float32),
        'w_sa': w(ks[3], (OUT, WIDTH + 3)),
        'g_sa': jnp.ones((OUT,), jnp.float32),
        'b_sa': jnp.zeros((OUT,), jnp.float32),
        'w_la': w(ks[4], (OUT, OUT + 3)),
        'g_la': jnp.ones((OUT,), jnp.float32),
        'b_la': jnp.zeros((OUT,), jnp.float32),
        'w_pw1': w(ks[5], (MID, OUT)),
        'g_pw1': jnp.ones((MID,), jnp.float32),
        'b_pw1': jnp.zeros((MID,), jnp.float32),
        'w_pw2': w(ks[6], (OUT, MID)),
        'g_pw2': jnp.ones((OUT,), jnp.float32),
        'b_pw2': jnp.zeros((OUT,), jnp.float32),
    }


def reference(p, f, w_stem, b_stem, w_sa, g_sa, b_sa, w_la, g_la, b_la, w_pw1, g_pw1, b_pw1, w_pw2, g_pw2, b_pw2):
    relu = jax.nn.relu
    def conv1d(x, W):
        return jnp.einsum('oc,bcn->bon', W, x)
    def conv2d(x, W):
        return jnp.einsum('oc,bcmk->bomk', W, x)
    def bn1(x, g, b):
        return x * g[None, :, None] + b[None, :, None]
    def bn2(x, g, b):
        return x * g[None, :, None, None] + b[None, :, None, None]
    def ball_query(q, s, radius, k):
        d2 = jnp.sum(q * q, -1)[:, :, None] + jnp.sum(s * s, -1)[:, None, :] - 2.0 * jnp.einsum('bmd,bnd->bmn', q, s)
        d2 = jax.lax.stop_gradient(d2)
        neg, idx = jax.lax.top_k(-d2, k)
        within = (-neg) <= radius * radius
        return jnp.where(within, idx, idx[:, :, :1])
    def gather_feat(feat, idx):
        return jax.vmap(lambda fb, ib: fb[:, ib])(feat, idx)
    def gather_pts(pts, idx):
        return jax.vmap(lambda pb, ib: pb[ib])(pts, idx)
    # stem (is_head SetAbstraction): plain pointwise conv, no norm/act on last layer
    f0 = conv1d(f, w_stem) + b_stem[None, :, None]
    # SetAbstraction stage: random sampling (sampler='random'), stride 4
    M = N // STRIDE
    skey = jax.random.key(42)
    idx_s = jnp.stack([jax.random.choice(jax.random.fold_in(skey, i), N, shape=(M,), replace=False) for i in range(B)])
    new_p = gather_pts(p, idx_s)
    nb = ball_query(new_p, p, R1, NS)
    pj = gather_pts(p, nb)
    dp = jnp.transpose(pj - new_p[:, :, None, :], (0, 3, 1, 2))
    fj = jnp.concatenate([dp, gather_feat(f0, nb)], axis=1)
    f1 = jnp.max(relu(bn2(conv2d(fj, w_sa), g_sa, b_sa)), axis=-1)
    # InvResMLP block: LocalAggregation (dp_fj, max) + pwconv [128,512,128] + residual
    identity = f1
    nb2 = ball_query(new_p, new_p, R2, NS)
    pj2 = gather_pts(new_p, nb2)
    dp2 = jnp.transpose(pj2 - new_p[:, :, None, :], (0, 3, 1, 2))
    fj2 = jnp.concatenate([dp2, gather_feat(f1, nb2)], axis=1)
    f2 = jnp.max(relu(bn2(conv2d(fj2, w_la), g_la, b_la)), axis=-1)
    f2 = relu(bn1(conv1d(f2, w_pw1), g_pw1, b_pw1))
    f2 = bn1(conv1d(f2, w_pw2), g_pw2, b_pw2)
    return relu(f2 + identity)

if __name__ == "__main__":
    import jax
    _d = setup_inputs()
    print(jax.jit(kernel)(*tuple(_d.values())))

</pallas_src>

<mosaic_0001>
#map = affine_map<(d0, d1) -> (0)>
#map1 = affine_map<(d0, d1) -> (0, 0)>
module attributes {stable_mosaic.version = 14 : i64} {
  func.func @k(%arg0: i32, %arg1: i32, %arg2: memref<131072xi32, #tpu.memory_space<hbm>>, %arg3: memref<4096x128xf32, #tpu.memory_space<hbm>>, %arg4: memref<131072x128xf32, #tpu.memory_space<hbm>>, %arg5: memref<4096xi32, #tpu.memory_space<vmem>>, %arg6: memref<32x128xf32, #tpu.memory_space<vmem>>, %arg7: memref<!tpu.dma_semaphore, #tpu.memory_space<semaphore_mem>>) attributes {dimension_semantics = [#tpu.dimension_semantics<core_parallel>, #tpu.dimension_semantics<subcore_parallel>], iteration_bounds = array<i64: 2, 16>, scalar_prefetch = 0 : i64, scratch_operands = 3 : i64, tpu.core_type = #tpu.core_type<sc_vector_subcore>, window_params = [{transform_indices = #map}, {transform_indices = #map1}, {transform_indices = #map1}]} {
    %mul3A = arith.constant 2 : i32
    %mul3A_0 = arith.muli %arg1, %mul3A : i32
    %add3A = arith.addi %mul3A_0, %arg0 : i32
    %mul3A_1 = arith.constant 4096 : i32
    %mul3A_2 = arith.muli %add3A, %mul3A_1 : i32
    "tpu.region"() ({
      %run_scoped3A = tpu.sem_alloc : memref<!tpu.dma_semaphore, #tpu.memory_space<semaphore_mem>>
      %dma_start3A = tpu.memref_slice %arg2[%mul3A_2] : memref<131072xi32, #tpu.memory_space<hbm>> -> memref<4096xi32, #tpu.memory_space<hbm>>
      %dma_start3A_9 = tpu.memref_slice %arg2[%mul3A_2] : memref<131072xi32, #tpu.memory_space<hbm>> -> memref<4096xi32, #tpu.memory_space<hbm>>
      tpu.enqueue_dma source(%dma_start3A_9 : memref<4096xi32, #tpu.memory_space<hbm>>) target(%arg5 : memref<4096xi32, #tpu.memory_space<vmem>>) target_semaphore(%run_scoped3A : memref<!tpu.dma_semaphore, #tpu.memory_space<semaphore_mem>>)
      %dma_wait3A = tpu.memref_slice %arg2[%mul3A_2] : memref<131072xi32, #tpu.memory_space<hbm>> -> memref<4096xi32, #tpu.memory_space<hbm>>
      %dma_wait3A_10 = tpu.memref_slice %arg2[%mul3A_2] : memref<131072xi32, #tpu.memory_space<hbm>> -> memref<4096xi32, #tpu.memory_space<hbm>>
      tpu.wait_dma2 semaphore(%run_scoped3A : memref<!tpu.dma_semaphore, #tpu.memory_space<semaphore_mem>>) src(%dma_wait3A_10 : memref<4096xi32, #tpu.memory_space<hbm>>) dst(%arg5 : memref<4096xi32, #tpu.memory_space<vmem>>)
      tpu.yield
    }) : () -> ()
    %scan3A = arith.constant 0 : i32
    %scan3A_3 = arith.constant 0 : i32
    %scan3A_4 = arith.constant 128 : i32
    %scan3A_5 = arith.addi %scan3A_3, %scan3A_4 : i32
    %scan3A_6 = arith.constant 1 : i32
    %scan3A_7 = scf.for %scan3A_9 = %scan3A_3 to %scan3A_5 step %scan3A_6 iter_args(%scan3A_10 = %scan3A) -> (i32)  : i32 {
      %mul3A_11 = arith.constant 32 : i32
      %mul3A_12 = arith.muli %scan3A_9, %mul3A_11 : i32
      %dma_start3A = tpu.memref_slice %arg5[%mul3A_12] : memref<4096xi32, #tpu.memory_space<vmem>> -> memref<32xi32, #tpu.memory_space<vmem>>
      %dma_start3A_13 = arith.constant 0 : i32
      %dma_start3A_14 = arith.constant 0 : i32
      %dma_start3A_15 = tpu.memref_slice %arg3[%dma_start3A_13, %dma_start3A_14] : memref<4096x128xf32, #tpu.memory_space<hbm>> -> memref<4096x128xf32, #tpu.memory_space<hbm>>
      tpu.enqueue_indirect_dma source(%dma_start3A_15 : memref<4096x128xf32, #tpu.memory_space<hbm>>) target(%arg6 : memref<32x128xf32, #tpu.memory_space<vmem>>) offsets(%dma_start3A : memref<32xi32, #tpu.memory_space<vmem>>) semaphore(%arg7 : memref<!tpu.dma_semaphore, #tpu.memory_space<semaphore_mem>>)
      %dma_wait3A = tpu.memref_slice %arg5[%mul3A_12] : memref<4096xi32, #tpu.memory_space<vmem>> -> memref<32xi32, #tpu.memory_space<vmem>>
      %dma_wait3A_16 = arith.constant 0 : i32
      %dma_wait3A_17 = arith.constant 0 : i32
      %dma_wait3A_18 = tpu.memref_slice %arg3[%dma_wait3A_16, %dma_wait3A_17] : memref<4096x128xf32, #tpu.memory_space<hbm>> -> memref<4096x128xf32, #tpu.memory_space<hbm>>
      tpu.wait_indirect_dma semaphore(%arg7 : memref<!tpu.dma_semaphore, #tpu.memory_space<semaphore_mem>>) src(%dma_wait3A_18 : memref<4096x128xf32, #tpu.memory_space<hbm>>) dst(%arg6 : memref<32x128xf32, #tpu.memory_space<vmem>>)
      %mul3A_19 = arith.constant 32 : i32
      %mul3A_20 = arith.muli %scan3A_9, %mul3A_19 : i32
      %add3A_21 = arith.addi %mul3A_2, %mul3A_20 : i32
      "tpu.region"() ({
        %run_scoped3A = tpu.sem_alloc : memref<!tpu.dma_semaphore, #tpu.memory_space<semaphore_mem>>
        %dma_start3A_23 = arith.constant 0 : i32
        %dma_start3A_24 = tpu.memref_slice %arg4[%add3A_21, %dma_start3A_23] : memref<131072x128xf32, #tpu.memory_space<hbm>> -> memref<32x128xf32, #tpu.memory_space<hbm>>
        %dma_start3A_25 = arith.constant 0 : i32
        %dma_start3A_26 = tpu.memref_slice %arg4[%add3A_21, %dma_start3A_25] : memref<131072x128xf32, #tpu.memory_space<hbm>> -> memref<32x128xf32, #tpu.memory_space<hbm>>
        tpu.enqueue_dma source(%arg6 : memref<32x128xf32, #tpu.memory_space<vmem>>) target(%dma_start3A_26 : memref<32x128xf32, #tpu.memory_space<hbm>>) target_semaphore(%run_scoped3A : memref<!tpu.dma_semaphore, #tpu.memory_space<semaphore_mem>>)
        %dma_wait3A_27 = arith.constant 0 : i32
        %dma_wait3A_28 = tpu.memref_slice %arg4[%add3A_21, %dma_wait3A_27] : memref<131072x128xf32, #tpu.memory_space<hbm>> -> memref<32x128xf32, #tpu.memory_space<hbm>>
        %dma_wait3A_29 = arith.constant 0 : i32
        %dma_wait3A_30 = tpu.memref_slice %arg4[%add3A_21, %dma_wait3A_29] : memref<131072x128xf32, #tpu.memory_space<hbm>> -> memref<32x128xf32, #tpu.memory_space<hbm>>
        tpu.wait_dma2 semaphore(%run_scoped3A : memref<!tpu.dma_semaphore, #tpu.memory_space<semaphore_mem>>) src(%arg6 : memref<32x128xf32, #tpu.memory_space<vmem>>) dst(%dma_wait3A_30 : memref<32x128xf32, #tpu.memory_space<hbm>>)
        tpu.yield
      }) : () -> ()
      %scan3A_22 = arith.constant 0 : i32
      scf.yield %scan3A_22 : i32
    }
    %scan3A_8 = arith.constant 128 : i32
    return
  }
}

#map = affine_map<(d0, d1) -> (0, 0)>
#map1 = affine_map<(d0, d1) -> (0)>
module attributes {stable_mosaic.version = 14 : i64} {
  func.func @k(%arg0: i32, %arg1: i32, %arg2: memref<2x8192xf32, #tpu.memory_space<hbm>>, %arg3: memref<2x8192xf32, #tpu.memory_space<hbm>>, %arg4: memref<2x8192xf32, #tpu.memory_space<hbm>>, %arg5: memref<4096xf32, #tpu.memory_space<hbm>>, %arg6: memref<4096xf32, #tpu.memory_space<hbm>>, %arg7: memref<4096xf32, #tpu.memory_space<hbm>>, %arg8: memref<16384x128xf32, #tpu.memory_space<hbm>>, %arg9: memref<131072xi32, #tpu.memory_space<hbm>>, %arg10: memref<131072xf32, #tpu.memory_space<hbm>>, %arg11: memref<131072xf32, #tpu.memory_space<hbm>>, %arg12: memref<131072xf32, #tpu.memory_space<hbm>>, %arg13: memref<131072x128xf32, #tpu.memory_space<hbm>>, %arg14: memref<8192xf32, #tpu.memory_space<vmem>>, %arg15: memref<8192xf32, #tpu.memory_space<vmem>>, %arg16: memref<8192xf32, #tpu.memory_space<vmem>>, %arg17: memref<8192xf32, #tpu.memory_space<vmem>>, %arg18: memref<8192xf32, #tpu.memory_space<vmem>>, %arg19: memref<8192xf32, #tpu.memory_space<vmem>>, %arg20: memref<128xf32, #tpu.memory_space<vmem>>, %arg21: memref<128xf32, #tpu.memory_space<vmem>>, %arg22: memref<128xf32, #tpu.memory_space<vmem>>, %arg23: memref<512xf32, #tpu.memory_space<vmem>>, %arg24: memref<512xi32, #tpu.memory_space<vmem>>, %arg25: memref<4096xi32, #tpu.memory_space<vmem>>, %arg26: memref<4096xf32, #tpu.memory_space<vmem>>, %arg27: memref<4096xf32, #tpu.memory_space<vmem>>, %arg28: memref<4096xf32, #tpu.memory_space<vmem>>, %arg29: memref<8192xf32, #tpu.memory_space<vmem>>, %arg30: memref<32xi32, #tpu.memory_space<vmem>>, %arg31: memref<32x128xf32, #tpu.memory_space<vmem>>, %arg32: memref<!tpu.dma_semaphore, #tpu.memory_space<semaphore_mem>>) attributes {dimension_semantics = [#tpu.dimension_semantics<core_parallel>, #tpu.dimension_semantics<subcore_parallel>], iteration_bounds = array<i64: 2, 16>, scalar_prefetch = 0 : i64, scratch_operands = 19 : i64, tpu.core_type = #tpu.core_type<sc_vector_subcore>, window_params = [{transform_indices = #map}, {transform_indices = #map}, {transform_indices = #map}, {transform_indices = #map1}, {transform_indices = #map1}, {transform_indices = #map1}, {transform_indices = #map}, {transform_indices = #map1}, {transform_indices = #map1}, {transform_indices = #map1}, {transform_indices = #map1}, {transform_indices = #map}]} {
    %mul3A = arith.constant 2 : i32
    %mul3A_0 = arith.muli %arg1, %mul3A : i32
    %add3A = arith.addi %mul3A_0, %arg0 : i32
    %jit3A = arith.constant 16 : i32
    %div3A = arith.divsi %add3A, %jit3A : i32
    %sign3A = arith.constant 0 : i32
    %sign3A_1 = arith.cmpi sgt, %add3A, %sign3A : i32
    %sign3A_2 = arith.extui %sign3A_1 : i1 to i32
    %sign3A_3 = arith.constant 0 : i32
    %sign3A_4 = arith.cmpi slt, %add3A, %sign3A_3 : i32
    %sign3A_5 = arith.extui %sign3A_4 : i1 to i32
    %sign3A_6 = arith.subi %sign3A_2, %sign3A_5 : i32
    %sign3A_7 = arith.constant 0 : i32
    %sign3A_8 = arith.cmpi sgt, %jit3A, %sign3A_7 : i32
    %sign3A_9 = arith.extui %sign3A_8 : i1 to i32
    %sign3A_10 = arith.constant 0 : i32
    %sign3A_11 = arith.cmpi slt, %jit3A, %sign3A_10 : i32
    %sign3A_12 = arith.extui %sign3A_11 : i1 to i32
    %sign3A_13 = arith.subi %sign3A_9, %sign3A_12 : i32
    %ne3A = arith.cmpi ne, %sign3A_6, %sign3A_13 : i32
    %rem3A = arith.remsi %add3A, %jit3A : i32
    %ne3A_14 = arith.constant 0 : i32
    %ne3A_15 = arith.cmpi ne, %rem3A, %ne3A_14 : i32
    %and3A = arith.andi %ne3A, %ne3A_15 : i1
    %sub3A = arith.constant 1 : i32
    %sub3A_16 = arith.subi %div3A, %sub3A : i32
    %select_n3A = arith.select %and3A, %sub3A_16, %div3A : i32
    "tpu.region"() ({
      %run_scoped3A = tpu.sem_alloc : memref<!tpu.dma_semaphore, #tpu.memory_space<semaphore_mem>>
      %dma_start3A = arith.constant 0 : i32
      %dma_start3A_43 = tpu.memref_slice %arg2[%select_n3A, %dma_start3A] : memref<2x8192xf32, #tpu.memory_space<hbm>> -> memref<1x8192xf32, #tpu.memory_space<hbm>>
      %dma_start3A_44 = tpu.memref_squeeze %dma_start3A_43 : memref<1x8192xf32, #tpu.memory_space<hbm>> -> memref<8192xf32, #tpu.memory_space<hbm>>
      %dma_start3A_45 = arith.constant 0 : i32
      %dma_start3A_46 = tpu.memref_slice %arg2[%select_n3A, %dma_start3A_45] : memref<2x8192xf32, #tpu.memory_space<hbm>> -> memref<1x8192xf32, #tpu.memory_space<hbm>>
      %dma_start3A_47 = tpu.memref_squeeze %dma_start3A_46 : memref<1x8192xf32, #tpu.memory_space<hbm>> -> memref<8192xf32, #tpu.memory_space<hbm>>
      tpu.enqueue_dma source(%dma_start3A_47 : memref<8192xf32, #tpu.memory_space<hbm>>) target(%arg14 : memref<8192xf32, #tpu.memory_space<vmem>>) target_semaphore(%run_scoped3A : memref<!tpu.dma_semaphore, #tpu.memory_space<semaphore_mem>>)
      %dma_wait3A = arith.constant 0 : i32
      %dma_wait3A_48 = tpu.memref_slice %arg2[%select_n3A, %dma_wait3A] : memref<2x8192xf32, #tpu.memory_space<hbm>> -> memref<1x8192xf32, #tpu.memory_space<hbm>>
      %dma_wait3A_49 = tpu.memref_squeeze %dma_wait3A_48 : memref<1x8192xf32, #tpu.memory_space<hbm>> -> memref<8192xf32, #tpu.memory_space<hbm>>
      %dma_wait3A_50 = arith.constant 0 : i32
      %dma_wait3A_51 = tpu.memref_slice %arg2[%select_n3A, %dma_wait3A_50] : memref<2x8192xf32, #tpu.memory_space<hbm>> -> memref<1x8192xf32, #tpu.memory_space<hbm>>
      %dma_wait3A_52 = tpu.memref_squeeze %dma_wait3A_51 : memref<1x8192xf32, #tpu.memory_space<hbm>> -> memref<8192xf32, #tpu.memory_space<hbm>>
      tpu.wait_dma2 semaphore(%run_scoped3A : memref<!tpu.dma_semaphore, #tpu.memory_space<semaphore_mem>>) src(%dma_wait3A_52 : memref<8192xf32, #tpu.memory_space<hbm>>) dst(%arg14 : memref<8192xf32, #tpu.memory_space<vmem>>)
      tpu.yield
    }) : () -> ()
    "tpu.region"() ({
      %run_scoped3A = tpu.sem_alloc : memref<!tpu.dma_semaphore, #tpu.memory_space<semaphore_mem>>
      %dma_start3A = arith.constant 0 : i32
      %dma_start3A_43 = tpu.memref_slice %arg3[%select_n3A, %dma_start3A] : memref<2x8192xf32, #tpu.memory_space<hbm>> -> memref<1x8192xf32, #tpu.memory_space<hbm>>
      %dma_start3A_44 = tpu.memref_squeeze %dma_start3A_43 : memref<1x8192xf32, #tpu.memory_space<hbm>> -> memref<8192xf32, #tpu.memory_space<hbm>>
      %dma_start3A_45 = arith.constant 0 : i32
      %dma_start3A_46 = tpu.memref_slice %arg3[%select_n3A, %dma_start3A_45] : memref<2x8192xf32, #tpu.memory_space<hbm>> -> memref<1x8192xf32, #tpu.memory_space<hbm>>
      %dma_start3A_47 = tpu.memref_squeeze %dma_start3A_46 : memref<1x8192xf32, #tpu.memory_space<hbm>> -> memref<8192xf32, #tpu.memory_space<hbm>>
      tpu.enqueue_dma source(%dma_start3A_47 : memref<8192xf32, #tpu.memory_space<hbm>>) target(%arg15 : memref<8192xf32, #tpu.memory_space<vmem>>) target_semaphore(%run_scoped3A : memref<!tpu.dma_semaphore, #tpu.memory_space<semaphore_mem>>)
      %dma_wait3A = arith.constant 0 : i32
      %dma_wait3A_48 = tpu.memref_slice %arg3[%select_n3A, %dma_wait3A] : memref<2x8192xf32, #tpu.memory_space<hbm>> -> memref<1x8192xf32, #tpu.memory_space<hbm>>
      %dma_wait3A_49 = tpu.memref_squeeze %dma_wait3A_48 : memref<1x8192xf32, #tpu.memory_space<hbm>> -> memref<8192xf32, #tpu.memory_space<hbm>>
      %dma_wait3A_50 = arith.constant 0 : i32
      %dma_wait3A_51 = tpu.memref_slice %arg3[%select_n3A, %dma_wait3A_50] : memref<2x8192xf32, #tpu.memory_space<hbm>> -> memref<1x8192xf32, #tpu.memory_space<hbm>>
      %dma_wait3A_52 = tpu.memref_squeeze %dma_wait3A_51 : memref<1x8192xf32, #tpu.memory_space<hbm>> -> memref<8192xf32, #tpu.memory_space<hbm>>
      tpu.wait_dma2 semaphore(%run_scoped3A : memref<!tpu.dma_semaphore, #tpu.memory_space<semaphore_mem>>) src(%dma_wait3A_52 : memref<8192xf32, #tpu.memory_space<hbm>>) dst(%arg15 : memref<8192xf32, #tpu.memory_space<vmem>>)
      tpu.yield
    }) : () -> ()
    "tpu.region"() ({
      %run_scoped3A = tpu.sem_alloc : memref<!tpu.dma_semaphore, #tpu.memory_space<semaphore_mem>>
      %dma_start3A = arith.constant 0 : i32
      %dma_start3A_43 = tpu.memref_slice %arg4[%select_n3A, %dma_start3A] : memref<2x8192xf32, #tpu.memory_space<hbm>> -> memref<1x8192xf32, #tpu.memory_space<hbm>>
      %dma_start3A_44 = tpu.memref_squeeze %dma_start3A_43 : memref<1x8192xf32, #tpu.memory_space<hbm>> -> memref<8192xf32, #tpu.memory_space<hbm>>
      %dma_start3A_45 = arith.constant 0 : i32
      %dma_start3A_46 = tpu.memref_slice %arg4[%select_n3A, %dma_start3A_45] : memref<2x8192xf32, #tpu.memory_space<hbm>> -> memref<1x8192xf32, #tpu.memory_space<hbm>>
      %dma_start3A_47 = tpu.memref_squeeze %dma_start3A_46 : memref<1x8192xf32, #tpu.memory_space<hbm>> -> memref<8192xf32, #tpu.memory_space<hbm>>
      tpu.enqueue_dma source(%dma_start3A_47 : memref<8192xf32, #tpu.memory_space<hbm>>) target(%arg16 : memref<8192xf32, #tpu.memory_space<vmem>>) target_semaphore(%run_scoped3A : memref<!tpu.dma_semaphore, #tpu.memory_space<semaphore_mem>>)
      %dma_wait3A = arith.constant 0 : i32
      %dma_wait3A_48 = tpu.memref_slice %arg4[%select_n3A, %dma_wait3A] : memref<2x8192xf32, #tpu.memory_space<hbm>> -> memref<1x8192xf32, #tpu.memory_space<hbm>>
      %dma_wait3A_49 = tpu.memref_squeeze %dma_wait3A_48 : memref<1x8192xf32, #tpu.memory_space<hbm>> -> memref<8192xf32, #tpu.memory_space<hbm>>
      %dma_wait3A_50 = arith.constant 0 : i32
      %dma_wait3A_51 = tpu.memref_slice %arg4[%select_n3A, %dma_wait3A_50] : memref<2x8192xf32, #tpu.memory_space<hbm>> -> memref<1x8192xf32, #tpu.memory_space<hbm>>
      %dma_wait3A_52 = tpu.memref_squeeze %dma_wait3A_51 : memref<1x8192xf32, #tpu.memory_space<hbm>> -> memref<8192xf32, #tpu.memory_space<hbm>>
      tpu.wait_dma2 semaphore(%run_scoped3A : memref<!tpu.dma_semaphore, #tpu.memory_space<semaphore_mem>>) src(%dma_wait3A_52 : memref<8192xf32, #tpu.memory_space<hbm>>) dst(%arg16 : memref<8192xf32, #tpu.memory_space<vmem>>)
      tpu.yield
    }) : () -> ()
    %mul3A_17 = arith.constant 128 : i32
    %mul3A_18 = arith.muli %add3A, %mul3A_17 : i32
    "tpu.region"() ({
      %run_scoped3A = tpu.sem_alloc : memref<!tpu.dma_semaphore, #tpu.memory_space<semaphore_mem>>
      %dma_start3A = tpu.memref_slice %arg5[%mul3A_18] : memref<4096xf32, #tpu.memory_space<hbm>> -> memref<128xf32, #tpu.memory_space<hbm>>
      %dma_start3A_43 = tpu.memref_slice %arg5[%mul3A_18] : memref<4096xf32, #tpu.memory_space<hbm>> -> memref<128xf32, #tpu.memory_space<hbm>>
      tpu.enqueue_dma source(%dma_start3A_43 : memref<128xf32, #tpu.memory_space<hbm>>) target(%arg20 : memref<128xf32, #tpu.memory_space<vmem>>) target_semaphore(%run_scoped3A : memref<!tpu.dma_semaphore, #tpu.memory_space<semaphore_mem>>)
      %dma_wait3A = tpu.memref_slice %arg5[%mul3A_18] : memref<4096xf32, #tpu.memory_space<hbm>> -> memref<128xf32, #tpu.memory_space<hbm>>
      %dma_wait3A_44 = tpu.memref_slice %arg5[%mul3A_18] : memref<4096xf32, #tpu.memory_space<hbm>> -> memref<128xf32, #tpu.memory_space<hbm>>
      tpu.wait_dma2 semaphore(%run_scoped3A : memref<!tpu.dma_semaphore, #tpu.memory_space<semaphore_mem>>) src(%dma_wait3A_44 : memref<128xf32, #tpu.memory_space<hbm>>) dst(%arg20 : memref<128xf32, #tpu.memory_space<vmem>>)
      tpu.yield
    }) : () -> ()
    "tpu.region"() ({
      %run_scoped3A = tpu.sem_alloc : memref<!tpu.dma_semaphore, #tpu.memory_space<semaphore_mem>>
      %dma_start3A = tpu.memref_slice %arg6[%mul3A_18] : memref<4096xf32, #tpu.memory_space<hbm>> -> memref<128xf32, #tpu.memory_space<hbm>>
      %dma_start3A_43 = tpu.memref_slice %arg6[%mul3A_18] : memref<4096xf32, #tpu.memory_space<hbm>> -> memref<128xf32, #tpu.memory_space<hbm>>
      tpu.enqueue_dma source(%dma_start3A_43 : memref<128xf32, #tpu.memory_space<hbm>>) target(%arg21 : memref<128xf32, #tpu.memory_space<vmem>>) target_semaphore(%run_scoped3A : memref<!tpu.dma_semaphore, #tpu.memory_space<semaphore_mem>>)
      %dma_wait3A = tpu.memref_slice %arg6[%mul3A_18] : memref<4096xf32, #tpu.memory_space<hbm>> -> memref<128xf32, #tpu.memory_space<hbm>>
      %dma_wait3A_44 = tpu.memref_slice %arg6[%mul3A_18] : memref<4096xf32, #tpu.memory_space<hbm>> -> memref<128xf32, #tpu.memory_space<hbm>>
      tpu.wait_dma2 semaphore(%run_scoped3A : memref<!tpu.dma_semaphore, #tpu.memory_space<semaphore_mem>>) src(%dma_wait3A_44 : memref<128xf32, #tpu.memory_space<hbm>>) dst(%arg21 : memref<128xf32, #tpu.memory_space<vmem>>)
      tpu.yield
    }) : () -> ()
    "tpu.region"() ({
      %run_scoped3A = tpu.sem_alloc : memref<!tpu.dma_semaphore, #tpu.memory_space<semaphore_mem>>
      %dma_start3A = tpu.memref_slice %arg7[%mul3A_18] : memref<4096xf32, #tpu.memory_space<hbm>> -> memref<128xf32, #tpu.memory_space<hbm>>
      %dma_start3A_43 = tpu.memref_slice %arg7[%mul3A_18] : memref<4096xf32, #tpu.memory_space<hbm>> -> memref<128xf32, #tpu.memory_space<hbm>>
      tpu.enqueue_dma source(%dma_start3A_43 : memref<128xf32, #tpu.memory_space<hbm>>) target(%arg22 : memref<128xf32, #tpu.memory_space<vmem>>) target_semaphore(%run_scoped3A : memref<!tpu.dma_semaphore, #tpu.memory_space<semaphore_mem>>)
      %dma_wait3A = tpu.memref_slice %arg7[%mul3A_18] : memref<4096xf32, #tpu.memory_space<hbm>> -> memref<128xf32, #tpu.memory_space<hbm>>
      %dma_wait3A_44 = tpu.memref_slice %arg7[%mul3A_18] : memref<4096xf32, #tpu.memory_space<hbm>> -> memref<128xf32, #tpu.memory_space<hbm>>
      tpu.wait_dma2 semaphore(%run_scoped3A : memref<!tpu.dma_semaphore, #tpu.memory_space<semaphore_mem>>) src(%dma_wait3A_44 : memref<128xf32, #tpu.memory_space<hbm>>) dst(%arg22 : memref<128xf32, #tpu.memory_space<vmem>>)
      tpu.yield
    }) : () -> ()
    %iota3A = tpu.iota {dimensions = array<i32: 0>} : vector<16xi32>
    %broadcast_in_dim3A = arith.constant 0 : i32
    %broadcast_in_dim3A_19 = vector.broadcast %broadcast_in_dim3A : i32 to vector<16xi32>
    %broadcast_in_dim3A_20 = arith.constant 1.000000e+30 : f32
    %broadcast_in_dim3A_21 = vector.broadcast %broadcast_in_dim3A_20 : f32 to vector<16xf32>
    %scan3A = arith.constant 0 : i32
    %scan3A_22 = arith.constant 0 : i32
    %scan3A_23 = arith.constant 512 : i32
    %scan3A_24 = arith.addi %scan3A_22, %scan3A_23 : i32
    %scan3A_25 = arith.constant 1 : i32
    %scan3A_26 = scf.for %scan3A_43 = %scan3A_22 to %scan3A_24 step %scan3A_25 iter_args(%scan3A_44 = %scan3A) -> (i32)  : i32 {
      %mul3A_45 = arith.constant 16 : i32
      %mul3A_46 = arith.muli %scan3A_43, %mul3A_45 : i32
      %get3A = arith.index_cast %mul3A_46 : i32 to index
      %get3A_47 = tpu.vector_load %arg14[%get3A] {strides = array<i32>} : memref<8192xf32, #tpu.memory_space<vmem>>, vector<16xf32>,
      %mul3A_48 = arith.constant 16 : i32
      %mul3A_49 = arith.muli %scan3A_43, %mul3A_48 : i32
      %get3A_50 = arith.index_cast %mul3A_49 : i32 to index
      %get3A_51 = tpu.vector_load %arg15[%get3A_50] {strides = array<i32>} : memref<8192xf32, #tpu.memory_space<vmem>>, vector<16xf32>,
      %mul3A_52 = arith.constant 16 : i32
      %mul3A_53 = arith.muli %scan3A_43, %mul3A_52 : i32
      %get3A_54 = arith.index_cast %mul3A_53 : i32 to index
      %get3A_55 = tpu.vector_load %arg16[%get3A_54] {strides = array<i32>} : memref<8192xf32, #tpu.memory_space<vmem>>, vector<16xf32>,
      %mul3A_56 = arith.mulf %get3A_47, %get3A_47 : vector<16xf32>
      %mul3A_57 = arith.mulf %get3A_51, %get3A_51 : vector<16xf32>
      %add3A_58 = arith.addf %mul3A_56, %mul3A_57 : vector<16xf32>
      %mul3A_59 = arith.mulf %get3A_55, %get3A_55 : vector<16xf32>
      %add3A_60 = arith.addf %add3A_58, %mul3A_59 : vector<16xf32>
      %mul3A_61 = arith.constant 16 : i32
      %mul3A_62 = arith.muli %scan3A_43, %mul3A_61 : i32
      %swap3A = arith.index_cast %mul3A_62 : i32 to index
      %swap3A_63 = tpu.vector_load %arg29[%swap3A] {strides = array<i32>} : memref<8192xf32, #tpu.memory_space<vmem>>, vector<16xf32>,
      tpu.vector_store %arg29[%swap3A], %add3A_60 {strides = array<i32>} : memref<8192xf32, #tpu.memory_space<vmem>>, vector<16xf32>,
      %bitcast3A = vector.bitcast %get3A_47 : vector<16xf32> to vector<16xi32>
      %add3A_64 = arith.constant 32767 : i32
      %add3A_65 = vector.broadcast %add3A_64 : i32 to vector<16xi32>
      %add3A_66 = arith.addi %bitcast3A, %add3A_65 : vector<16xi32>
      %shift_right_arithmetic3A = arith.constant 16 : i32
      %shift_right_arithmetic3A_67 = vector.broadcast %shift_right_arithmetic3A : i32 to vector<16xi32>
      %shift_right_arithmetic3A_68 = arith.shrsi %bitcast3A, %shift_right_arithmetic3A_67 : vector<16xi32>
      %and3A_69 = arith.constant 1 : i32
      %and3A_70 = vector.broadcast %and3A_69 : i32 to vector<16xi32>
      %and3A_71 = arith.andi %shift_right_arithmetic3A_68, %and3A_70 : vector<16xi32>
      %add3A_72 = arith.addi %add3A_66, %and3A_71 : vector<16xi32>
      %and3A_73 = arith.constant -65536 : i32
      %and3A_74 = vector.broadcast %and3A_73 : i32 to vector<16xi32>
      %and3A_75 = arith.andi %add3A_72, %and3A_74 : vector<16xi32>
      %bitcast3A_76 = vector.bitcast %and3A_75 : vector<16xi32> to vector<16xf32>
      %mul3A_77 = arith.constant 16 : i32
      %mul3A_78 = arith.muli %scan3A_43, %mul3A_77 : i32
      %swap3A_79 = arith.index_cast %mul3A_78 : i32 to index
      %swap3A_80 = tpu.vector_load %arg17[%swap3A_79] {strides = array<i32>} : memref<8192xf32, #tpu.memory_space<vmem>>, vector<16xf32>,
      tpu.vector_store %arg17[%swap3A_79], %bitcast3A_76 {strides = array<i32>} : memref<8192xf32, #tpu.memory_space<vmem>>, vector<16xf32>,
      %bitcast3A_81 = vector.bitcast %get3A_51 : vector<16xf32> to vector<16xi32>
      %add3A_82 = arith.constant 32767 : i32
      %add3A_83 = vector.broadcast %add3A_82 : i32 to vector<16xi32>
      %add3A_84 = arith.addi %bitcast3A_81, %add3A_83 : vector<16xi32>
      %shift_right_arithmetic3A_85 = arith.constant 16 : i32
      %shift_right_arithmetic3A_86 = vector.broadcast %shift_right_arithmetic3A_85 : i32 to vector<16xi32>
      %shift_right_arithmetic3A_87 = arith.shrsi %bitcast3A_81, %shift_right_arithmetic3A_86 : vector<16xi32>
      %and3A_88 = arith.constant 1 : i32
      %and3A_89 = vector.broadcast %and3A_88 : i32 to vector<16xi32>
      %and3A_90 = arith.andi %shift_right_arithmetic3A_87, %and3A_89 : vector<16xi32>
      %add3A_91 = arith.addi %add3A_84, %and3A_90 : vector<16xi32>
      %and3A_92 = arith.constant -65536 : i32
      %and3A_93 = vector.broadcast %and3A_92 : i32 to vector<16xi32>
      %and3A_94 = arith.andi %add3A_91, %and3A_93 : vector<16xi32>
      %bitcast3A_95 = vector.bitcast %and3A_94 : vector<16xi32> to vector<16xf32>
      %mul3A_96 = arith.constant 16 : i32
      %mul3A_97 = arith.muli %scan3A_43, %mul3A_96 : i32
      %swap3A_98 = arith.index_cast %mul3A_97 : i32 to index
      %swap3A_99 = tpu.vector_load %arg18[%swap3A_98] {strides = array<i32>} : memref<8192xf32, #tpu.memory_space<vmem>>, vector<16xf32>,
      tpu.vector_store %arg18[%swap3A_98], %bitcast3A_95 {strides = array<i32>} : memref<8192xf32, #tpu.memory_space<vmem>>, vector<16xf32>,
      %bitcast3A_100 = vector.bitcast %get3A_55 : vector<16xf32> to vector<16xi32>
      %add3A_101 = arith.constant 32767 : i32
      %add3A_102 = vector.broadcast %add3A_101 : i32 to vector<16xi32>
      %add3A_103 = arith.addi %bitcast3A_100, %add3A_102 : vector<16xi32>
      %shift_right_arithmetic3A_104 = arith.constant 16 : i32
      %shift_right_arithmetic3A_105 = vector.broadcast %shift_right_arithmetic3A_104 : i32 to vector<16xi32>
      %shift_right_arithmetic3A_106 = arith.shrsi %bitcast3A_100, %shift_right_arithmetic3A_105 : vector<16xi32>
      %and3A_107 = arith.constant 1 : i32
      %and3A_108 = vector.broadcast %and3A_107 : i32 to vector<16xi32>
      %and3A_109 = arith.andi %shift_right_arithmetic3A_106, %and3A_108 : vector<16xi32>
      %add3A_110 = arith.addi %add3A_103, %and3A_109 : vector<16xi32>
      %and3A_111 = arith.constant -65536 : i32
      %and3A_112 = vector.broadcast %and3A_111 : i32 to vector<16xi32>
      %and3A_113 = arith.andi %add3A_110, %and3A_112 : vector<16xi32>
      %bitcast3A_114 = vector.bitcast %and3A_113 : vector<16xi32> to vector<16xf32>
      %mul3A_115 = arith.constant 16 : i32
      %mul3A_116 = arith.muli %scan3A_43, %mul3A_115 : i32
      %swap3A_117 = arith.index_cast %mul3A_116 : i32 to index
      %swap3A_118 = tpu.vector_load %arg19[%swap3A_117] {strides = array<i32>} : memref<8192xf32, #tpu.memory_space<vmem>>, vector<16xf32>,
      tpu.vector_store %arg19[%swap3A_117], %bitcast3A_114 {strides = array<i32>} : memref<8192xf32, #tpu.memory_space<vmem>>, vector<16xf32>,
      %scan3A_119 = arith.constant 0 : i32
      scf.yield %scan3A_119 : i32
    }
    %scan3A_27 = arith.constant 512 : i32
    %scan3A_28 = arith.constant 0 : i32
    %scan3A_29 = arith.constant 0 : i32
    %scan3A_30 = arith.constant 128 : i32
    %scan3A_31 = arith.addi %scan3A_29, %scan3A_30 : i32
    %scan3A_32 = arith.constant 1 : i32
    %scan3A_33 = scf.for %scan3A_43 = %scan3A_29 to %scan3A_31 step %scan3A_32 iter_args(%scan3A_44 = %scan3A_28) -> (i32)  : i32 {
      %jit3A_45 = arith.constant 16 : i32
      %div3A_46 = arith.divsi %scan3A_43, %jit3A_45 : i32
      %sign3A_47 = arith.constant 0 : i32
      %sign3A_48 = arith.cmpi sgt, %scan3A_43, %sign3A_47 : i32
      %sign3A_49 = arith.extui %sign3A_48 : i1 to i32
      %sign3A_50 = arith.constant 0 : i32
      %sign3A_51 = arith.cmpi slt, %scan3A_43, %sign3A_50 : i32
      %sign3A_52 = arith.extui %sign3A_51 : i1 to i32
      %sign3A_53 = arith.subi %sign3A_49, %sign3A_52 : i32
      %sign3A_54 = arith.constant 0 : i32
      %sign3A_55 = arith.cmpi sgt, %jit3A_45, %sign3A_54 : i32
      %sign3A_56 = arith.extui %sign3A_55 : i1 to i32
      %sign3A_57 = arith.constant 0 : i32
      %sign3A_58 = arith.cmpi slt, %jit3A_45, %sign3A_57 : i32
      %sign3A_59 = arith.extui %sign3A_58 : i1 to i32
      %sign3A_60 = arith.subi %sign3A_56, %sign3A_59 : i32
      %ne3A_61 = arith.cmpi ne, %sign3A_53, %sign3A_60 : i32
      %rem3A_62 = arith.remsi %scan3A_43, %jit3A_45 : i32
      %ne3A_63 = arith.constant 0 : i32
      %ne3A_64 = arith.cmpi ne, %rem3A_62, %ne3A_63 : i32
      %and3A_65 = arith.andi %ne3A_61, %ne3A_64 : i1
      %sub3A_66 = arith.constant 1 : i32
      %sub3A_67 = arith.subi %div3A_46, %sub3A_66 : i32
      %select_n3A_68 = arith.select %and3A_65, %sub3A_67, %div3A_46 : i32
      %mul3A_69 = arith.constant 16 : i32
      %mul3A_70 = arith.muli %select_n3A_68, %mul3A_69 : i32
      %sub3A_71 = arith.subi %scan3A_43, %mul3A_70 : i32
      %add3A_72 = vector.broadcast %sub3A_71 : i32 to vector<16xi32>
      %add3A_73 = arith.addi %broadcast_in_dim3A_19, %add3A_72 : vector<16xi32>
      %get3A = arith.index_cast %mul3A_70 : i32 to index
      %get3A_74 = tpu.vector_load %arg20[%get3A] {strides = array<i32>} : memref<128xf32, #tpu.memory_space<vmem>>, vector<16xf32>,
      %lt3A = arith.constant 0 : i32
      %lt3A_75 = vector.broadcast %lt3A : i32 to vector<16xi32>
      %lt3A_76 = arith.cmpi slt, %add3A_73, %lt3A_75 : vector<16xi32>
      %add3A_77 = arith.constant 16 : i32
      %add3A_78 = vector.broadcast %add3A_77 : i32 to vector<16xi32>
      %add3A_79 = arith.addi %add3A_73, %add3A_78 : vector<16xi32>
      %select_n3A_80 = arith.select %lt3A_76, %add3A_79, %add3A_73 : vector<16xi1>, vector<16xi32>
      %broadcast_in_dim3A_81 = vector.shape_cast %select_n3A_80 : vector<16xi32> to vector<16x1xi32>
      %gather3A = vector.shape_cast %broadcast_in_dim3A_81 : vector<16x1xi32> to vector<16xi32>
      %gather3A_82 = tpu.dynamic_gather %get3A_74[%gather3A] in [0] : vector<16xf32>, vector<16xi32> -> vector<16xf32>
      %get3A_83 = arith.index_cast %mul3A_70 : i32 to index
      %get3A_84 = tpu.vector_load %arg21[%get3A_83] {strides = array<i32>} : memref<128xf32, #tpu.memory_space<vmem>>, vector<16xf32>,
      %lt3A_85 = arith.constant 0 : i32
      %lt3A_86 = vector.broadcast %lt3A_85 : i32 to vector<16xi32>
      %lt3A_87 = arith.cmpi slt, %add3A_73, %lt3A_86 : vector<16xi32>
      %add3A_88 = arith.constant 16 : i32
      %add3A_89 = vector.broadcast %add3A_88 : i32 to vector<16xi32>
      %add3A_90 = arith.addi %add3A_73, %add3A_89 : vector<16xi32>
      %select_n3A_91 = arith.select %lt3A_87, %add3A_90, %add3A_73 : vector<16xi1>, vector<16xi32>
      %broadcast_in_dim3A_92 = vector.shape_cast %select_n3A_91 : vector<16xi32> to vector<16x1xi32>
      %gather3A_93 = vector.shape_cast %broadcast_in_dim3A_92 : vector<16x1xi32> to vector<16xi32>
      %gather3A_94 = tpu.dynamic_gather %get3A_84[%gather3A_93] in [0] : vector<16xf32>, vector<16xi32> -> vector<16xf32>
      %get3A_95 = arith.index_cast %mul3A_70 : i32 to index
      %get3A_96 = tpu.vector_load %arg22[%get3A_95] {strides = array<i32>} : memref<128xf32, #tpu.memory_space<vmem>>, vector<16xf32>,
      %lt3A_97 = arith.constant 0 : i32
      %lt3A_98 = vector.broadcast %lt3A_97 : i32 to vector<16xi32>
      %lt3A_99 = arith.cmpi slt, %add3A_73, %lt3A_98 : vector<16xi32>
      %add3A_100 = arith.constant 16 : i32
      %add3A_101 = vector.broadcast %add3A_100 : i32 to vector<16xi32>
      %add3A_102 = arith.addi %add3A_73, %add3A_101 : vector<16xi32>
      %select_n3A_103 = arith.select %lt3A_99, %add3A_102, %add3A_73 : vector<16xi1>, vector<16xi32>
      %broadcast_in_dim3A_104 = vector.shape_cast %select_n3A_103 : vector<16xi32> to vector<16x1xi32>
      %gather3A_105 = vector.shape_cast %broadcast_in_dim3A_104 : vector<16x1xi32> to vector<16xi32>
      %gather3A_106 = tpu.dynamic_gather %get3A_96[%gather3A_105] in [0] : vector<16xf32>, vector<16xi32> -> vector<16xf32>
      %mul3A_107 = arith.mulf %gather3A_82, %gather3A_82 : vector<16xf32>
      %mul3A_108 = arith.mulf %gather3A_94, %gather3A_94 : vector<16xf32>
      %add3A_109 = arith.addf %mul3A_107, %mul3A_108 : vector<16xf32>
      %mul3A_110 = arith.mulf %gather3A_106, %gather3A_106 : vector<16xf32>
      %add3A_111 = arith.addf %add3A_109, %mul3A_110 : vector<16xf32>
      %bitcast3A = vector.bitcast %gather3A_82 : vector<16xf32> to vector<16xi32>
      %add3A_112 = arith.constant 32767 : i32
      %add3A_113 = vector.broadcast %add3A_112 : i32 to vector<16xi32>
      %add3A_114 = arith.addi %bitcast3A, %add3A_113 : vector<16xi32>
      %shift_right_arithmetic3A = arith.constant 16 : i32
      %shift_right_arithmetic3A_115 = vector.broadcast %shift_right_arithmetic3A : i32 to vector<16xi32>
      %shift_right_arithmetic3A_116 = arith.shrsi %bitcast3A, %shift_right_arithmetic3A_115 : vector<16xi32>
      %and3A_117 = arith.constant 1 : i32
      %and3A_118 = vector.broadcast %and3A_117 : i32 to vector<16xi32>
      %and3A_119 = arith.andi %shift_right_arithmetic3A_116, %and3A_118 : vector<16xi32>
      %add3A_120 = arith.addi %add3A_114, %and3A_119 : vector<16xi32>
      %and3A_121 = arith.constant -65536 : i32
      %and3A_122 = vector.broadcast %and3A_121 : i32 to vector<16xi32>
      %and3A_123 = arith.andi %add3A_120, %and3A_122 : vector<16xi32>
      %bitcast3A_124 = vector.bitcast %and3A_123 : vector<16xi32> to vector<16xf32>
      %bitcast3A_125 = vector.bitcast %gather3A_94 : vector<16xf32> to vector<16xi32>
      %add3A_126 = arith.constant 32767 : i32
      %add3A_127 = vector.broadcast %add3A_126 : i32 to vector<16xi32>
      %add3A_128 = arith.addi %bitcast3A_125, %add3A_127 : vector<16xi32>
      %shift_right_arithmetic3A_129 = arith.constant 16 : i32
      %shift_right_arithmetic3A_130 = vector.broadcast %shift_right_arithmetic3A_129 : i32 to vector<16xi32>
      %shift_right_arithmetic3A_131 = arith.shrsi %bitcast3A_125, %shift_right_arithmetic3A_130 : vector<16xi32>
      %and3A_132 = arith.constant 1 : i32
      %and3A_133 = vector.broadcast %and3A_132 : i32 to vector<16xi32>
      %and3A_134 = arith.andi %shift_right_arithmetic3A_131, %and3A_133 : vector<16xi32>
      %add3A_135 = arith.addi %add3A_128, %and3A_134 : vector<16xi32>
      %and3A_136 = arith.constant -65536 : i32
      %and3A_137 = vector.broadcast %and3A_136 : i32 to vector<16xi32>
      %and3A_138 = arith.andi %add3A_135, %and3A_137 : vector<16xi32>
      %bitcast3A_139 = vector.bitcast %and3A_138 : vector<16xi32> to vector<16xf32>
      %bitcast3A_140 = vector.bitcast %gather3A_106 : vector<16xf32> to vector<16xi32>
      %add3A_141 = arith.constant 32767 : i32
      %add3A_142 = vector.broadcast %add3A_141 : i32 to vector<16xi32>
      %add3A_143 = arith.addi %bitcast3A_140, %add3A_142 : vector<16xi32>
      %shift_right_arithmetic3A_144 = arith.constant 16 : i32
      %shift_right_arithmetic3A_145 = vector.broadcast %shift_right_arithmetic3A_144 : i32 to vector<16xi32>
      %shift_right_arithmetic3A_146 = arith.shrsi %bitcast3A_140, %shift_right_arithmetic3A_145 : vector<16xi32>
      %and3A_147 = arith.constant 1 : i32
      %and3A_148 = vector.broadcast %and3A_147 : i32 to vector<16xi32>
      %and3A_149 = arith.andi %shift_right_arithmetic3A_146, %and3A_148 : vector<16xi32>
      %add3A_150 = arith.addi %add3A_143, %and3A_149 : vector<16xi32>
      %and3A_151 = arith.constant -65536 : i32
      %and3A_152 = vector.broadcast %and3A_151 : i32 to vector<16xi32>
      %and3A_153 = arith.andi %add3A_150, %and3A_152 : vector<16xi32>
      %bitcast3A_154 = vector.bitcast %and3A_153 : vector<16xi32> to vector<16xf32>
      %scan3A_155 = arith.constant 0 : i32
      %scan3A_156 = arith.constant 512 : i32
      %scan3A_157 = arith.addi %scan3A_155, %scan3A_156 : i32
      %scan3A_158 = arith.constant 1 : i32
      %scan3A_159 = scf.for %scan3A_297 = %scan3A_155 to %scan3A_157 step %scan3A_158 iter_args(%scan3A_298 = %broadcast_in_dim3A_19) -> (vector<16xi32>)  : i32 {
        %mul3A_299 = arith.constant 16 : i32
        %mul3A_300 = arith.muli %scan3A_297, %mul3A_299 : i32
        %get3A_301 = arith.index_cast %mul3A_300 : i32 to index
        %get3A_302 = tpu.vector_load %arg17[%get3A_301] {strides = array<i32>} : memref<8192xf32, #tpu.memory_space<vmem>>, vector<16xf32>,
        %mul3A_303 = arith.mulf %get3A_302, %bitcast3A_124 : vector<16xf32>
        %mul3A_304 = arith.constant 16 : i32
        %mul3A_305 = arith.muli %scan3A_297, %mul3A_304 : i32
        %get3A_306 = arith.index_cast %mul3A_305 : i32 to index
        %get3A_307 = tpu.vector_load %arg18[%get3A_306] {strides = array<i32>} : memref<8192xf32, #tpu.memory_space<vmem>>, vector<16xf32>,
        %mul3A_308 = arith.mulf %get3A_307, %bitcast3A_139 : vector<16xf32>
        %add3A_309 = arith.addf %mul3A_303, %mul3A_308 : vector<16xf32>
        %mul3A_310 = arith.constant 16 : i32
        %mul3A_311 = arith.muli %scan3A_297, %mul3A_310 : i32
        %get3A_312 = arith.index_cast %mul3A_311 : i32 to index
        %get3A_313 = tpu.vector_load %arg19[%get3A_312] {strides = array<i32>} : memref<8192xf32, #tpu.memory_space<vmem>>, vector<16xf32>,
        %mul3A_314 = arith.mulf %get3A_313, %bitcast3A_154 : vector<16xf32>
        %add3A_315 = arith.addf %add3A_309, %mul3A_314 : vector<16xf32>
        %mul3A_316 = arith.constant 16 : i32
        %mul3A_317 = arith.muli %scan3A_297, %mul3A_316 : i32
        %get3A_318 = arith.index_cast %mul3A_317 : i32 to index
        %get3A_319 = tpu.vector_load %arg29[%get3A_318] {strides = array<i32>} : memref<8192xf32, #tpu.memory_space<vmem>>, vector<16xf32>,
        %add3A_320 = arith.addf %add3A_111, %get3A_319 : vector<16xf32>
        %mul3A_321 = arith.constant 2.000000e+00 : f32
        %mul3A_322 = vector.broadcast %mul3A_321 : f32 to vector<16xf32>
        %mul3A_323 = arith.mulf %mul3A_322, %add3A_315 : vector<16xf32>
        %sub3A_324 = arith.subf %add3A_320, %mul3A_323 : vector<16xf32>
        %le3A = arith.constant 0.00999999977 : f32
        %le3A_325 = vector.broadcast %le3A : f32 to vector<16xf32>
        %le3A_326 = arith.cmpf ole, %sub3A_324, %le3A_325 : vector<16xf32>
        %convert_element_type3A = arith.extui %le3A_326 : vector<16xi1> to vector<16xi32>
        %broadcast_in_dim3A_327 = arith.constant true
        %broadcast_in_dim3A_328 = vector.broadcast %broadcast_in_dim3A_327 : i1 to vector<16xi1>
        %masked_cumsum3A = tpu.scan <sum>, %convert_element_type3A masked %broadcast_in_dim3A_328 : vector<16xi32>, vector<16xi1> -> vector<16xi32>
        %add3A_329 = arith.addi %masked_cumsum3A, %scan3A_298 : vector<16xi32>
        %sub3A_330 = arith.constant 1 : i32
        %sub3A_331 = vector.broadcast %sub3A_330 : i32 to vector<16xi32>
        %sub3A_332 = arith.subi %add3A_329, %sub3A_331 : vector<16xi32>
        %min3A_333 = arith.constant 511 : i32
        %min3A_334 = vector.broadcast %min3A_333 : i32 to vector<16xi32>
        %min3A_335 = arith.minsi %sub3A_332, %min3A_334 : vector<16xi32>
        tpu.vector_store_idx %arg23[%min3A_335], %sub3A_324 masked %le3A_326 : memref<512xf32, #tpu.memory_space<vmem>>[vector<16xi32>], vector<16xf32>, vector<16xi1>
        %mul3A_336 = arith.constant 16 : i32
        %mul3A_337 = arith.muli %scan3A_297, %mul3A_336 : i32
        %add3A_338 = vector.broadcast %mul3A_337 : i32 to vector<16xi32>
        %add3A_339 = arith.addi %iota3A, %add3A_338 : vector<16xi32>
        tpu.vector_store_idx %arg24[%min3A_335], %add3A_339 masked %le3A_326 : memref<512xi32, #tpu.memory_space<vmem>>[vector<16xi32>], vector<16xi32>, vector<16xi1>
        %all_reduce_population_count3A = tpu.all_reduce %le3A_326 {dim = 0 : i64, kind = #tpu.reduction_kind<sum>} : vector<16xi1> -> vector<16xi32>
        %add3A_340 = arith.addi %scan3A_298, %all_reduce_population_count3A : vector<16xi32>
        scf.yield %add3A_340 : vector<16xi32>
      }
      %scan3A_160 = arith.constant 512 : i32
      %reduce_max3A = arith.constant true
      %reduce_max3A_161 = vector.broadcast %reduce_max3A : i1 to vector<16xi1>
      %reduce_max3A_162 = arith.constant -2147483648 : i32
      %reduce_max3A_163 = vector.broadcast %reduce_max3A_162 : i32 to vector<16xi32>
      %reduce_max3A_164 = arith.xori %scan3A_159, %reduce_max3A_163 : vector<16xi32>
      %reduce_max3A_165 = tpu.scan <max>, %reduce_max3A_164 masked %reduce_max3A_161 : vector<16xi32>, vector<16xi1> -> vector<16xi32>
      %reduce_max3A_166 = arith.xori %reduce_max3A_165, %reduce_max3A_163 : vector<16xi32>
      %reduce_max3A_167 = vector.extract %reduce_max3A_166[15] : i32 from vector<16xi32>
      %min3A = arith.constant 512 : i32
      %min3A_168 = arith.minsi %reduce_max3A_167, %min3A : i32
      %min3A_169 = arith.constant 496 : i32
      %min3A_170 = arith.minsi %min3A_168, %min3A_169 : i32
      %swap3A = arith.index_cast %min3A_170 : i32 to index
      %swap3A_171 = tpu.vector_load %arg23[%swap3A] {strides = array<i32>} : memref<512xf32, #tpu.memory_space<vmem>>, vector<16xf32>,
      tpu.vector_store %arg23[%swap3A], %broadcast_in_dim3A_21 {strides = array<i32>} : memref<512xf32, #tpu.memory_space<vmem>>, vector<16xf32>,
      %add3A_172 = arith.constant 15 : i32
      %add3A_173 = arith.addi %min3A_168, %add3A_172 : i32
      %jit3A_174 = arith.constant 16 : i32
      %div3A_175 = arith.divsi %add3A_173, %jit3A_174 : i32
      %sign3A_176 = arith.constant 0 : i32
      %sign3A_177 = arith.cmpi sgt, %add3A_173, %sign3A_176 : i32
      %sign3A_178 = arith.extui %sign3A_177 : i1 to i32
      %sign3A_179 = arith.constant 0 : i32
      %sign3A_180 = arith.cmpi slt, %add3A_173, %sign3A_179 : i32
      %sign3A_181 = arith.extui %sign3A_180 : i1 to i32
      %sign3A_182 = arith.subi %sign3A_178, %sign3A_181 : i32
      %sign3A_183 = arith.constant 0 : i32
      %sign3A_184 = arith.cmpi sgt, %jit3A_174, %sign3A_183 : i32
      %sign3A_185 = arith.extui %sign3A_184 : i1 to i32
      %sign3A_186 = arith.constant 0 : i32
      %sign3A_187 = arith.cmpi slt, %jit3A_174, %sign3A_186 : i32
      %sign3A_188 = arith.extui %sign3A_187 : i1 to i32
      %sign3A_189 = arith.subi %sign3A_185, %sign3A_188 : i32
      %ne3A_190 = arith.cmpi ne, %sign3A_182, %sign3A_189 : i32
      %rem3A_191 = arith.remsi %add3A_173, %jit3A_174 : i32
      %ne3A_192 = arith.constant 0 : i32
      %ne3A_193 = arith.cmpi ne, %rem3A_191, %ne3A_192 : i32
      %and3A_194 = arith.andi %ne3A_190, %ne3A_193 : i1
      %sub3A_195 = arith.constant 1 : i32
      %sub3A_196 = arith.subi %div3A_175, %sub3A_195 : i32
      %select_n3A_197 = arith.select %and3A_194, %sub3A_196, %div3A_175 : i32
      %while3A = arith.constant 0 : i32
      %while3A_198 = arith.subi %select_n3A_197, %while3A : i32
      %while3A_199 = arith.addi %while3A, %while3A_198 : i32
      %while3A_200 = arith.constant 1 : i32
      %while3A_201 = arith.divsi %while3A_198, %while3A_200 : i32
      %while3A_202 = arith.muli %while3A_201, %while3A_200 : i32
      %while3A_203 = arith.addi %while3A, %while3A_202 : i32
      %while3A_204 = arith.constant 1 : i32
      %while3A_205:4 = scf.for %while3A_297 = %while3A to %while3A_203 step %while3A_204 iter_args(%while3A_298 = %broadcast_in_dim3A_21, %while3A_299 = %broadcast_in_dim3A_19, %while3A_300 = %broadcast_in_dim3A_21, %while3A_301 = %broadcast_in_dim3A_19) -> (vector<16xf32>, vector<16xi32>, vector<16xf32>, vector<16xi32>)  : i32 {
        %mul3A_302 = arith.constant 16 : i32
        %mul3A_303 = arith.muli %while3A_297, %mul3A_302 : i32
        %get3A_304 = arith.index_cast %mul3A_303 : i32 to index
        %get3A_305 = tpu.vector_load %arg23[%get3A_304] {strides = array<i32>} : memref<512xf32, #tpu.memory_space<vmem>>, vector<16xf32>,
        %mul3A_306 = arith.constant 16 : i32
        %mul3A_307 = arith.muli %while3A_297, %mul3A_306 : i32
        %get3A_308 = arith.index_cast %mul3A_307 : i32 to index
        %get3A_309 = tpu.vector_load %arg24[%get3A_308] {strides = array<i32>} : memref<512xi32, #tpu.memory_space<vmem>>, vector<16xi32>,
        %masked_sort3A = arith.constant dense<true> : vector<16xi1>
        %masked_sort3A_310, %masked_sort3A_311, %masked_sort3A_312 = tpu.sort %get3A_305, %get3A_309 masked %masked_sort3A : (vector<16xf32>, vector<16xi32>, vector<16xi1>) -> (vector<16xi1>, vector<16xf32>, vector<16xi32>)
        %rev3A = arith.constant 15 : i32
        %rev3A_313 = vector.broadcast %rev3A : i32 to vector<16xi32>
        %rev3A_314 = tpu.iota {dimensions = array<i32: 0>} : vector<16xi32>
        %rev3A_315 = arith.subi %rev3A_313, %rev3A_314 : vector<16xi32>
        %rev3A_316 = tpu.dynamic_gather %masked_sort3A_311[%rev3A_315] in [0] : vector<16xf32>, vector<16xi32> -> vector<16xf32>
        %rev3A_317 = arith.constant 15 : i32
        %rev3A_318 = vector.broadcast %rev3A_317 : i32 to vector<16xi32>
        %rev3A_319 = tpu.iota {dimensions = array<i32: 0>} : vector<16xi32>
        %rev3A_320 = arith.subi %rev3A_318, %rev3A_319 : vector<16xi32>
        %rev3A_321 = tpu.dynamic_gather %masked_sort3A_312[%rev3A_320] in [0] : vector<16xi32>, vector<16xi32> -> vector<16xi32>
        %le3A = arith.cmpf ole, %while3A_300, %rev3A_316 : vector<16xf32>
        %select_n3A_322 = arith.select %le3A, %while3A_300, %rev3A_316 : vector<16xi1>, vector<16xf32>
        %select_n3A_323 = arith.select %le3A, %while3A_301, %rev3A_321 : vector<16xi1>, vector<16xi32>
        %masked_sort3A_324 = arith.constant dense<true> : vector<16xi1>
        %masked_sort3A_325, %masked_sort3A_326, %masked_sort3A_327 = tpu.sort %select_n3A_322, %select_n3A_323 masked %masked_sort3A_324 : (vector<16xf32>, vector<16xi32>, vector<16xi1>) -> (vector<16xi1>, vector<16xf32>, vector<16xi32>)
        %rev3A_328 = arith.constant 15 : i32
        %rev3A_329 = vector.broadcast %rev3A_328 : i32 to vector<16xi32>
        %rev3A_330 = tpu.iota {dimensions = array<i32: 0>} : vector<16xi32>
        %rev3A_331 = arith.subi %rev3A_329, %rev3A_330 : vector<16xi32>
        %rev3A_332 = tpu.dynamic_gather %masked_sort3A_326[%rev3A_331] in [0] : vector<16xf32>, vector<16xi32> -> vector<16xf32>
        %rev3A_333 = arith.constant 15 : i32
        %rev3A_334 = vector.broadcast %rev3A_333 : i32 to vector<16xi32>
        %rev3A_335 = tpu.iota {dimensions = array<i32: 0>} : vector<16xi32>
        %rev3A_336 = arith.subi %rev3A_334, %rev3A_335 : vector<16xi32>
        %rev3A_337 = tpu.dynamic_gather %masked_sort3A_327[%rev3A_336] in [0] : vector<16xi32>, vector<16xi32> -> vector<16xi32>
        %le3A_338 = arith.cmpf ole, %while3A_298, %rev3A_332 : vector<16xf32>
        %select_n3A_339 = arith.select %le3A_338, %while3A_298, %rev3A_332 : vector<16xi1>, vector<16xf32>
        %select_n3A_340 = arith.select %le3A_338, %while3A_299, %rev3A_337 : vector<16xi1>, vector<16xi32>
        %select_n3A_341 = arith.select %le3A_338, %rev3A_332, %while3A_298 : vector<16xi1>, vector<16xf32>
        %select_n3A_342 = arith.select %le3A_338, %rev3A_337, %while3A_299 : vector<16xi1>, vector<16xi32>
        %masked_sort3A_343 = arith.constant dense<true> : vector<16xi1>
        %masked_sort3A_344, %masked_sort3A_345, %masked_sort3A_346 = tpu.sort %select_n3A_339, %select_n3A_340 masked %masked_sort3A_343 : (vector<16xf32>, vector<16xi32>, vector<16xi1>) -> (vector<16xi1>, vector<16xf32>, vector<16xi32>)
        %masked_sort3A_347 = arith.constant dense<true> : vector<16xi1>
        %masked_sort3A_348, %masked_sort3A_349, %masked_sort3A_350 = tpu.sort %select_n3A_341, %select_n3A_342 masked %masked_sort3A_347 : (vector<16xf32>, vector<16xi32>, vector<16xi1>) -> (vector<16xi1>, vector<16xf32>, vector<16xi32>)
        scf.yield %masked_sort3A_345, %masked_sort3A_346, %masked_sort3A_349, %masked_sort3A_350 : vector<16xf32>, vector<16xi32>, vector<16xf32>, vector<16xi32>
      }
      %while3A_206 = arith.constant 1 : i32
      %while3A_207:4 = scf.for %while3A_297 = %while3A_203 to %while3A_199 step %while3A_206 iter_args(%while3A_298 = %while3A_205#0, %while3A_299 = %while3A_205#1, %while3A_300 = %while3A_205#2, %while3A_301 = %while3A_205#3) -> (vector<16xf32>, vector<16xi32>, vector<16xf32>, vector<16xi32>)  : i32 {
        %mul3A_302 = arith.constant 16 : i32
        %mul3A_303 = arith.muli %while3A_297, %mul3A_302 : i32
        %get3A_304 = arith.index_cast %mul3A_303 : i32 to index
        %get3A_305 = tpu.vector_load %arg23[%get3A_304] {strides = array<i32>} : memref<512xf32, #tpu.memory_space<vmem>>, vector<16xf32>,
        %mul3A_306 = arith.constant 16 : i32
        %mul3A_307 = arith.muli %while3A_297, %mul3A_306 : i32
        %get3A_308 = arith.index_cast %mul3A_307 : i32 to index
        %get3A_309 = tpu.vector_load %arg24[%get3A_308] {strides = array<i32>} : memref<512xi32, #tpu.memory_space<vmem>>, vector<16xi32>,
        %masked_sort3A = arith.constant dense<true> : vector<16xi1>
        %masked_sort3A_310, %masked_sort3A_311, %masked_sort3A_312 = tpu.sort %get3A_305, %get3A_309 masked %masked_sort3A : (vector<16xf32>, vector<16xi32>, vector<16xi1>) -> (vector<16xi1>, vector<16xf32>, vector<16xi32>)
        %rev3A = arith.constant 15 : i32
        %rev3A_313 = vector.broadcast %rev3A : i32 to vector<16xi32>
        %rev3A_314 = tpu.iota {dimensions = array<i32: 0>} : vector<16xi32>
        %rev3A_315 = arith.subi %rev3A_313, %rev3A_314 : vector<16xi32>
        %rev3A_316 = tpu.dynamic_gather %masked_sort3A_311[%rev3A_315] in [0] : vector<16xf32>, vector<16xi32> -> vector<16xf32>
        %rev3A_317 = arith.constant 15 : i32
        %rev3A_318 = vector.broadcast %rev3A_317 : i32 to vector<16xi32>
        %rev3A_319 = tpu.iota {dimensions = array<i32: 0>} : vector<16xi32>
        %rev3A_320 = arith.subi %rev3A_318, %rev3A_319 : vector<16xi32>
        %rev3A_321 = tpu.dynamic_gather %masked_sort3A_312[%rev3A_320] in [0] : vector<16xi32>, vector<16xi32> -> vector<16xi32>
        %le3A = arith.cmpf ole, %while3A_300, %rev3A_316 : vector<16xf32>
        %select_n3A_322 = arith.select %le3A, %while3A_300, %rev3A_316 : vector<16xi1>, vector<16xf32>
        %select_n3A_323 = arith.select %le3A, %while3A_301, %rev3A_321 : vector<16xi1>, vector<16xi32>
        %masked_sort3A_324 = arith.constant dense<true> : vector<16xi1>
        %masked_sort3A_325, %masked_sort3A_326, %masked_sort3A_327 = tpu.sort %select_n3A_322, %select_n3A_323 masked %masked_sort3A_324 : (vector<16xf32>, vector<16xi32>, vector<16xi1>) -> (vector<16xi1>, vector<16xf32>, vector<16xi32>)
        %rev3A_328 = arith.constant 15 : i32
        %rev3A_329 = vector.broadcast %rev3A_328 : i32 to vector<16xi32>
        %rev3A_330 = tpu.iota {dimensions = array<i32: 0>} : vector<16xi32>
        %rev3A_331 = arith.subi %rev3A_329, %rev3A_330 : vector<16xi32>
        %rev3A_332 = tpu.dynamic_gather %masked_sort3A_326[%rev3A_331] in [0] : vector<16xf32>, vector<16xi32> -> vector<16xf32>
        %rev3A_333 = arith.constant 15 : i32
        %rev3A_334 = vector.broadcast %rev3A_333 : i32 to vector<16xi32>
        %rev3A_335 = tpu.iota {dimensions = array<i32: 0>} : vector<16xi32>
        %rev3A_336 = arith.subi %rev3A_334, %rev3A_335 : vector<16xi32>
        %rev3A_337 = tpu.dynamic_gather %masked_sort3A_327[%rev3A_336] in [0] : vector<16xi32>, vector<16xi32> -> vector<16xi32>
        %le3A_338 = arith.cmpf ole, %while3A_298, %rev3A_332 : vector<16xf32>
        %select_n3A_339 = arith.select %le3A_338, %while3A_298, %rev3A_332 : vector<16xi1>, vector<16xf32>
        %select_n3A_340 = arith.select %le3A_338, %while3A_299, %rev3A_337 : vector<16xi1>, vector<16xi32>
        %select_n3A_341 = arith.select %le3A_338, %rev3A_332, %while3A_298 : vector<16xi1>, vector<16xf32>
        %select_n3A_342 = arith.select %le3A_338, %rev3A_337, %while3A_299 : vector<16xi1>, vector<16xi32>
        %masked_sort3A_343 = arith.constant dense<true> : vector<16xi1>
        %masked_sort3A_344, %masked_sort3A_345, %masked_sort3A_346 = tpu.sort %select_n3A_339, %select_n3A_340 masked %masked_sort3A_343 : (vector<16xf32>, vector<16xi32>, vector<16xi1>) -> (vector<16xi1>, vector<16xf32>, vector<16xi32>)
        %masked_sort3A_347 = arith.constant dense<true> : vector<16xi1>
        %masked_sort3A_348, %masked_sort3A_349, %masked_sort3A_350 = tpu.sort %select_n3A_341, %select_n3A_342 masked %masked_sort3A_347 : (vector<16xf32>, vector<16xi32>, vector<16xi1>) -> (vector<16xi1>, vector<16xf32>, vector<16xi32>)
        scf.yield %masked_sort3A_345, %masked_sort3A_346, %masked_sort3A_349, %masked_sort3A_350 : vector<16xf32>, vector<16xi32>, vector<16xf32>, vector<16xi32>
      }
      %lt3A_208 = arith.constant 0 : i32
      %lt3A_209 = vector.broadcast %lt3A_208 : i32 to vector<16xi32>
      %lt3A_210 = arith.cmpi slt, %broadcast_in_dim3A_19, %lt3A_209 : vector<16xi32>
      %add3A_211 = arith.constant 16 : i32
      %add3A_212 = vector.broadcast %add3A_211 : i32 to vector<16xi32>
      %add3A_213 = arith.addi %broadcast_in_dim3A_19, %add3A_212 : vector<16xi32>
      %select_n3A_214 = arith.select %lt3A_210, %add3A_213, %broadcast_in_dim3A_19 : vector<16xi1>, vector<16xi32>
      %broadcast_in_dim3A_215 = vector.shape_cast %select_n3A_214 : vector<16xi32> to vector<16x1xi32>
      %gather3A_216 = vector.shape_cast %broadcast_in_dim3A_215 : vector<16x1xi32> to vector<16xi32>
      %gather3A_217 = tpu.dynamic_gather %while3A_207#1[%gather3A_216] in [0] : vector<16xi32>, vector<16xi32> -> vector<16xi32>
      %lt3A_218 = arith.cmpi slt, %iota3A, %scan3A_159 : vector<16xi32>
      %select_n3A_219 = arith.select %lt3A_218, %while3A_207#1, %gather3A_217 : vector<16xi1>, vector<16xi32>
      %add3A_220 = arith.constant 16 : i32
      %add3A_221 = vector.broadcast %add3A_220 : i32 to vector<16xi32>
      %add3A_222 = arith.addi %iota3A, %add3A_221 : vector<16xi32>
      %lt3A_223 = arith.cmpi slt, %add3A_222, %scan3A_159 : vector<16xi32>
      %select_n3A_224 = arith.select %lt3A_223, %while3A_207#3, %gather3A_217 : vector<16xi1>, vector<16xi32>
      %mul3A_225 = arith.constant 32 : i32
      %mul3A_226 = arith.muli %scan3A_43, %mul3A_225 : i32
      %swap3A_227 = arith.index_cast %mul3A_226 : i32 to index
      %swap3A_228 = tpu.vector_load %arg25[%swap3A_227] {strides = array<i32>} : memref<4096xi32, #tpu.memory_space<vmem>>, vector<16xi32>,
      tpu.vector_store %arg25[%swap3A_227], %select_n3A_219 {strides = array<i32>} : memref<4096xi32, #tpu.memory_space<vmem>>, vector<16xi32>,
      %mul3A_229 = arith.constant 32 : i32
      %mul3A_230 = arith.muli %scan3A_43, %mul3A_229 : i32
      %add3A_231 = arith.constant 16 : i32
      %add3A_232 = arith.addi %mul3A_230, %add3A_231 : i32
      %swap3A_233 = arith.index_cast %add3A_232 : i32 to index
      %swap3A_234 = tpu.vector_load %arg25[%swap3A_233] {strides = array<i32>} : memref<4096xi32, #tpu.memory_space<vmem>>, vector<16xi32>,
      tpu.vector_store %arg25[%swap3A_233], %select_n3A_224 {strides = array<i32>} : memref<4096xi32, #tpu.memory_space<vmem>>, vector<16xi32>,
      %gather3A_235 = tpu.vector_load_idx %arg14[%select_n3A_219] : memref<8192xf32, #tpu.memory_space<vmem>>[vector<16xi32>], vector<16xf32>,
      %sub3A_236 = arith.subf %gather3A_235, %gather3A_82 : vector<16xf32>
      %mul3A_237 = arith.constant 32 : i32
      %mul3A_238 = arith.muli %scan3A_43, %mul3A_237 : i32
      %swap3A_239 = arith.index_cast %mul3A_238 : i32 to index
      %swap3A_240 = tpu.vector_load %arg26[%swap3A_239] {strides = array<i32>} : memref<4096xf32, #tpu.memory_space<vmem>>, vector<16xf32>,
      tpu.vector_store %arg26[%swap3A_239], %sub3A_236 {strides = array<i32>} : memref<4096xf32, #tpu.memory_space<vmem>>, vector<16xf32>,
      %gather3A_241 = tpu.vector_load_idx %arg14[%select_n3A_224] : memref<8192xf32, #tpu.memory_space<vmem>>[vector<16xi32>], vector<16xf32>,
      %sub3A_242 = arith.subf %gather3A_241, %gather3A_82 : vector<16xf32>
      %mul3A_243 = arith.constant 32 : i32
      %mul3A_244 = arith.muli %scan3A_43, %mul3A_243 : i32
      %add3A_245 = arith.constant 16 : i32
      %add3A_246 = arith.addi %mul3A_244, %add3A_245 : i32
      %swap3A_247 = arith.index_cast %add3A_246 : i32 to index
      %swap3A_248 = tpu.vector_load %arg26[%swap3A_247] {strides = array<i32>} : memref<4096xf32, #tpu.memory_space<vmem>>, vector<16xf32>,
      tpu.vector_store %arg26[%swap3A_247], %sub3A_242 {strides = array<i32>} : memref<4096xf32, #tpu.memory_space<vmem>>, vector<16xf32>,
      %gather3A_249 = tpu.vector_load_idx %arg15[%select_n3A_219] : memref<8192xf32, #tpu.memory_space<vmem>>[vector<16xi32>], vector<16xf32>,
      %sub3A_250 = arith.subf %gather3A_249, %gather3A_94 : vector<16xf32>
      %mul3A_251 = arith.constant 32 : i32
      %mul3A_252 = arith.muli %scan3A_43, %mul3A_251 : i32
      %swap3A_253 = arith.index_cast %mul3A_252 : i32 to index
      %swap3A_254 = tpu.vector_load %arg27[%swap3A_253] {strides = array<i32>} : memref<4096xf32, #tpu.memory_space<vmem>>, vector<16xf32>,
      tpu.vector_store %arg27[%swap3A_253], %sub3A_250 {strides = array<i32>} : memref<4096xf32, #tpu.memory_space<vmem>>, vector<16xf32>,
      %gather3A_255 = tpu.vector_load_idx %arg15[%select_n3A_224] : memref<8192xf32, #tpu.memory_space<vmem>>[vector<16xi32>], vector<16xf32>,
      %sub3A_256 = arith.subf %gather3A_255, %gather3A_94 : vector<16xf32>
      %mul3A_257 = arith.constant 32 : i32
      %mul3A_258 = arith.muli %scan3A_43, %mul3A_257 : i32
      %add3A_259 = arith.constant 16 : i32
      %add3A_260 = arith.addi %mul3A_258, %add3A_259 : i32
      %swap3A_261 = arith.index_cast %add3A_260 : i32 to index
      %swap3A_262 = tpu.vector_load %arg27[%swap3A_261] {strides = array<i32>} : memref<4096xf32, #tpu.memory_space<vmem>>, vector<16xf32>,
      tpu.vector_store %arg27[%swap3A_261], %sub3A_256 {strides = array<i32>} : memref<4096xf32, #tpu.memory_space<vmem>>, vector<16xf32>,
      %gather3A_263 = tpu.vector_load_idx %arg16[%select_n3A_219] : memref<8192xf32, #tpu.memory_space<vmem>>[vector<16xi32>], vector<16xf32>,
      %sub3A_264 = arith.subf %gather3A_263, %gather3A_106 : vector<16xf32>
      %mul3A_265 = arith.constant 32 : i32
      %mul3A_266 = arith.muli %scan3A_43, %mul3A_265 : i32
      %swap3A_267 = arith.index_cast %mul3A_266 : i32 to index
      %swap3A_268 = tpu.vector_load %arg28[%swap3A_267] {strides = array<i32>} : memref<4096xf32, #tpu.memory_space<vmem>>, vector<16xf32>,
      tpu.vector_store %arg28[%swap3A_267], %sub3A_264 {strides = array<i32>} : memref<4096xf32, #tpu.memory_space<vmem>>, vector<16xf32>,
      %gather3A_269 = tpu.vector_load_idx %arg16[%select_n3A_224] : memref<8192xf32, #tpu.memory_space<vmem>>[vector<16xi32>], vector<16xf32>,
      %sub3A_270 = arith.subf %gather3A_269, %gather3A_106 : vector<16xf32>
      %mul3A_271 = arith.constant 32 : i32
      %mul3A_272 = arith.muli %scan3A_43, %mul3A_271 : i32
      %add3A_273 = arith.constant 16 : i32
      %add3A_274 = arith.addi %mul3A_272, %add3A_273 : i32
      %swap3A_275 = arith.index_cast %add3A_274 : i32 to index
      %swap3A_276 = tpu.vector_load %arg28[%swap3A_275] {strides = array<i32>} : memref<4096xf32, #tpu.memory_space<vmem>>, vector<16xf32>,
      tpu.vector_store %arg28[%swap3A_275], %sub3A_270 {strides = array<i32>} : memref<4096xf32, #tpu.memory_space<vmem>>, vector<16xf32>,
      %mul3A_277 = arith.constant 8192 : i32
      %mul3A_278 = arith.muli %select_n3A, %mul3A_277 : i32
      %add3A_279 = vector.broadcast %mul3A_278 : i32 to vector<16xi32>
      %add3A_280 = arith.addi %select_n3A_219, %add3A_279 : vector<16xi32>
      %swap3A_281 = arith.constant 0 : index
      %swap3A_282 = tpu.vector_load %arg30[%swap3A_281] {strides = array<i32>} : memref<32xi32, #tpu.memory_space<vmem>>, vector<16xi32>,
      tpu.vector_store %arg30[%swap3A_281], %add3A_280 {strides = array<i32>} : memref<32xi32, #tpu.memory_space<vmem>>, vector<16xi32>,
      %mul3A_283 = arith.constant 8192 : i32
      %mul3A_284 = arith.muli %select_n3A, %mul3A_283 : i32
      %add3A_285 = vector.broadcast %mul3A_284 : i32 to vector<16xi32>
      %add3A_286 = arith.addi %select_n3A_224, %add3A_285 : vector<16xi32>
      %swap3A_287 = arith.constant 16 : index
      %swap3A_288 = tpu.vector_load %arg30[%swap3A_287] {strides = array<i32>} : memref<32xi32, #tpu.memory_space<vmem>>, vector<16xi32>,
      tpu.vector_store %arg30[%swap3A_287], %add3A_286 {strides = array<i32>} : memref<32xi32, #tpu.memory_space<vmem>>, vector<16xi32>,
      %dma_start3A = arith.constant 0 : i32
      %dma_start3A_289 = arith.constant 0 : i32
      %dma_start3A_290 = tpu.memref_slice %arg8[%dma_start3A, %dma_start3A_289] : memref<16384x128xf32, #tpu.memory_space<hbm>> -> memref<16384x128xf32, #tpu.memory_space<hbm>>
      tpu.enqueue_indirect_dma source(%dma_start3A_290 : memref<16384x128xf32, #tpu.memory_space<hbm>>) target(%arg31 : memref<32x128xf32, #tpu.memory_space<vmem>>) offsets(%arg30 : memref<32xi32, #tpu.memory_space<vmem>>) semaphore(%arg32 : memref<!tpu.dma_semaphore, #tpu.memory_space<semaphore_mem>>)
      %dma_wait3A = arith.constant 0 : i32
      %dma_wait3A_291 = arith.constant 0 : i32
      %dma_wait3A_292 = tpu.memref_slice %arg8[%dma_wait3A, %dma_wait3A_291] : memref<16384x128xf32, #tpu.memory_space<hbm>> -> memref<16384x128xf32, #tpu.memory_space<hbm>>
      tpu.wait_indirect_dma semaphore(%arg32 : memref<!tpu.dma_semaphore, #tpu.memory_space<semaphore_mem>>) src(%dma_wait3A_292 : memref<16384x128xf32, #tpu.memory_space<hbm>>) dst(%arg31 : memref<32x128xf32, #tpu.memory_space<vmem>>)
      %add3A_293 = arith.addi %mul3A_18, %scan3A_43 : i32
      %mul3A_294 = arith.constant 32 : i32
      %mul3A_295 = arith.muli %add3A_293, %mul3A_294 : i32
      "tpu.region"() ({
        %run_scoped3A = tpu.sem_alloc : memref<!tpu.dma_semaphore, #tpu.memory_space<semaphore_mem>>
        %dma_start3A_297 = arith.constant 0 : i32
        %dma_start3A_298 = tpu.memref_slice %arg13[%mul3A_295, %dma_start3A_297] : memref<131072x128xf32, #tpu.memory_space<hbm>> -> memref<32x128xf32, #tpu.memory_space<hbm>>
        %dma_start3A_299 = arith.constant 0 : i32
        %dma_start3A_300 = tpu.memref_slice %arg13[%mul3A_295, %dma_start3A_299] : memref<131072x128xf32, #tpu.memory_space<hbm>> -> memref<32x128xf32, #tpu.memory_space<hbm>>
        tpu.enqueue_dma source(%arg31 : memref<32x128xf32, #tpu.memory_space<vmem>>) target(%dma_start3A_300 : memref<32x128xf32, #tpu.memory_space<hbm>>) target_semaphore(%run_scoped3A : memref<!tpu.dma_semaphore, #tpu.memory_space<semaphore_mem>>)
        %dma_wait3A_301 = arith.constant 0 : i32
        %dma_wait3A_302 = tpu.memref_slice %arg13[%mul3A_295, %dma_wait3A_301] : memref<131072x128xf32, #tpu.memory_space<hbm>> -> memref<32x128xf32, #tpu.memory_space<hbm>>
        %dma_wait3A_303 = arith.constant 0 : i32
        %dma_wait3A_304 = tpu.memref_slice %arg13[%mul3A_295, %dma_wait3A_303] : memref<131072x128xf32, #tpu.memory_space<hbm>> -> memref<32x128xf32, #tpu.memory_space<hbm>>
        tpu.wait_dma2 semaphore(%run_scoped3A : memref<!tpu.dma_semaphore, #tpu.memory_space<semaphore_mem>>) src(%arg31 : memref<32x128xf32, #tpu.memory_space<vmem>>) dst(%dma_wait3A_304 : memref<32x128xf32, #tpu.memory_space<hbm>>)
        tpu.yield
      }) : () -> ()
      %scan3A_296 = arith.constant 0 : i32
      scf.yield %scan3A_296 : i32
    }
    %scan3A_34 = arith.constant 128 : i32
    %mul3A_35 = arith.constant 32 : i32
    %mul3A_36 = arith.muli %mul3A_18, %mul3A_35 : i32
    "tpu.region"() ({
      %run_scoped3A = tpu.sem_alloc : memref<!tpu.dma_semaphore, #tpu.memory_space<semaphore_mem>>
      %dma_start3A = tpu.memref_slice %arg9[%mul3A_36] : memref<131072xi32, #tpu.memory_space<hbm>> -> memref<4096xi32, #tpu.memory_space<hbm>>
      %dma_start3A_43 = tpu.memref_slice %arg9[%mul3A_36] : memref<131072xi32, #tpu.memory_space<hbm>> -> memref<4096xi32, #tpu.memory_space<hbm>>
      tpu.enqueue_dma source(%arg25 : memref<4096xi32, #tpu.memory_space<vmem>>) target(%dma_start3A_43 : memref<4096xi32, #tpu.memory_space<hbm>>) target_semaphore(%run_scoped3A : memref<!tpu.dma_semaphore, #tpu.memory_space<semaphore_mem>>)
      %dma_wait3A = tpu.memref_slice %arg9[%mul3A_36] : memref<131072xi32, #tpu.memory_space<hbm>> -> memref<4096xi32, #tpu.memory_space<hbm>>
      %dma_wait3A_44 = tpu.memref_slice %arg9[%mul3A_36] : memref<131072xi32, #tpu.memory_space<hbm>> -> memref<4096xi32, #tpu.memory_space<hbm>>
      tpu.wait_dma2 semaphore(%run_scoped3A : memref<!tpu.dma_semaphore, #tpu.memory_space<semaphore_mem>>) src(%arg25 : memref<4096xi32, #tpu.memory_space<vmem>>) dst(%dma_wait3A_44 : memref<4096xi32, #tpu.memory_space<hbm>>)
      tpu.yield
    }) : () -> ()
    %mul3A_37 = arith.constant 32 : i32
    %mul3A_38 = arith.muli %mul3A_18, %mul3A_37 : i32
    "tpu.region"() ({
      %run_scoped3A = tpu.sem_alloc : memref<!tpu.dma_semaphore, #tpu.memory_space<semaphore_mem>>
      %dma_start3A = tpu.memref_slice %arg10[%mul3A_38] : memref<131072xf32, #tpu.memory_space<hbm>> -> memref<4096xf32, #tpu.memory_space<hbm>>
      %dma_start3A_43 = tpu.memref_slice %arg10[%mul3A_38] : memref<131072xf32, #tpu.memory_space<hbm>> -> memref<4096xf32, #tpu.memory_space<hbm>>
      tpu.enqueue_dma source(%arg26 : memref<4096xf32, #tpu.memory_space<vmem>>) target(%dma_start3A_43 : memref<4096xf32, #tpu.memory_space<hbm>>) target_semaphore(%run_scoped3A : memref<!tpu.dma_semaphore, #tpu.memory_space<semaphore_mem>>)
      %dma_wait3A = tpu.memref_slice %arg10[%mul3A_38] : memref<131072xf32, #tpu.memory_space<hbm>> -> memref<4096xf32, #tpu.memory_space<hbm>>
      %dma_wait3A_44 = tpu.memref_slice %arg10[%mul3A_38] : memref<131072xf32, #tpu.memory_space<hbm>> -> memref<4096xf32, #tpu.memory_space<hbm>>
      tpu.wait_dma2 semaphore(%run_scoped3A : memref<!tpu.dma_semaphore, #tpu.memory_space<semaphore_mem>>) src(%arg26 : memref<4096xf32, #tpu.memory_space<vmem>>) dst(%dma_wait3A_44 : memref<4096xf32, #tpu.memory_space<hbm>>)
      tpu.yield
    }) : () -> ()
    %mul3A_39 = arith.constant 32 : i32
    %mul3A_40 = arith.muli %mul3A_18, %mul3A_39 : i32
    "tpu.region"() ({
      %run_scoped3A = tpu.sem_alloc : memref<!tpu.dma_semaphore, #tpu.memory_space<semaphore_mem>>
      %dma_start3A = tpu.memref_slice %arg11[%mul3A_40] : memref<131072xf32, #tpu.memory_space<hbm>> -> memref<4096xf32, #tpu.memory_space<hbm>>
      %dma_start3A_43 = tpu.memref_slice %arg11[%mul3A_40] : memref<131072xf32, #tpu.memory_space<hbm>> -> memref<4096xf32, #tpu.memory_space<hbm>>
      tpu.enqueue_dma source(%arg27 : memref<4096xf32, #tpu.memory_space<vmem>>) target(%dma_start3A_43 : memref<4096xf32, #tpu.memory_space<hbm>>) target_semaphore(%run_scoped3A : memref<!tpu.dma_semaphore, #tpu.memory_space<semaphore_mem>>)
      %dma_wait3A = tpu.memref_slice %arg11[%mul3A_40] : memref<131072xf32, #tpu.memory_space<hbm>> -> memref<4096xf32, #tpu.memory_space<hbm>>
      %dma_wait3A_44 = tpu.memref_slice %arg11[%mul3A_40] : memref<131072xf32, #tpu.memory_space<hbm>> -> memref<4096xf32, #tpu.memory_space<hbm>>
      tpu.wait_dma2 semaphore(%run_scoped3A : memref<!tpu.dma_semaphore, #tpu.memory_space<semaphore_mem>>) src(%arg27 : memref<4096xf32, #tpu.memory_space<vmem>>) dst(%dma_wait3A_44 : memref<4096xf32, #tpu.memory_space<hbm>>)
      tpu.yield
    }) : () -> ()
    %mul3A_41 = arith.constant 32 : i32
    %mul3A_42 = arith.muli %mul3A_18, %mul3A_41 : i32
    "tpu.region"() ({
      %run_scoped3A = tpu.sem_alloc : memref<!tpu.dma_semaphore, #tpu.memory_space<semaphore_mem>>
      %dma_start3A = tpu.memref_slice %arg12[%mul3A_42] : memref<131072xf32, #tpu.memory_space<hbm>> -> memref<4096xf32, #tpu.memory_space<hbm>>
      %dma_start3A_43 = tpu.memref_slice %arg12[%mul3A_42] : memref<131072xf32, #tpu.memory_space<hbm>> -> memref<4096xf32, #tpu.memory_space<hbm>>
      tpu.enqueue_dma source(%arg28 : memref<4096xf32, #tpu.memory_space<vmem>>) target(%dma_start3A_43 : memref<4096xf32, #tpu.memory_space<hbm>>) target_semaphore(%run_scoped3A : memref<!tpu.dma_semaphore, #tpu.memory_space<semaphore_mem>>)
      %dma_wait3A = tpu.memref_slice %arg12[%mul3A_42] : memref<131072xf32, #tpu.memory_space<hbm>> -> memref<4096xf32, #tpu.memory_space<hbm>>
      %dma_wait3A_44 = tpu.memref_slice %arg12[%mul3A_42] : memref<131072xf32, #tpu.memory_space<hbm>> -> memref<4096xf32, #tpu.memory_space<hbm>>
      tpu.wait_dma2 semaphore(%run_scoped3A : memref<!tpu.dma_semaphore, #tpu.memory_space<semaphore_mem>>) src(%arg28 : memref<4096xf32, #tpu.memory_space<vmem>>) dst(%dma_wait3A_44 : memref<4096xf32, #tpu.memory_space<hbm>>)
      tpu.yield
    }) : () -> ()
    return
  }
}

#map = affine_map<(d0, d1) -> (0, 0)>
#map1 = affine_map<(d0, d1) -> (0)>
module attributes {stable_mosaic.version = 14 : i64} {
  func.func @k(%arg0: i32, %arg1: i32, %arg2: memref<2x2048xf32, #tpu.memory_space<hbm>>, %arg3: memref<2x2048xf32, #tpu.memory_space<hbm>>, %arg4: memref<2x2048xf32, #tpu.memory_space<hbm>>, %arg5: memref<4096xf32, #tpu.memory_space<hbm>>, %arg6: memref<4096xf32, #tpu.memory_space<hbm>>, %arg7: memref<4096xf32, #tpu.memory_space<hbm>>, %arg8: memref<131072xi32, #tpu.memory_space<hbm>>, %arg9: memref<131072xf32, #tpu.memory_space<hbm>>, %arg10: memref<131072xf32, #tpu.memory_space<hbm>>, %arg11: memref<131072xf32, #tpu.memory_space<hbm>>, %arg12: memref<2048xf32, #tpu.memory_space<vmem>>, %arg13: memref<2048xf32, #tpu.memory_space<vmem>>, %arg14: memref<2048xf32, #tpu.memory_space<vmem>>, %arg15: memref<2048xf32, #tpu.memory_space<vmem>>, %arg16: memref<2048xf32, #tpu.memory_space<vmem>>, %arg17: memref<2048xf32, #tpu.memory_space<vmem>>, %arg18: memref<128xf32, #tpu.memory_space<vmem>>, %arg19: memref<128xf32, #tpu.memory_space<vmem>>, %arg20: memref<128xf32, #tpu.memory_space<vmem>>, %arg21: memref<512xf32, #tpu.memory_space<vmem>>, %arg22: memref<512xi32, #tpu.memory_space<vmem>>, %arg23: memref<4096xi32, #tpu.memory_space<vmem>>, %arg24: memref<4096xf32, #tpu.memory_space<vmem>>, %arg25: memref<4096xf32, #tpu.memory_space<vmem>>, %arg26: memref<4096xf32, #tpu.memory_space<vmem>>, %arg27: memref<2048xf32, #tpu.memory_space<vmem>>) attributes {dimension_semantics = [#tpu.dimension_semantics<core_parallel>, #tpu.dimension_semantics<subcore_parallel>], iteration_bounds = array<i64: 2, 16>, scalar_prefetch = 0 : i64, scratch_operands = 16 : i64, tpu.core_type = #tpu.core_type<sc_vector_subcore>, window_params = [{transform_indices = #map}, {transform_indices = #map}, {transform_indices = #map}, {transform_indices = #map1}, {transform_indices = #map1}, {transform_indices = #map1}, {transform_indices = #map1}, {transform_indices = #map1}, {transform_indices = #map1}, {transform_indices = #map1}]} {
    %mul3A = arith.constant 2 : i32
    %mul3A_0 = arith.muli %arg1, %mul3A : i32
    %add3A = arith.addi %mul3A_0, %arg0 : i32
    %jit3A = arith.constant 16 : i32
    %div3A = arith.divsi %add3A, %jit3A : i32
    %sign3A = arith.constant 0 : i32
    %sign3A_1 = arith.cmpi sgt, %add3A, %sign3A : i32
    %sign3A_2 = arith.extui %sign3A_1 : i1 to i32
    %sign3A_3 = arith.constant 0 : i32
    %sign3A_4 = arith.cmpi slt, %add3A, %sign3A_3 : i32
    %sign3A_5 = arith.extui %sign3A_4 : i1 to i32
    %sign3A_6 = arith.subi %sign3A_2, %sign3A_5 : i32
    %sign3A_7 = arith.constant 0 : i32
    %sign3A_8 = arith.cmpi sgt, %jit3A, %sign3A_7 : i32
    %sign3A_9 = arith.extui %sign3A_8 : i1 to i32
    %sign3A_10 = arith.constant 0 : i32
    %sign3A_11 = arith.cmpi slt, %jit3A, %sign3A_10 : i32
    %sign3A_12 = arith.extui %sign3A_11 : i1 to i32
    %sign3A_13 = arith.subi %sign3A_9, %sign3A_12 : i32
    %ne3A = arith.cmpi ne, %sign3A_6, %sign3A_13 : i32
    %rem3A = arith.remsi %add3A, %jit3A : i32
    %ne3A_14 = arith.constant 0 : i32
    %ne3A_15 = arith.cmpi ne, %rem3A, %ne3A_14 : i32
    %and3A = arith.andi %ne3A, %ne3A_15 : i1
    %sub3A = arith.constant 1 : i32
    %sub3A_16 = arith.subi %div3A, %sub3A : i32
    %select_n3A = arith.select %and3A, %sub3A_16, %div3A : i32
    "tpu.region"() ({
      %run_scoped3A = tpu.sem_alloc : memref<!tpu.dma_semaphore, #tpu.memory_space<semaphore_mem>>
      %dma_start3A = arith.constant 0 : i32
      %dma_start3A_43 = tpu.memref_slice %arg2[%select_n3A, %dma_start3A] : memref<2x2048xf32, #tpu.memory_space<hbm>> -> memref<1x2048xf32, #tpu.memory_space<hbm>>
      %dma_start3A_44 = tpu.memref_squeeze %dma_start3A_43 : memref<1x2048xf32, #tpu.memory_space<hbm>> -> memref<2048xf32, #tpu.memory_space<hbm>>
      %dma_start3A_45 = arith.constant 0 : i32
      %dma_start3A_46 = tpu.memref_slice %arg2[%select_n3A, %dma_start3A_45] : memref<2x2048xf32, #tpu.memory_space<hbm>> -> memref<1x2048xf32, #tpu.memory_space<hbm>>
      %dma_start3A_47 = tpu.memref_squeeze %dma_start3A_46 : memref<1x2048xf32, #tpu.memory_space<hbm>> -> memref<2048xf32, #tpu.memory_space<hbm>>
      tpu.enqueue_dma source(%dma_start3A_47 : memref<2048xf32, #tpu.memory_space<hbm>>) target(%arg12 : memref<2048xf32, #tpu.memory_space<vmem>>) target_semaphore(%run_scoped3A : memref<!tpu.dma_semaphore, #tpu.memory_space<semaphore_mem>>)
      %dma_wait3A = arith.constant 0 : i32
      %dma_wait3A_48 = tpu.memref_slice %arg2[%select_n3A, %dma_wait3A] : memref<2x2048xf32, #tpu.memory_space<hbm>> -> memref<1x2048xf32, #tpu.memory_space<hbm>>
      %dma_wait3A_49 = tpu.memref_squeeze %dma_wait3A_48 : memref<1x2048xf32, #tpu.memory_space<hbm>> -> memref<2048xf32, #tpu.memory_space<hbm>>
      %dma_wait3A_50 = arith.constant 0 : i32
      %dma_wait3A_51 = tpu.memref_slice %arg2[%select_n3A, %dma_wait3A_50] : memref<2x2048xf32, #tpu.memory_space<hbm>> -> memref<1x2048xf32, #tpu.memory_space<hbm>>
      %dma_wait3A_52 = tpu.memref_squeeze %dma_wait3A_51 : memref<1x2048xf32, #tpu.memory_space<hbm>> -> memref<2048xf32, #tpu.memory_space<hbm>>
      tpu.wait_dma2 semaphore(%run_scoped3A : memref<!tpu.dma_semaphore, #tpu.memory_space<semaphore_mem>>) src(%dma_wait3A_52 : memref<2048xf32, #tpu.memory_space<hbm>>) dst(%arg12 : memref<2048xf32, #tpu.memory_space<vmem>>)
      tpu.yield
    }) : () -> ()
    "tpu.region"() ({
      %run_scoped3A = tpu.sem_alloc : memref<!tpu.dma_semaphore, #tpu.memory_space<semaphore_mem>>
      %dma_start3A = arith.constant 0 : i32
      %dma_start3A_43 = tpu.memref_slice %arg3[%select_n3A, %dma_start3A] : memref<2x2048xf32, #tpu.memory_space<hbm>> -> memref<1x2048xf32, #tpu.memory_space<hbm>>
      %dma_start3A_44 = tpu.memref_squeeze %dma_start3A_43 : memref<1x2048xf32, #tpu.memory_space<hbm>> -> memref<2048xf32, #tpu.memory_space<hbm>>
      %dma_start3A_45 = arith.constant 0 : i32
      %dma_start3A_46 = tpu.memref_slice %arg3[%select_n3A, %dma_start3A_45] : memref<2x2048xf32, #tpu.memory_space<hbm>> -> memref<1x2048xf32, #tpu.memory_space<hbm>>
      %dma_start3A_47 = tpu.memref_squeeze %dma_start3A_46 : memref<1x2048xf32, #tpu.memory_space<hbm>> -> memref<2048xf32, #tpu.memory_space<hbm>>
      tpu.enqueue_dma source(%dma_start3A_47 : memref<2048xf32, #tpu.memory_space<hbm>>) target(%arg13 : memref<2048xf32, #tpu.memory_space<vmem>>) target_semaphore(%run_scoped3A : memref<!tpu.dma_semaphore, #tpu.memory_space<semaphore_mem>>)
      %dma_wait3A = arith.constant 0 : i32
      %dma_wait3A_48 = tpu.memref_slice %arg3[%select_n3A, %dma_wait3A] : memref<2x2048xf32, #tpu.memory_space<hbm>> -> memref<1x2048xf32, #tpu.memory_space<hbm>>
      %dma_wait3A_49 = tpu.memref_squeeze %dma_wait3A_48 : memref<1x2048xf32, #tpu.memory_space<hbm>> -> memref<2048xf32, #tpu.memory_space<hbm>>
      %dma_wait3A_50 = arith.constant 0 : i32
      %dma_wait3A_51 = tpu.memref_slice %arg3[%select_n3A, %dma_wait3A_50] : memref<2x2048xf32, #tpu.memory_space<hbm>> -> memref<1x2048xf32, #tpu.memory_space<hbm>>
      %dma_wait3A_52 = tpu.memref_squeeze %dma_wait3A_51 : memref<1x2048xf32, #tpu.memory_space<hbm>> -> memref<2048xf32, #tpu.memory_space<hbm>>
      tpu.wait_dma2 semaphore(%run_scoped3A : memref<!tpu.dma_semaphore, #tpu.memory_space<semaphore_mem>>) src(%dma_wait3A_52 : memref<2048xf32, #tpu.memory_space<hbm>>) dst(%arg13 : memref<2048xf32, #tpu.memory_space<vmem>>)
      tpu.yield
    }) : () -> ()
    "tpu.region"() ({
      %run_scoped3A = tpu.sem_alloc : memref<!tpu.dma_semaphore, #tpu.memory_space<semaphore_mem>>
      %dma_start3A = arith.constant 0 : i32
      %dma_start3A_43 = tpu.memref_slice %arg4[%select_n3A, %dma_start3A] : memref<2x2048xf32, #tpu.memory_space<hbm>> -> memref<1x2048xf32, #tpu.memory_space<hbm>>
      %dma_start3A_44 = tpu.memref_squeeze %dma_start3A_43 : memref<1x2048xf32, #tpu.memory_space<hbm>> -> memref<2048xf32, #tpu.memory_space<hbm>>
      %dma_start3A_45 = arith.constant 0 : i32
      %dma_start3A_46 = tpu.memref_slice %arg4[%select_n3A, %dma_start3A_45] : memref<2x2048xf32, #tpu.memory_space<hbm>> -> memref<1x2048xf32, #tpu.memory_space<hbm>>
      %dma_start3A_47 = tpu.memref_squeeze %dma_start3A_46 : memref<1x2048xf32, #tpu.memory_space<hbm>> -> memref<2048xf32, #tpu.memory_space<hbm>>
      tpu.enqueue_dma source(%dma_start3A_47 : memref<2048xf32, #tpu.memory_space<hbm>>) target(%arg14 : memref<2048xf32, #tpu.memory_space<vmem>>) target_semaphore(%run_scoped3A : memref<!tpu.dma_semaphore, #tpu.memory_space<semaphore_mem>>)
      %dma_wait3A = arith.constant 0 : i32
      %dma_wait3A_48 = tpu.memref_slice %arg4[%select_n3A, %dma_wait3A] : memref<2x2048xf32, #tpu.memory_space<hbm>> -> memref<1x2048xf32, #tpu.memory_space<hbm>>
      %dma_wait3A_49 = tpu.memref_squeeze %dma_wait3A_48 : memref<1x2048xf32, #tpu.memory_space<hbm>> -> memref<2048xf32, #tpu.memory_space<hbm>>
      %dma_wait3A_50 = arith.constant 0 : i32
      %dma_wait3A_51 = tpu.memref_slice %arg4[%select_n3A, %dma_wait3A_50] : memref<2x2048xf32, #tpu.memory_space<hbm>> -> memref<1x2048xf32, #tpu.memory_space<hbm>>
      %dma_wait3A_52 = tpu.memref_squeeze %dma_wait3A_51 : memref<1x2048xf32, #tpu.memory_space<hbm>> -> memref<2048xf32, #tpu.memory_space<hbm>>
      tpu.wait_dma2 semaphore(%run_scoped3A : memref<!tpu.dma_semaphore, #tpu.memory_space<semaphore_mem>>) src(%dma_wait3A_52 : memref<2048xf32, #tpu.memory_space<hbm>>) dst(%arg14 : memref<2048xf32, #tpu.memory_space<vmem>>)
      tpu.yield
    }) : () -> ()
    %mul3A_17 = arith.constant 128 : i32
    %mul3A_18 = arith.muli %add3A, %mul3A_17 : i32
    "tpu.region"() ({
      %run_scoped3A = tpu.sem_alloc : memref<!tpu.dma_semaphore, #tpu.memory_space<semaphore_mem>>
      %dma_start3A = tpu.memref_slice %arg5[%mul3A_18] : memref<4096xf32, #tpu.memory_space<hbm>> -> memref<128xf32, #tpu.memory_space<hbm>>
      %dma_start3A_43 = tpu.memref_slice %arg5[%mul3A_18] : memref<4096xf32, #tpu.memory_space<hbm>> -> memref<128xf32, #tpu.memory_space<hbm>>
      tpu.enqueue_dma source(%dma_start3A_43 : memref<128xf32, #tpu.memory_space<hbm>>) target(%arg18 : memref<128xf32, #tpu.memory_space<vmem>>) target_semaphore(%run_scoped3A : memref<!tpu.dma_semaphore, #tpu.memory_space<semaphore_mem>>)
      %dma_wait3A = tpu.memref_slice %arg5[%mul3A_18] : memref<4096xf32, #tpu.memory_space<hbm>> -> memref<128xf32, #tpu.memory_space<hbm>>
      %dma_wait3A_44 = tpu.memref_slice %arg5[%mul3A_18] : memref<4096xf32, #tpu.memory_space<hbm>> -> memref<128xf32, #tpu.memory_space<hbm>>
      tpu.wait_dma2 semaphore(%run_scoped3A : memref<!tpu.dma_semaphore, #tpu.memory_space<semaphore_mem>>) src(%dma_wait3A_44 : memref<128xf32, #tpu.memory_space<hbm>>) dst(%arg18 : memref<128xf32, #tpu.memory_space<vmem>>)
      tpu.yield
    }) : () -> ()
    "tpu.region"() ({
      %run_scoped3A = tpu.sem_alloc : memref<!tpu.dma_semaphore, #tpu.memory_space<semaphore_mem>>
      %dma_start3A = tpu.memref_slice %arg6[%mul3A_18] : memref<4096xf32, #tpu.memory_space<hbm>> -> memref<128xf32, #tpu.memory_space<hbm>>
      %dma_start3A_43 = tpu.memref_slice %arg6[%mul3A_18] : memref<4096xf32, #tpu.memory_space<hbm>> -> memref<128xf32, #tpu.memory_space<hbm>>
      tpu.enqueue_dma source(%dma_start3A_43 : memref<128xf32, #tpu.memory_space<hbm>>) target(%arg19 : memref<128xf32, #tpu.memory_space<vmem>>) target_semaphore(%run_scoped3A : memref<!tpu.dma_semaphore, #tpu.memory_space<semaphore_mem>>)
      %dma_wait3A = tpu.memref_slice %arg6[%mul3A_18] : memref<4096xf32, #tpu.memory_space<hbm>> -> memref<128xf32, #tpu.memory_space<hbm>>
      %dma_wait3A_44 = tpu.memref_slice %arg6[%mul3A_18] : memref<4096xf32, #tpu.memory_space<hbm>> -> memref<128xf32, #tpu.memory_space<hbm>>
      tpu.wait_dma2 semaphore(%run_scoped3A : memref<!tpu.dma_semaphore, #tpu.memory_space<semaphore_mem>>) src(%dma_wait3A_44 : memref<128xf32, #tpu.memory_space<hbm>>) dst(%arg19 : memref<128xf32, #tpu.memory_space<vmem>>)
      tpu.yield
    }) : () -> ()
    "tpu.region"() ({
      %run_scoped3A = tpu.sem_alloc : memref<!tpu.dma_semaphore, #tpu.memory_space<semaphore_mem>>
      %dma_start3A = tpu.memref_slice %arg7[%mul3A_18] : memref<4096xf32, #tpu.memory_space<hbm>> -> memref<128xf32, #tpu.memory_space<hbm>>
      %dma_start3A_43 = tpu.memref_slice %arg7[%mul3A_18] : memref<4096xf32, #tpu.memory_space<hbm>> -> memref<128xf32, #tpu.memory_space<hbm>>
      tpu.enqueue_dma source(%dma_start3A_43 : memref<128xf32, #tpu.memory_space<hbm>>) target(%arg20 : memref<128xf32, #tpu.memory_space<vmem>>) target_semaphore(%run_scoped3A : memref<!tpu.dma_semaphore, #tpu.memory_space<semaphore_mem>>)
      %dma_wait3A = tpu.memref_slice %arg7[%mul3A_18] : memref<4096xf32, #tpu.memory_space<hbm>> -> memref<128xf32, #tpu.memory_space<hbm>>
      %dma_wait3A_44 = tpu.memref_slice %arg7[%mul3A_18] : memref<4096xf32, #tpu.memory_space<hbm>> -> memref<128xf32, #tpu.memory_space<hbm>>
      tpu.wait_dma2 semaphore(%run_scoped3A : memref<!tpu.dma_semaphore, #tpu.memory_space<semaphore_mem>>) src(%dma_wait3A_44 : memref<128xf32, #tpu.memory_space<hbm>>) dst(%arg20 : memref<128xf32, #tpu.memory_space<vmem>>)
      tpu.yield
    }) : () -> ()
    %iota3A = tpu.iota {dimensions = array<i32: 0>} : vector<16xi32>
    %broadcast_in_dim3A = arith.constant 0 : i32
    %broadcast_in_dim3A_19 = vector.broadcast %broadcast_in_dim3A : i32 to vector<16xi32>
    %broadcast_in_dim3A_20 = arith.constant 1.000000e+30 : f32
    %broadcast_in_dim3A_21 = vector.broadcast %broadcast_in_dim3A_20 : f32 to vector<16xf32>
    %scan3A = arith.constant 0 : i32
    %scan3A_22 = arith.constant 0 : i32
    %scan3A_23 = arith.constant 128 : i32
    %scan3A_24 = arith.addi %scan3A_22, %scan3A_23 : i32
    %scan3A_25 = arith.constant 1 : i32
    %scan3A_26 = scf.for %scan3A_43 = %scan3A_22 to %scan3A_24 step %scan3A_25 iter_args(%scan3A_44 = %scan3A) -> (i32)  : i32 {
      %mul3A_45 = arith.constant 16 : i32
      %mul3A_46 = arith.muli %scan3A_43, %mul3A_45 : i32
      %get3A = arith.index_cast %mul3A_46 : i32 to index
      %get3A_47 = tpu.vector_load %arg12[%get3A] {strides = array<i32>} : memref<2048xf32, #tpu.memory_space<vmem>>, vector<16xf32>,
      %mul3A_48 = arith.constant 16 : i32
      %mul3A_49 = arith.muli %scan3A_43, %mul3A_48 : i32
      %get3A_50 = arith.index_cast %mul3A_49 : i32 to index
      %get3A_51 = tpu.vector_load %arg13[%get3A_50] {strides = array<i32>} : memref<2048xf32, #tpu.memory_space<vmem>>, vector<16xf32>,
      %mul3A_52 = arith.constant 16 : i32
      %mul3A_53 = arith.muli %scan3A_43, %mul3A_52 : i32
      %get3A_54 = arith.index_cast %mul3A_53 : i32 to index
      %get3A_55 = tpu.vector_load %arg14[%get3A_54] {strides = array<i32>} : memref<2048xf32, #tpu.memory_space<vmem>>, vector<16xf32>,
      %mul3A_56 = arith.mulf %get3A_47, %get3A_47 : vector<16xf32>
      %mul3A_57 = arith.mulf %get3A_51, %get3A_51 : vector<16xf32>
      %add3A_58 = arith.addf %mul3A_56, %mul3A_57 : vector<16xf32>
      %mul3A_59 = arith.mulf %get3A_55, %get3A_55 : vector<16xf32>
      %add3A_60 = arith.addf %add3A_58, %mul3A_59 : vector<16xf32>
      %mul3A_61 = arith.constant 16 : i32
      %mul3A_62 = arith.muli %scan3A_43, %mul3A_61 : i32
      %swap3A = arith.index_cast %mul3A_62 : i32 to index
      %swap3A_63 = tpu.vector_load %arg27[%swap3A] {strides = array<i32>} : memref<2048xf32, #tpu.memory_space<vmem>>, vector<16xf32>,
      tpu.vector_store %arg27[%swap3A], %add3A_60 {strides = array<i32>} : memref<2048xf32, #tpu.memory_space<vmem>>, vector<16xf32>,
      %bitcast3A = vector.bitcast %get3A_47 : vector<16xf32> to vector<16xi32>
      %add3A_64 = arith.constant 32767 : i32
      %add3A_65 = vector.broadcast %add3A_64 : i32 to vector<16xi32>
      %add3A_66 = arith.addi %bitcast3A, %add3A_65 : vector<16xi32>
      %shift_right_arithmetic3A = arith.constant 16 : i32
      %shift_right_arithmetic3A_67 = vector.broadcast %shift_right_arithmetic3A : i32 to vector<16xi32>
      %shift_right_arithmetic3A_68 = arith.shrsi %bitcast3A, %shift_right_arithmetic3A_67 : vector<16xi32>
      %and3A_69 = arith.constant 1 : i32
      %and3A_70 = vector.broadcast %and3A_69 : i32 to vector<16xi32>
      %and3A_71 = arith.andi %shift_right_arithmetic3A_68, %and3A_70 : vector<16xi32>
      %add3A_72 = arith.addi %add3A_66, %and3A_71 : vector<16xi32>
      %and3A_73 = arith.constant -65536 : i32
      %and3A_74 = vector.broadcast %and3A_73 : i32 to vector<16xi32>
      %and3A_75 = arith.andi %add3A_72, %and3A_74 : vector<16xi32>
      %bitcast3A_76 = vector.bitcast %and3A_75 : vector<16xi32> to vector<16xf32>
      %mul3A_77 = arith.constant 16 : i32
      %mul3A_78 = arith.muli %scan3A_43, %mul3A_77 : i32
      %swap3A_79 = arith.index_cast %mul3A_78 : i32 to index
      %swap3A_80 = tpu.vector_load %arg15[%swap3A_79] {strides = array<i32>} : memref<2048xf32, #tpu.memory_space<vmem>>, vector<16xf32>,
      tpu.vector_store %arg15[%swap3A_79], %bitcast3A_76 {strides = array<i32>} : memref<2048xf32, #tpu.memory_space<vmem>>, vector<16xf32>,
      %bitcast3A_81 = vector.bitcast %get3A_51 : vector<16xf32> to vector<16xi32>
      %add3A_82 = arith.constant 32767 : i32
      %add3A_83 = vector.broadcast %add3A_82 : i32 to vector<16xi32>
      %add3A_84 = arith.addi %bitcast3A_81, %add3A_83 : vector<16xi32>
      %shift_right_arithmetic3A_85 = arith.constant 16 : i32
      %shift_right_arithmetic3A_86 = vector.broadcast %shift_right_arithmetic3A_85 : i32 to vector<16xi32>
      %shift_right_arithmetic3A_87 = arith.shrsi %bitcast3A_81, %shift_right_arithmetic3A_86 : vector<16xi32>
      %and3A_88 = arith.constant 1 : i32
      %and3A_89 = vector.broadcast %and3A_88 : i32 to vector<16xi32>
      %and3A_90 = arith.andi %shift_right_arithmetic3A_87, %and3A_89 : vector<16xi32>
      %add3A_91 = arith.addi %add3A_84, %and3A_90 : vector<16xi32>
      %and3A_92 = arith.constant -65536 : i32
      %and3A_93 = vector.broadcast %and3A_92 : i32 to vector<16xi32>
      %and3A_94 = arith.andi %add3A_91, %and3A_93 : vector<16xi32>
      %bitcast3A_95 = vector.bitcast %and3A_94 : vector<16xi32> to vector<16xf32>
      %mul3A_96 = arith.constant 16 : i32
      %mul3A_97 = arith.muli %scan3A_43, %mul3A_96 : i32
      %swap3A_98 = arith.index_cast %mul3A_97 : i32 to index
      %swap3A_99 = tpu.vector_load %arg16[%swap3A_98] {strides = array<i32>} : memref<2048xf32, #tpu.memory_space<vmem>>, vector<16xf32>,
      tpu.vector_store %arg16[%swap3A_98], %bitcast3A_95 {strides = array<i32>} : memref<2048xf32, #tpu.memory_space<vmem>>, vector<16xf32>,
      %bitcast3A_100 = vector.bitcast %get3A_55 : vector<16xf32> to vector<16xi32>
      %add3A_101 = arith.constant 32767 : i32
      %add3A_102 = vector.broadcast %add3A_101 : i32 to vector<16xi32>
      %add3A_103 = arith.addi %bitcast3A_100, %add3A_102 : vector<16xi32>
      %shift_right_arithmetic3A_104 = arith.constant 16 : i32
      %shift_right_arithmetic3A_105 = vector.broadcast %shift_right_arithmetic3A_104 : i32 to vector<16xi32>
      %shift_right_arithmetic3A_106 = arith.shrsi %bitcast3A_100, %shift_right_arithmetic3A_105 : vector<16xi32>
      %and3A_107 = arith.constant 1 : i32
      %and3A_108 = vector.broadcast %and3A_107 : i32 to vector<16xi32>
      %and3A_109 = arith.andi %shift_right_arithmetic3A_106, %and3A_108 : vector<16xi32>
      %add3A_110 = arith.addi %add3A_103, %and3A_109 : vector<16xi32>
      %and3A_111 = arith.constant -65536 : i32
      %and3A_112 = vector.broadcast %and3A_111 : i32 to vector<16xi32>
      %and3A_113 = arith.andi %add3A_110, %and3A_112 : vector<16xi32>
      %bitcast3A_114 = vector.bitcast %and3A_113 : vector<16xi32> to vector<16xf32>
      %mul3A_115 = arith.constant 16 : i32
      %mul3A_116 = arith.muli %scan3A_43, %mul3A_115 : i32
      %swap3A_117 = arith.index_cast %mul3A_116 : i32 to index
      %swap3A_118 = tpu.vector_load %arg17[%swap3A_117] {strides = array<i32>} : memref<2048xf32, #tpu.memory_space<vmem>>, vector<16xf32>,
      tpu.vector_store %arg17[%swap3A_117], %bitcast3A_114 {strides = array<i32>} : memref<2048xf32, #tpu.memory_space<vmem>>, vector<16xf32>,
      %scan3A_119 = arith.constant 0 : i32
      scf.yield %scan3A_119 : i32
    }
    %scan3A_27 = arith.constant 128 : i32
    %scan3A_28 = arith.constant 0 : i32
    %scan3A_29 = arith.constant 0 : i32
    %scan3A_30 = arith.constant 128 : i32
    %scan3A_31 = arith.addi %scan3A_29, %scan3A_30 : i32
    %scan3A_32 = arith.constant 1 : i32
    %scan3A_33 = scf.for %scan3A_43 = %scan3A_29 to %scan3A_31 step %scan3A_32 iter_args(%scan3A_44 = %scan3A_28) -> (i32)  : i32 {
      %jit3A_45 = arith.constant 16 : i32
      %div3A_46 = arith.divsi %scan3A_43, %jit3A_45 : i32
      %sign3A_47 = arith.constant 0 : i32
      %sign3A_48 = arith.cmpi sgt, %scan3A_43, %sign3A_47 : i32
      %sign3A_49 = arith.extui %sign3A_48 : i1 to i32
      %sign3A_50 = arith.constant 0 : i32
      %sign3A_51 = arith.cmpi slt, %scan3A_43, %sign3A_50 : i32
      %sign3A_52 = arith.extui %sign3A_51 : i1 to i32
      %sign3A_53 = arith.subi %sign3A_49, %sign3A_52 : i32
      %sign3A_54 = arith.constant 0 : i32
      %sign3A_55 = arith.cmpi sgt, %jit3A_45, %sign3A_54 : i32
      %sign3A_56 = arith.extui %sign3A_55 : i1 to i32
      %sign3A_57 = arith.constant 0 : i32
      %sign3A_58 = arith.cmpi slt, %jit3A_45, %sign3A_57 : i32
      %sign3A_59 = arith.extui %sign3A_58 : i1 to i32
      %sign3A_60 = arith.subi %sign3A_56, %sign3A_59 : i32
      %ne3A_61 = arith.cmpi ne, %sign3A_53, %sign3A_60 : i32
      %rem3A_62 = arith.remsi %scan3A_43, %jit3A_45 : i32
      %ne3A_63 = arith.constant 0 : i32
      %ne3A_64 = arith.cmpi ne, %rem3A_62, %ne3A_63 : i32
      %and3A_65 = arith.andi %ne3A_61, %ne3A_64 : i1
      %sub3A_66 = arith.constant 1 : i32
      %sub3A_67 = arith.subi %div3A_46, %sub3A_66 : i32
      %select_n3A_68 = arith.select %and3A_65, %sub3A_67, %div3A_46 : i32
      %mul3A_69 = arith.constant 16 : i32
      %mul3A_70 = arith.muli %select_n3A_68, %mul3A_69 : i32
      %sub3A_71 = arith.subi %scan3A_43, %mul3A_70 : i32
      %add3A_72 = vector.broadcast %sub3A_71 : i32 to vector<16xi32>
      %add3A_73 = arith.addi %broadcast_in_dim3A_19, %add3A_72 : vector<16xi32>
      %get3A = arith.index_cast %mul3A_70 : i32 to index
      %get3A_74 = tpu.vector_load %arg18[%get3A] {strides = array<i32>} : memref<128xf32, #tpu.memory_space<vmem>>, vector<16xf32>,
      %lt3A = arith.constant 0 : i32
      %lt3A_75 = vector.broadcast %lt3A : i32 to vector<16xi32>
      %lt3A_76 = arith.cmpi slt, %add3A_73, %lt3A_75 : vector<16xi32>
      %add3A_77 = arith.constant 16 : i32
      %add3A_78 = vector.broadcast %add3A_77 : i32 to vector<16xi32>
      %add3A_79 = arith.addi %add3A_73, %add3A_78 : vector<16xi32>
      %select_n3A_80 = arith.select %lt3A_76, %add3A_79, %add3A_73 : vector<16xi1>, vector<16xi32>
      %broadcast_in_dim3A_81 = vector.shape_cast %select_n3A_80 : vector<16xi32> to vector<16x1xi32>
      %gather3A = vector.shape_cast %broadcast_in_dim3A_81 : vector<16x1xi32> to vector<16xi32>
      %gather3A_82 = tpu.dynamic_gather %get3A_74[%gather3A] in [0] : vector<16xf32>, vector<16xi32> -> vector<16xf32>
      %get3A_83 = arith.index_cast %mul3A_70 : i32 to index
      %get3A_84 = tpu.vector_load %arg19[%get3A_83] {strides = array<i32>} : memref<128xf32, #tpu.memory_space<vmem>>, vector<16xf32>,
      %lt3A_85 = arith.constant 0 : i32
      %lt3A_86 = vector.broadcast %lt3A_85 : i32 to vector<16xi32>
      %lt3A_87 = arith.cmpi slt, %add3A_73, %lt3A_86 : vector<16xi32>
      %add3A_88 = arith.constant 16 : i32
      %add3A_89 = vector.broadcast %add3A_88 : i32 to vector<16xi32>
      %add3A_90 = arith.addi %add3A_73, %add3A_89 : vector<16xi32>
      %select_n3A_91 = arith.select %lt3A_87, %add3A_90, %add3A_73 : vector<16xi1>, vector<16xi32>
      %broadcast_in_dim3A_92 = vector.shape_cast %select_n3A_91 : vector<16xi32> to vector<16x1xi32>
      %gather3A_93 = vector.shape_cast %broadcast_in_dim3A_92 : vector<16x1xi32> to vector<16xi32>
      %gather3A_94 = tpu.dynamic_gather %get3A_84[%gather3A_93] in [0] : vector<16xf32>, vector<16xi32> -> vector<16xf32>
      %get3A_95 = arith.index_cast %mul3A_70 : i32 to index
      %get3A_96 = tpu.vector_load %arg20[%get3A_95] {strides = array<i32>} : memref<128xf32, #tpu.memory_space<vmem>>, vector<16xf32>,
      %lt3A_97 = arith.constant 0 : i32
      %lt3A_98 = vector.broadcast %lt3A_97 : i32 to vector<16xi32>
      %lt3A_99 = arith.cmpi slt, %add3A_73, %lt3A_98 : vector<16xi32>
      %add3A_100 = arith.constant 16 : i32
      %add3A_101 = vector.broadcast %add3A_100 : i32 to vector<16xi32>
      %add3A_102 = arith.addi %add3A_73, %add3A_101 : vector<16xi32>
      %select_n3A_103 = arith.select %lt3A_99, %add3A_102, %add3A_73 : vector<16xi1>, vector<16xi32>
      %broadcast_in_dim3A_104 = vector.shape_cast %select_n3A_103 : vector<16xi32> to vector<16x1xi32>
      %gather3A_105 = vector.shape_cast %broadcast_in_dim3A_104 : vector<16x1xi32> to vector<16xi32>
      %gather3A_106 = tpu.dynamic_gather %get3A_96[%gather3A_105] in [0] : vector<16xf32>, vector<16xi32> -> vector<16xf32>
      %mul3A_107 = arith.mulf %gather3A_82, %gather3A_82 : vector<16xf32>
      %mul3A_108 = arith.mulf %gather3A_94, %gather3A_94 : vector<16xf32>
      %add3A_109 = arith.addf %mul3A_107, %mul3A_108 : vector<16xf32>
      %mul3A_110 = arith.mulf %gather3A_106, %gather3A_106 : vector<16xf32>
      %add3A_111 = arith.addf %add3A_109, %mul3A_110 : vector<16xf32>
      %bitcast3A = vector.bitcast %gather3A_82 : vector<16xf32> to vector<16xi32>
      %add3A_112 = arith.constant 32767 : i32
      %add3A_113 = vector.broadcast %add3A_112 : i32 to vector<16xi32>
      %add3A_114 = arith.addi %bitcast3A, %add3A_113 : vector<16xi32>
      %shift_right_arithmetic3A = arith.constant 16 : i32
      %shift_right_arithmetic3A_115 = vector.broadcast %shift_right_arithmetic3A : i32 to vector<16xi32>
      %shift_right_arithmetic3A_116 = arith.shrsi %bitcast3A, %shift_right_arithmetic3A_115 : vector<16xi32>
      %and3A_117 = arith.constant 1 : i32
      %and3A_118 = vector.broadcast %and3A_117 : i32 to vector<16xi32>
      %and3A_119 = arith.andi %shift_right_arithmetic3A_116, %and3A_118 : vector<16xi32>
      %add3A_120 = arith.addi %add3A_114, %and3A_119 : vector<16xi32>
      %and3A_121 = arith.constant -65536 : i32
      %and3A_122 = vector.broadcast %and3A_121 : i32 to vector<16xi32>
      %and3A_123 = arith.andi %add3A_120, %and3A_122 : vector<16xi32>
      %bitcast3A_124 = vector.bitcast %and3A_123 : vector<16xi32> to vector<16xf32>
      %bitcast3A_125 = vector.bitcast %gather3A_94 : vector<16xf32> to vector<16xi32>
      %add3A_126 = arith.constant 32767 : i32
      %add3A_127 = vector.broadcast %add3A_126 : i32 to vector<16xi32>
      %add3A_128 = arith.addi %bitcast3A_125, %add3A_127 : vector<16xi32>
      %shift_right_arithmetic3A_129 = arith.constant 16 : i32
      %shift_right_arithmetic3A_130 = vector.broadcast %shift_right_arithmetic3A_129 : i32 to vector<16xi32>
      %shift_right_arithmetic3A_131 = arith.shrsi %bitcast3A_125, %shift_right_arithmetic3A_130 : vector<16xi32>
      %and3A_132 = arith.constant 1 : i32
      %and3A_133 = vector.broadcast %and3A_132 : i32 to vector<16xi32>
      %and3A_134 = arith.andi %shift_right_arithmetic3A_131, %and3A_133 : vector<16xi32>
      %add3A_135 = arith.addi %add3A_128, %and3A_134 : vector<16xi32>
      %and3A_136 = arith.constant -65536 : i32
      %and3A_137 = vector.broadcast %and3A_136 : i32 to vector<16xi32>
      %and3A_138 = arith.andi %add3A_135, %and3A_137 : vector<16xi32>
      %bitcast3A_139 = vector.bitcast %and3A_138 : vector<16xi32> to vector<16xf32>
      %bitcast3A_140 = vector.bitcast %gather3A_106 : vector<16xf32> to vector<16xi32>
      %add3A_141 = arith.constant 32767 : i32
      %add3A_142 = vector.broadcast %add3A_141 : i32 to vector<16xi32>
      %add3A_143 = arith.addi %bitcast3A_140, %add3A_142 : vector<16xi32>
      %shift_right_arithmetic3A_144 = arith.constant 16 : i32
      %shift_right_arithmetic3A_145 = vector.broadcast %shift_right_arithmetic3A_144 : i32 to vector<16xi32>
      %shift_right_arithmetic3A_146 = arith.shrsi %bitcast3A_140, %shift_right_arithmetic3A_145 : vector<16xi32>
      %and3A_147 = arith.constant 1 : i32
      %and3A_148 = vector.broadcast %and3A_147 : i32 to vector<16xi32>
      %and3A_149 = arith.andi %shift_right_arithmetic3A_146, %and3A_148 : vector<16xi32>
      %add3A_150 = arith.addi %add3A_143, %and3A_149 : vector<16xi32>
      %and3A_151 = arith.constant -65536 : i32
      %and3A_152 = vector.broadcast %and3A_151 : i32 to vector<16xi32>
      %and3A_153 = arith.andi %add3A_150, %and3A_152 : vector<16xi32>
      %bitcast3A_154 = vector.bitcast %and3A_153 : vector<16xi32> to vector<16xf32>
      %scan3A_155 = arith.constant 0 : i32
      %scan3A_156 = arith.constant 128 : i32
      %scan3A_157 = arith.addi %scan3A_155, %scan3A_156 : i32
      %scan3A_158 = arith.constant 1 : i32
      %scan3A_159 = scf.for %scan3A_278 = %scan3A_155 to %scan3A_157 step %scan3A_158 iter_args(%scan3A_279 = %broadcast_in_dim3A_19) -> (vector<16xi32>)  : i32 {
        %mul3A_280 = arith.constant 16 : i32
        %mul3A_281 = arith.muli %scan3A_278, %mul3A_280 : i32
        %get3A_282 = arith.index_cast %mul3A_281 : i32 to index
        %get3A_283 = tpu.vector_load %arg15[%get3A_282] {strides = array<i32>} : memref<2048xf32, #tpu.memory_space<vmem>>, vector<16xf32>,
        %mul3A_284 = arith.mulf %get3A_283, %bitcast3A_124 : vector<16xf32>
        %mul3A_285 = arith.constant 16 : i32
        %mul3A_286 = arith.muli %scan3A_278, %mul3A_285 : i32
        %get3A_287 = arith.index_cast %mul3A_286 : i32 to index
        %get3A_288 = tpu.vector_load %arg16[%get3A_287] {strides = array<i32>} : memref<2048xf32, #tpu.memory_space<vmem>>, vector<16xf32>,
        %mul3A_289 = arith.mulf %get3A_288, %bitcast3A_139 : vector<16xf32>
        %add3A_290 = arith.addf %mul3A_284, %mul3A_289 : vector<16xf32>
        %mul3A_291 = arith.constant 16 : i32
        %mul3A_292 = arith.muli %scan3A_278, %mul3A_291 : i32
        %get3A_293 = arith.index_cast %mul3A_292 : i32 to index
        %get3A_294 = tpu.vector_load %arg17[%get3A_293] {strides = array<i32>} : memref<2048xf32, #tpu.memory_space<vmem>>, vector<16xf32>,
        %mul3A_295 = arith.mulf %get3A_294, %bitcast3A_154 : vector<16xf32>
        %add3A_296 = arith.addf %add3A_290, %mul3A_295 : vector<16xf32>
        %mul3A_297 = arith.constant 16 : i32
        %mul3A_298 = arith.muli %scan3A_278, %mul3A_297 : i32
        %get3A_299 = arith.index_cast %mul3A_298 : i32 to index
        %get3A_300 = tpu.vector_load %arg27[%get3A_299] {strides = array<i32>} : memref<2048xf32, #tpu.memory_space<vmem>>, vector<16xf32>,
        %add3A_301 = arith.addf %add3A_111, %get3A_300 : vector<16xf32>
        %mul3A_302 = arith.constant 2.000000e+00 : f32
        %mul3A_303 = vector.broadcast %mul3A_302 : f32 to vector<16xf32>
        %mul3A_304 = arith.mulf %mul3A_303, %add3A_296 : vector<16xf32>
        %sub3A_305 = arith.subf %add3A_301, %mul3A_304 : vector<16xf32>
        %le3A = arith.constant 4.000000e-02 : f32
        %le3A_306 = vector.broadcast %le3A : f32 to vector<16xf32>
        %le3A_307 = arith.cmpf ole, %sub3A_305, %le3A_306 : vector<16xf32>
        %convert_element_type3A = arith.extui %le3A_307 : vector<16xi1> to vector<16xi32>
        %broadcast_in_dim3A_308 = arith.constant true
        %broadcast_in_dim3A_309 = vector.broadcast %broadcast_in_dim3A_308 : i1 to vector<16xi1>
        %masked_cumsum3A = tpu.scan <sum>, %convert_element_type3A masked %broadcast_in_dim3A_309 : vector<16xi32>, vector<16xi1> -> vector<16xi32>
        %add3A_310 = arith.addi %masked_cumsum3A, %scan3A_279 : vector<16xi32>
        %sub3A_311 = arith.constant 1 : i32
        %sub3A_312 = vector.broadcast %sub3A_311 : i32 to vector<16xi32>
        %sub3A_313 = arith.subi %add3A_310, %sub3A_312 : vector<16xi32>
        %min3A_314 = arith.constant 511 : i32
        %min3A_315 = vector.broadcast %min3A_314 : i32 to vector<16xi32>
        %min3A_316 = arith.minsi %sub3A_313, %min3A_315 : vector<16xi32>
        tpu.vector_store_idx %arg21[%min3A_316], %sub3A_305 masked %le3A_307 : memref<512xf32, #tpu.memory_space<vmem>>[vector<16xi32>], vector<16xf32>, vector<16xi1>
        %mul3A_317 = arith.constant 16 : i32
        %mul3A_318 = arith.muli %scan3A_278, %mul3A_317 : i32
        %add3A_319 = vector.broadcast %mul3A_318 : i32 to vector<16xi32>
        %add3A_320 = arith.addi %iota3A, %add3A_319 : vector<16xi32>
        tpu.vector_store_idx %arg22[%min3A_316], %add3A_320 masked %le3A_307 : memref<512xi32, #tpu.memory_space<vmem>>[vector<16xi32>], vector<16xi32>, vector<16xi1>
        %all_reduce_population_count3A = tpu.all_reduce %le3A_307 {dim = 0 : i64, kind = #tpu.reduction_kind<sum>} : vector<16xi1> -> vector<16xi32>
        %add3A_321 = arith.addi %scan3A_279, %all_reduce_population_count3A : vector<16xi32>
        scf.yield %add3A_321 : vector<16xi32>
      }
      %scan3A_160 = arith.constant 128 : i32
      %reduce_max3A = arith.constant true
      %reduce_max3A_161 = vector.broadcast %reduce_max3A : i1 to vector<16xi1>
      %reduce_max3A_162 = arith.constant -2147483648 : i32
      %reduce_max3A_163 = vector.broadcast %reduce_max3A_162 : i32 to vector<16xi32>
      %reduce_max3A_164 = arith.xori %scan3A_159, %reduce_max3A_163 : vector<16xi32>
      %reduce_max3A_165 = tpu.scan <max>, %reduce_max3A_164 masked %reduce_max3A_161 : vector<16xi32>, vector<16xi1> -> vector<16xi32>
      %reduce_max3A_166 = arith.xori %reduce_max3A_165, %reduce_max3A_163 : vector<16xi32>
      %reduce_max3A_167 = vector.extract %reduce_max3A_166[15] : i32 from vector<16xi32>
      %min3A = arith.constant 512 : i32
      %min3A_168 = arith.minsi %reduce_max3A_167, %min3A : i32
      %min3A_169 = arith.constant 496 : i32
      %min3A_170 = arith.minsi %min3A_168, %min3A_169 : i32
      %swap3A = arith.index_cast %min3A_170 : i32 to index
      %swap3A_171 = tpu.vector_load %arg21[%swap3A] {strides = array<i32>} : memref<512xf32, #tpu.memory_space<vmem>>, vector<16xf32>,
      tpu.vector_store %arg21[%swap3A], %broadcast_in_dim3A_21 {strides = array<i32>} : memref<512xf32, #tpu.memory_space<vmem>>, vector<16xf32>,
      %add3A_172 = arith.constant 15 : i32
      %add3A_173 = arith.addi %min3A_168, %add3A_172 : i32
      %jit3A_174 = arith.constant 16 : i32
      %div3A_175 = arith.divsi %add3A_173, %jit3A_174 : i32
      %sign3A_176 = arith.constant 0 : i32
      %sign3A_177 = arith.cmpi sgt, %add3A_173, %sign3A_176 : i32
      %sign3A_178 = arith.extui %sign3A_177 : i1 to i32
      %sign3A_179 = arith.constant 0 : i32
      %sign3A_180 = arith.cmpi slt, %add3A_173, %sign3A_179 : i32
      %sign3A_181 = arith.extui %sign3A_180 : i1 to i32
      %sign3A_182 = arith.subi %sign3A_178, %sign3A_181 : i32
      %sign3A_183 = arith.constant 0 : i32
      %sign3A_184 = arith.cmpi sgt, %jit3A_174, %sign3A_183 : i32
      %sign3A_185 = arith.extui %sign3A_184 : i1 to i32
      %sign3A_186 = arith.constant 0 : i32
      %sign3A_187 = arith.cmpi slt, %jit3A_174, %sign3A_186 : i32
      %sign3A_188 = arith.extui %sign3A_187 : i1 to i32
      %sign3A_189 = arith.subi %sign3A_185, %sign3A_188 : i32
      %ne3A_190 = arith.cmpi ne, %sign3A_182, %sign3A_189 : i32
      %rem3A_191 = arith.remsi %add3A_173, %jit3A_174 : i32
      %ne3A_192 = arith.constant 0 : i32
      %ne3A_193 = arith.cmpi ne, %rem3A_191, %ne3A_192 : i32
      %and3A_194 = arith.andi %ne3A_190, %ne3A_193 : i1
      %sub3A_195 = arith.constant 1 : i32
      %sub3A_196 = arith.subi %div3A_175, %sub3A_195 : i32
      %select_n3A_197 = arith.select %and3A_194, %sub3A_196, %div3A_175 : i32
      %while3A = arith.constant 0 : i32
      %while3A_198 = arith.subi %select_n3A_197, %while3A : i32
      %while3A_199 = arith.addi %while3A, %while3A_198 : i32
      %while3A_200 = arith.constant 1 : i32
      %while3A_201 = arith.divsi %while3A_198, %while3A_200 : i32
      %while3A_202 = arith.muli %while3A_201, %while3A_200 : i32
      %while3A_203 = arith.addi %while3A, %while3A_202 : i32
      %while3A_204 = arith.constant 1 : i32
      %while3A_205:4 = scf.for %while3A_278 = %while3A to %while3A_203 step %while3A_204 iter_args(%while3A_279 = %broadcast_in_dim3A_21, %while3A_280 = %broadcast_in_dim3A_19, %while3A_281 = %broadcast_in_dim3A_21, %while3A_282 = %broadcast_in_dim3A_19) -> (vector<16xf32>, vector<16xi32>, vector<16xf32>, vector<16xi32>)  : i32 {
        %mul3A_283 = arith.constant 16 : i32
        %mul3A_284 = arith.muli %while3A_278, %mul3A_283 : i32
        %get3A_285 = arith.index_cast %mul3A_284 : i32 to index
        %get3A_286 = tpu.vector_load %arg21[%get3A_285] {strides = array<i32>} : memref<512xf32, #tpu.memory_space<vmem>>, vector<16xf32>,
        %mul3A_287 = arith.constant 16 : i32
        %mul3A_288 = arith.muli %while3A_278, %mul3A_287 : i32
        %get3A_289 = arith.index_cast %mul3A_288 : i32 to index
        %get3A_290 = tpu.vector_load %arg22[%get3A_289] {strides = array<i32>} : memref<512xi32, #tpu.memory_space<vmem>>, vector<16xi32>,
        %masked_sort3A = arith.constant dense<true> : vector<16xi1>
        %masked_sort3A_291, %masked_sort3A_292, %masked_sort3A_293 = tpu.sort %get3A_286, %get3A_290 masked %masked_sort3A : (vector<16xf32>, vector<16xi32>, vector<16xi1>) -> (vector<16xi1>, vector<16xf32>, vector<16xi32>)
        %rev3A = arith.constant 15 : i32
        %rev3A_294 = vector.broadcast %rev3A : i32 to vector<16xi32>
        %rev3A_295 = tpu.iota {dimensions = array<i32: 0>} : vector<16xi32>
        %rev3A_296 = arith.subi %rev3A_294, %rev3A_295 : vector<16xi32>
        %rev3A_297 = tpu.dynamic_gather %masked_sort3A_292[%rev3A_296] in [0] : vector<16xf32>, vector<16xi32> -> vector<16xf32>
        %rev3A_298 = arith.constant 15 : i32
        %rev3A_299 = vector.broadcast %rev3A_298 : i32 to vector<16xi32>
        %rev3A_300 = tpu.iota {dimensions = array<i32: 0>} : vector<16xi32>
        %rev3A_301 = arith.subi %rev3A_299, %rev3A_300 : vector<16xi32>
        %rev3A_302 = tpu.dynamic_gather %masked_sort3A_293[%rev3A_301] in [0] : vector<16xi32>, vector<16xi32> -> vector<16xi32>
        %le3A = arith.cmpf ole, %while3A_281, %rev3A_297 : vector<16xf32>
        %select_n3A_303 = arith.select %le3A, %while3A_281, %rev3A_297 : vector<16xi1>, vector<16xf32>
        %select_n3A_304 = arith.select %le3A, %while3A_282, %rev3A_302 : vector<16xi1>, vector<16xi32>
        %masked_sort3A_305 = arith.constant dense<true> : vector<16xi1>
        %masked_sort3A_306, %masked_sort3A_307, %masked_sort3A_308 = tpu.sort %select_n3A_303, %select_n3A_304 masked %masked_sort3A_305 : (vector<16xf32>, vector<16xi32>, vector<16xi1>) -> (vector<16xi1>, vector<16xf32>, vector<16xi32>)
        %rev3A_309 = arith.constant 15 : i32
        %rev3A_310 = vector.broadcast %rev3A_309 : i32 to vector<16xi32>
        %rev3A_311 = tpu.iota {dimensions = array<i32: 0>} : vector<16xi32>
        %rev3A_312 = arith.subi %rev3A_310, %rev3A_311 : vector<16xi32>
        %rev3A_313 = tpu.dynamic_gather %masked_sort3A_307[%rev3A_312] in [0] : vector<16xf32>, vector<16xi32> -> vector<16xf32>
        %rev3A_314 = arith.constant 15 : i32
        %rev3A_315 = vector.broadcast %rev3A_314 : i32 to vector<16xi32>
        %rev3A_316 = tpu.iota {dimensions = array<i32: 0>} : vector<16xi32>
        %rev3A_317 = arith.subi %rev3A_315, %rev3A_316 : vector<16xi32>
        %rev3A_318 = tpu.dynamic_gather %masked_sort3A_308[%rev3A_317] in [0] : vector<16xi32>, vector<16xi32> -> vector<16xi32>
        %le3A_319 = arith.cmpf ole, %while3A_279, %rev3A_313 : vector<16xf32>
        %select_n3A_320 = arith.select %le3A_319, %while3A_279, %rev3A_313 : vector<16xi1>, vector<16xf32>
        %select_n3A_321 = arith.select %le3A_319, %while3A_280, %rev3A_318 : vector<16xi1>, vector<16xi32>
        %select_n3A_322 = arith.select %le3A_319, %rev3A_313, %while3A_279 : vector<16xi1>, vector<16xf32>
        %select_n3A_323 = arith.select %le3A_319, %rev3A_318, %while3A_280 : vector<16xi1>, vector<16xi32>
        %masked_sort3A_324 = arith.constant dense<true> : vector<16xi1>
        %masked_sort3A_325, %masked_sort3A_326, %masked_sort3A_327 = tpu.sort %select_n3A_320, %select_n3A_321 masked %masked_sort3A_324 : (vector<16xf32>, vector<16xi32>, vector<16xi1>) -> (vector<16xi1>, vector<16xf32>, vector<16xi32>)
        %masked_sort3A_328 = arith.constant dense<true> : vector<16xi1>
        %masked_sort3A_329, %masked_sort3A_330, %masked_sort3A_331 = tpu.sort %select_n3A_322, %select_n3A_323 masked %masked_sort3A_328 : (vector<16xf32>, vector<16xi32>, vector<16xi1>) -> (vector<16xi1>, vector<16xf32>, vector<16xi32>)
        scf.yield %masked_sort3A_326, %masked_sort3A_327, %masked_sort3A_330, %masked_sort3A_331 : vector<16xf32>, vector<16xi32>, vector<16xf32>, vector<16xi32>
      }
      %while3A_206 = arith.constant 1 : i32
      %while3A_207:4 = scf.for %while3A_278 = %while3A_203 to %while3A_199 step %while3A_206 iter_args(%while3A_279 = %while3A_205#0, %while3A_280 = %while3A_205#1, %while3A_281 = %while3A_205#2, %while3A_282 = %while3A_205#3) -> (vector<16xf32>, vector<16xi32>, vector<16xf32>, vector<16xi32>)  : i32 {
        %mul3A_283 = arith.constant 16 : i32
        %mul3A_284 = arith.muli %while3A_278, %mul3A_283 : i32
        %get3A_285 = arith.index_cast %mul3A_284 : i32 to index
        %get3A_286 = tpu.vector_load %arg21[%get3A_285] {strides = array<i32>} : memref<512xf32, #tpu.memory_space<vmem>>, vector<16xf32>,
        %mul3A_287 = arith.constant 16 : i32
        %mul3A_288 = arith.muli %while3A_278, %mul3A_287 : i32
        %get3A_289 = arith.index_cast %mul3A_288 : i32 to index
        %get3A_290 = tpu.vector_load %arg22[%get3A_289] {strides = array<i32>} : memref<512xi32, #tpu.memory_space<vmem>>, vector<16xi32>,
        %masked_sort3A = arith.constant dense<true> : vector<16xi1>
        %masked_sort3A_291, %masked_sort3A_292, %masked_sort3A_293 = tpu.sort %get3A_286, %get3A_290 masked %masked_sort3A : (vector<16xf32>, vector<16xi32>, vector<16xi1>) -> (vector<16xi1>, vector<16xf32>, vector<16xi32>)
        %rev3A = arith.constant 15 : i32
        %rev3A_294 = vector.broadcast %rev3A : i32 to vector<16xi32>
        %rev3A_295 = tpu.iota {dimensions = array<i32: 0>} : vector<16xi32>
        %rev3A_296 = arith.subi %rev3A_294, %rev3A_295 : vector<16xi32>
        %rev3A_297 = tpu.dynamic_gather %masked_sort3A_292[%rev3A_296] in [0] : vector<16xf32>, vector<16xi32> -> vector<16xf32>
        %rev3A_298 = arith.constant 15 : i32
        %rev3A_299 = vector.broadcast %rev3A_298 : i32 to vector<16xi32>
        %rev3A_300 = tpu.iota {dimensions = array<i32: 0>} : vector<16xi32>
        %rev3A_301 = arith.subi %rev3A_299, %rev3A_300 : vector<16xi32>
        %rev3A_302 = tpu.dynamic_gather %masked_sort3A_293[%rev3A_301] in [0] : vector<16xi32>, vector<16xi32> -> vector<16xi32>
        %le3A = arith.cmpf ole, %while3A_281, %rev3A_297 : vector<16xf32>
        %select_n3A_303 = arith.select %le3A, %while3A_281, %rev3A_297 : vector<16xi1>, vector<16xf32>
        %select_n3A_304 = arith.select %le3A, %while3A_282, %rev3A_302 : vector<16xi1>, vector<16xi32>
        %masked_sort3A_305 = arith.constant dense<true> : vector<16xi1>
        %masked_sort3A_306, %masked_sort3A_307, %masked_sort3A_308 = tpu.sort %select_n3A_303, %select_n3A_304 masked %masked_sort3A_305 : (vector<16xf32>, vector<16xi32>, vector<16xi1>) -> (vector<16xi1>, vector<16xf32>, vector<16xi32>)
        %rev3A_309 = arith.constant 15 : i32
        %rev3A_310 = vector.broadcast %rev3A_309 : i32 to vector<16xi32>
        %rev3A_311 = tpu.iota {dimensions = array<i32: 0>} : vector<16xi32>
        %rev3A_312 = arith.subi %rev3A_310, %rev3A_311 : vector<16xi32>
        %rev3A_313 = tpu.dynamic_gather %masked_sort3A_307[%rev3A_312] in [0] : vector<16xf32>, vector<16xi32> -> vector<16xf32>
        %rev3A_314 = arith.constant 15 : i32
        %rev3A_315 = vector.broadcast %rev3A_314 : i32 to vector<16xi32>
        %rev3A_316 = tpu.iota {dimensions = array<i32: 0>} : vector<16xi32>
        %rev3A_317 = arith.subi %rev3A_315, %rev3A_316 : vector<16xi32>
        %rev3A_318 = tpu.dynamic_gather %masked_sort3A_308[%rev3A_317] in [0] : vector<16xi32>, vector<16xi32> -> vector<16xi32>
        %le3A_319 = arith.cmpf ole, %while3A_279, %rev3A_313 : vector<16xf32>
        %select_n3A_320 = arith.select %le3A_319, %while3A_279, %rev3A_313 : vector<16xi1>, vector<16xf32>
        %select_n3A_321 = arith.select %le3A_319, %while3A_280, %rev3A_318 : vector<16xi1>, vector<16xi32>
        %select_n3A_322 = arith.select %le3A_319, %rev3A_313, %while3A_279 : vector<16xi1>, vector<16xf32>
        %select_n3A_323 = arith.select %le3A_319, %rev3A_318, %while3A_280 : vector<16xi1>, vector<16xi32>
        %masked_sort3A_324 = arith.constant dense<true> : vector<16xi1>
        %masked_sort3A_325, %masked_sort3A_326, %masked_sort3A_327 = tpu.sort %select_n3A_320, %select_n3A_321 masked %masked_sort3A_324 : (vector<16xf32>, vector<16xi32>, vector<16xi1>) -> (vector<16xi1>, vector<16xf32>, vector<16xi32>)
        %masked_sort3A_328 = arith.constant dense<true> : vector<16xi1>
        %masked_sort3A_329, %masked_sort3A_330, %masked_sort3A_331 = tpu.sort %select_n3A_322, %select_n3A_323 masked %masked_sort3A_328 : (vector<16xf32>, vector<16xi32>, vector<16xi1>) -> (vector<16xi1>, vector<16xf32>, vector<16xi32>)
        scf.yield %masked_sort3A_326, %masked_sort3A_327, %masked_sort3A_330, %masked_sort3A_331 : vector<16xf32>, vector<16xi32>, vector<16xf32>, vector<16xi32>
      }
      %lt3A_208 = arith.constant 0 : i32
      %lt3A_209 = vector.broadcast %lt3A_208 : i32 to vector<16xi32>
      %lt3A_210 = arith.cmpi slt, %broadcast_in_dim3A_19, %lt3A_209 : vector<16xi32>
      %add3A_211 = arith.constant 16 : i32
      %add3A_212 = vector.broadcast %add3A_211 : i32 to vector<16xi32>
      %add3A_213 = arith.addi %broadcast_in_dim3A_19, %add3A_212 : vector<16xi32>
      %select_n3A_214 = arith.select %lt3A_210, %add3A_213, %broadcast_in_dim3A_19 : vector<16xi1>, vector<16xi32>
      %broadcast_in_dim3A_215 = vector.shape_cast %select_n3A_214 : vector<16xi32> to vector<16x1xi32>
      %gather3A_216 = vector.shape_cast %broadcast_in_dim3A_215 : vector<16x1xi32> to vector<16xi32>
      %gather3A_217 = tpu.dynamic_gather %while3A_207#1[%gather3A_216] in [0] : vector<16xi32>, vector<16xi32> -> vector<16xi32>
      %lt3A_218 = arith.cmpi slt, %iota3A, %scan3A_159 : vector<16xi32>
      %select_n3A_219 = arith.select %lt3A_218, %while3A_207#1, %gather3A_217 : vector<16xi1>, vector<16xi32>
      %add3A_220 = arith.constant 16 : i32
      %add3A_221 = vector.broadcast %add3A_220 : i32 to vector<16xi32>
      %add3A_222 = arith.addi %iota3A, %add3A_221 : vector<16xi32>
      %lt3A_223 = arith.cmpi slt, %add3A_222, %scan3A_159 : vector<16xi32>
      %select_n3A_224 = arith.select %lt3A_223, %while3A_207#3, %gather3A_217 : vector<16xi1>, vector<16xi32>
      %mul3A_225 = arith.constant 32 : i32
      %mul3A_226 = arith.muli %scan3A_43, %mul3A_225 : i32
      %swap3A_227 = arith.index_cast %mul3A_226 : i32 to index
      %swap3A_228 = tpu.vector_load %arg23[%swap3A_227] {strides = array<i32>} : memref<4096xi32, #tpu.memory_space<vmem>>, vector<16xi32>,
      tpu.vector_store %arg23[%swap3A_227], %select_n3A_219 {strides = array<i32>} : memref<4096xi32, #tpu.memory_space<vmem>>, vector<16xi32>,
      %mul3A_229 = arith.constant 32 : i32
      %mul3A_230 = arith.muli %scan3A_43, %mul3A_229 : i32
      %add3A_231 = arith.constant 16 : i32
      %add3A_232 = arith.addi %mul3A_230, %add3A_231 : i32
      %swap3A_233 = arith.index_cast %add3A_232 : i32 to index
      %swap3A_234 = tpu.vector_load %arg23[%swap3A_233] {strides = array<i32>} : memref<4096xi32, #tpu.memory_space<vmem>>, vector<16xi32>,
      tpu.vector_store %arg23[%swap3A_233], %select_n3A_224 {strides = array<i32>} : memref<4096xi32, #tpu.memory_space<vmem>>, vector<16xi32>,
      %gather3A_235 = tpu.vector_load_idx %arg12[%select_n3A_219] : memref<2048xf32, #tpu.memory_space<vmem>>[vector<16xi32>], vector<16xf32>,
      %sub3A_236 = arith.subf %gather3A_235, %gather3A_82 : vector<16xf32>
      %mul3A_237 = arith.constant 32 : i32
      %mul3A_238 = arith.muli %scan3A_43, %mul3A_237 : i32
      %swap3A_239 = arith.index_cast %mul3A_238 : i32 to index
      %swap3A_240 = tpu.vector_load %arg24[%swap3A_239] {strides = array<i32>} : memref<4096xf32, #tpu.memory_space<vmem>>, vector<16xf32>,
      tpu.vector_store %arg24[%swap3A_239], %sub3A_236 {strides = array<i32>} : memref<4096xf32, #tpu.memory_space<vmem>>, vector<16xf32>,
      %gather3A_241 = tpu.vector_load_idx %arg12[%select_n3A_224] : memref<2048xf32, #tpu.memory_space<vmem>>[vector<16xi32>], vector<16xf32>,
      %sub3A_242 = arith.subf %gather3A_241, %gather3A_82 : vector<16xf32>
      %mul3A_243 = arith.constant 32 : i32
      %mul3A_244 = arith.muli %scan3A_43, %mul3A_243 : i32
      %add3A_245 = arith.constant 16 : i32
      %add3A_246 = arith.addi %mul3A_244, %add3A_245 : i32
      %swap3A_247 = arith.index_cast %add3A_246 : i32 to index
      %swap3A_248 = tpu.vector_load %arg24[%swap3A_247] {strides = array<i32>} : memref<4096xf32, #tpu.memory_space<vmem>>, vector<16xf32>,
      tpu.vector_store %arg24[%swap3A_247], %sub3A_242 {strides = array<i32>} : memref<4096xf32, #tpu.memory_space<vmem>>, vector<16xf32>,
      %gather3A_249 = tpu.vector_load_idx %arg13[%select_n3A_219] : memref<2048xf32, #tpu.memory_space<vmem>>[vector<16xi32>], vector<16xf32>,
      %sub3A_250 = arith.subf %gather3A_249, %gather3A_94 : vector<16xf32>
      %mul3A_251 = arith.constant 32 : i32
      %mul3A_252 = arith.muli %scan3A_43, %mul3A_251 : i32
      %swap3A_253 = arith.index_cast %mul3A_252 : i32 to index
      %swap3A_254 = tpu.vector_load %arg25[%swap3A_253] {strides = array<i32>} : memref<4096xf32, #tpu.memory_space<vmem>>, vector<16xf32>,
      tpu.vector_store %arg25[%swap3A_253], %sub3A_250 {strides = array<i32>} : memref<4096xf32, #tpu.memory_space<vmem>>, vector<16xf32>,
      %gather3A_255 = tpu.vector_load_idx %arg13[%select_n3A_224] : memref<2048xf32, #tpu.memory_space<vmem>>[vector<16xi32>], vector<16xf32>,
      %sub3A_256 = arith.subf %gather3A_255, %gather3A_94 : vector<16xf32>
      %mul3A_257 = arith.constant 32 : i32
      %mul3A_258 = arith.muli %scan3A_43, %mul3A_257 : i32
      %add3A_259 = arith.constant 16 : i32
      %add3A_260 = arith.addi %mul3A_258, %add3A_259 : i32
      %swap3A_261 = arith.index_cast %add3A_260 : i32 to index
      %swap3A_262 = tpu.vector_load %arg25[%swap3A_261] {strides = array<i32>} : memref<4096xf32, #tpu.memory_space<vmem>>, vector<16xf32>,
      tpu.vector_store %arg25[%swap3A_261], %sub3A_256 {strides = array<i32>} : memref<4096xf32, #tpu.memory_space<vmem>>, vector<16xf32>,
      %gather3A_263 = tpu.vector_load_idx %arg14[%select_n3A_219] : memref<2048xf32, #tpu.memory_space<vmem>>[vector<16xi32>], vector<16xf32>,
      %sub3A_264 = arith.subf %gather3A_263, %gather3A_106 : vector<16xf32>
      %mul3A_265 = arith.constant 32 : i32
      %mul3A_266 = arith.muli %scan3A_43, %mul3A_265 : i32
      %swap3A_267 = arith.index_cast %mul3A_266 : i32 to index
      %swap3A_268 = tpu.vector_load %arg26[%swap3A_267] {strides = array<i32>} : memref<4096xf32, #tpu.memory_space<vmem>>, vector<16xf32>,
      tpu.vector_store %arg26[%swap3A_267], %sub3A_264 {strides = array<i32>} : memref<4096xf32, #tpu.memory_space<vmem>>, vector<16xf32>,
      %gather3A_269 = tpu.vector_load_idx %arg14[%select_n3A_224] : memref<2048xf32, #tpu.memory_space<vmem>>[vector<16xi32>], vector<16xf32>,
      %sub3A_270 = arith.subf %gather3A_269, %gather3A_106 : vector<16xf32>
      %mul3A_271 = arith.constant 32 : i32
      %mul3A_272 = arith.muli %scan3A_43, %mul3A_271 : i32
      %add3A_273 = arith.constant 16 : i32
      %add3A_274 = arith.addi %mul3A_272, %add3A_273 : i32
      %swap3A_275 = arith.index_cast %add3A_274 : i32 to index
      %swap3A_276 = tpu.vector_load %arg26[%swap3A_275] {strides = array<i32>} : memref<4096xf32, #tpu.memory_space<vmem>>, vector<16xf32>,
      tpu.vector_store %arg26[%swap3A_275], %sub3A_270 {strides = array<i32>} : memref<4096xf32, #tpu.memory_space<vmem>>, vector<16xf32>,
      %scan3A_277 = arith.constant 0 : i32
      scf.yield %scan3A_277 : i32
    }
    %scan3A_34 = arith.constant 128 : i32
    %mul3A_35 = arith.constant 32 : i32
    %mul3A_36 = arith.muli %mul3A_18, %mul3A_35 : i32
    "tpu.region"() ({
      %run_scoped3A = tpu.sem_alloc : memref<!tpu.dma_semaphore, #tpu.memory_space<semaphore_mem>>
      %dma_start3A = tpu.memref_slice %arg8[%mul3A_36] : memref<131072xi32, #tpu.memory_space<hbm>> -> memref<4096xi32, #tpu.memory_space<hbm>>
      %dma_start3A_43 = tpu.memref_slice %arg8[%mul3A_36] : memref<131072xi32, #tpu.memory_space<hbm>> -> memref<4096xi32, #tpu.memory_space<hbm>>
      tpu.enqueue_dma source(%arg23 : memref<4096xi32, #tpu.memory_space<vmem>>) target(%dma_start3A_43 : memref<4096xi32, #tpu.memory_space<hbm>>) target_semaphore(%run_scoped3A : memref<!tpu.dma_semaphore, #tpu.memory_space<semaphore_mem>>)
      %dma_wait3A = tpu.memref_slice %arg8[%mul3A_36] : memref<131072xi32, #tpu.memory_space<hbm>> -> memref<4096xi32, #tpu.memory_space<hbm>>
      %dma_wait3A_44 = tpu.memref_slice %arg8[%mul3A_36] : memref<131072xi32, #tpu.memory_space<hbm>> -> memref<4096xi32, #tpu.memory_space<hbm>>
      tpu.wait_dma2 semaphore(%run_scoped3A : memref<!tpu.dma_semaphore, #tpu.memory_space<semaphore_mem>>) src(%arg23 : memref<4096xi32, #tpu.memory_space<vmem>>) dst(%dma_wait3A_44 : memref<4096xi32, #tpu.memory_space<hbm>>)
      tpu.yield
    }) : () -> ()
    %mul3A_37 = arith.constant 32 : i32
    %mul3A_38 = arith.muli %mul3A_18, %mul3A_37 : i32
    "tpu.region"() ({
      %run_scoped3A = tpu.sem_alloc : memref<!tpu.dma_semaphore, #tpu.memory_space<semaphore_mem>>
      %dma_start3A = tpu.memref_slice %arg9[%mul3A_38] : memref<131072xf32, #tpu.memory_space<hbm>> -> memref<4096xf32, #tpu.memory_space<hbm>>
      %dma_start3A_43 = tpu.memref_slice %arg9[%mul3A_38] : memref<131072xf32, #tpu.memory_space<hbm>> -> memref<4096xf32, #tpu.memory_space<hbm>>
      tpu.enqueue_dma source(%arg24 : memref<4096xf32, #tpu.memory_space<vmem>>) target(%dma_start3A_43 : memref<4096xf32, #tpu.memory_space<hbm>>) target_semaphore(%run_scoped3A : memref<!tpu.dma_semaphore, #tpu.memory_space<semaphore_mem>>)
      %dma_wait3A = tpu.memref_slice %arg9[%mul3A_38] : memref<131072xf32, #tpu.memory_space<hbm>> -> memref<4096xf32, #tpu.memory_space<hbm>>
      %dma_wait3A_44 = tpu.memref_slice %arg9[%mul3A_38] : memref<131072xf32, #tpu.memory_space<hbm>> -> memref<4096xf32, #tpu.memory_space<hbm>>
      tpu.wait_dma2 semaphore(%run_scoped3A : memref<!tpu.dma_semaphore, #tpu.memory_space<semaphore_mem>>) src(%arg24 : memref<4096xf32, #tpu.memory_space<vmem>>) dst(%dma_wait3A_44 : memref<4096xf32, #tpu.memory_space<hbm>>)
      tpu.yield
    }) : () -> ()
    %mul3A_39 = arith.constant 32 : i32
    %mul3A_40 = arith.muli %mul3A_18, %mul3A_39 : i32
    "tpu.region"() ({
      %run_scoped3A = tpu.sem_alloc : memref<!tpu.dma_semaphore, #tpu.memory_space<semaphore_mem>>
      %dma_start3A = tpu.memref_slice %arg10[%mul3A_40] : memref<131072xf32, #tpu.memory_space<hbm>> -> memref<4096xf32, #tpu.memory_space<hbm>>
      %dma_start3A_43 = tpu.memref_slice %arg10[%mul3A_40] : memref<131072xf32, #tpu.memory_space<hbm>> -> memref<4096xf32, #tpu.memory_space<hbm>>
      tpu.enqueue_dma source(%arg25 : memref<4096xf32, #tpu.memory_space<vmem>>) target(%dma_start3A_43 : memref<4096xf32, #tpu.memory_space<hbm>>) target_semaphore(%run_scoped3A : memref<!tpu.dma_semaphore, #tpu.memory_space<semaphore_mem>>)
      %dma_wait3A = tpu.memref_slice %arg10[%mul3A_40] : memref<131072xf32, #tpu.memory_space<hbm>> -> memref<4096xf32, #tpu.memory_space<hbm>>
      %dma_wait3A_44 = tpu.memref_slice %arg10[%mul3A_40] : memref<131072xf32, #tpu.memory_space<hbm>> -> memref<4096xf32, #tpu.memory_space<hbm>>
      tpu.wait_dma2 semaphore(%run_scoped3A : memref<!tpu.dma_semaphore, #tpu.memory_space<semaphore_mem>>) src(%arg25 : memref<4096xf32, #tpu.memory_space<vmem>>) dst(%dma_wait3A_44 : memref<4096xf32, #tpu.memory_space<hbm>>)
      tpu.yield
    }) : () -> ()
    %mul3A_41 = arith.constant 32 : i32
    %mul3A_42 = arith.muli %mul3A_18, %mul3A_41 : i32
    "tpu.region"() ({
      %run_scoped3A = tpu.sem_alloc : memref<!tpu.dma_semaphore, #tpu.memory_space<semaphore_mem>>
      %dma_start3A = tpu.memref_slice %arg11[%mul3A_42] : memref<131072xf32, #tpu.memory_space<hbm>> -> memref<4096xf32, #tpu.memory_space<hbm>>
      %dma_start3A_43 = tpu.memref_slice %arg11[%mul3A_42] : memref<131072xf32, #tpu.memory_space<hbm>> -> memref<4096xf32, #tpu.memory_space<hbm>>
      tpu.enqueue_dma source(%arg26 : memref<4096xf32, #tpu.memory_space<vmem>>) target(%dma_start3A_43 : memref<4096xf32, #tpu.memory_space<hbm>>) target_semaphore(%run_scoped3A : memref<!tpu.dma_semaphore, #tpu.memory_space<semaphore_mem>>)
      %dma_wait3A = tpu.memref_slice %arg11[%mul3A_42] : memref<131072xf32, #tpu.memory_space<hbm>> -> memref<4096xf32, #tpu.memory_space<hbm>>
      %dma_wait3A_44 = tpu.memref_slice %arg11[%mul3A_42] : memref<131072xf32, #tpu.memory_space<hbm>> -> memref<4096xf32, #tpu.memory_space<hbm>>
      tpu.wait_dma2 semaphore(%run_scoped3A : memref<!tpu.dma_semaphore, #tpu.memory_space<semaphore_mem>>) src(%arg26 : memref<4096xf32, #tpu.memory_space<vmem>>) dst(%dma_wait3A_44 : memref<4096xf32, #tpu.memory_space<hbm>>)
      tpu.yield
    }) : () -> ()
    return
  }
}

module attributes {stable_mosaic.version = 14 : i64} {
  func.func @_stem_body(%arg0: i32, %arg1: i32, %arg2: memref<1x1024x4xf32, #tpu.memory_space<vmem>>, %arg3: memref<4x64xf32, #tpu.memory_space<vmem>>, %arg4: memref<1x64xf32, #tpu.memory_space<vmem>>, %arg5: memref<1x1024x64xf32, #tpu.memory_space<vmem>>) attributes {dimension_semantics = [#tpu.dimension_semantics<arbitrary>, #tpu.dimension_semantics<arbitrary>], iteration_bounds = array<i64: 2, 8>, scalar_prefetch = 0 : i64, scratch_operands = 0 : i64, tpu.core_type = #tpu.core_type<tc>, window_params = [{transform_indices = @transform_0, window_bounds = array<i64: 1, 1024, 4>}, {pipeline_mode = #tpu.pipeline_mode<synchronous>, transform_indices = @transform_1, window_bounds = array<i64: 4, 64>}, {pipeline_mode = #tpu.pipeline_mode<synchronous>, transform_indices = @transform_2, window_bounds = array<i64: 1, 64>}, {transform_indices = @transform_3, window_bounds = array<i64: 1, 1024, 64>}]} {
    %get3A = arith.constant 0 : index
    %get3A_0 = arith.constant 0 : index
    %get3A_1 = arith.constant 0 : index
    %get3A_2 = vector.load %arg2[%get3A, %get3A_0, %get3A_1] : memref<1x1024x4xf32, #tpu.memory_space<vmem>>, vector<1x1024x4xf32>
    %get3A_3 = vector.shape_cast %get3A_2 : vector<1x1024x4xf32> to vector<1024x4xf32>
    %get3A_4 = arith.constant 0 : index
    %get3A_5 = arith.constant 0 : index
    %get3A_6 = vector.load %arg3[%get3A_4, %get3A_5] : memref<4x64xf32, #tpu.memory_space<vmem>>, vector<4x64xf32>
    %dot_general3A = arith.constant dense<0.000000e+00> : vector<1024x64xf32>
    %dot_general3A_7 = tpu.matmul %get3A_3, %get3A_6, %dot_general3A {dimension_numbers = #tpu.dot_dimension_numbers<[1], [0], [0], [1], [0, 0, 1, 1], [], []>, transpose_lhs_hint = false} : vector<1024x4xf32>, vector<4x64xf32>, vector<1024x64xf32> -> vector<1024x64xf32>
    %get3A_8 = arith.constant 0 : index
    %get3A_9 = arith.constant 0 : index
    %get3A_10 = vector.load %arg4[%get3A_8, %get3A_9] : memref<1x64xf32, #tpu.memory_space<vmem>>, vector<1x64xf32>
    %add3A = vector.broadcast %get3A_10 : vector<1x64xf32> to vector<1024x64xf32>
    %add3A_11 = arith.addf %dot_general3A_7, %add3A : vector<1024x64xf32>
    %swap3A = arith.constant 0 : index
    %swap3A_12 = arith.constant 0 : index
    %swap3A_13 = arith.constant 0 : index
    %swap3A_14 = vector.load %arg5[%swap3A, %swap3A_12, %swap3A_13] : memref<1x1024x64xf32, #tpu.memory_space<vmem>>, vector<1x1024x64xf32>
    %swap3A_15 = vector.shape_cast %swap3A_14 : vector<1x1024x64xf32> to vector<1024x64xf32>
    %swap3A_16 = vector.shape_cast %add3A_11 : vector<1024x64xf32> to vector<1x1024x64xf32>
    tpu.vector_store %arg5[%swap3A, %swap3A_12, %swap3A_13], %swap3A_16 {strides = array<i32>} : memref<1x1024x64xf32, #tpu.memory_space<vmem>>, vector<1x1024x64xf32>,
    return
  }
  func.func @transform_0(%arg0: i32, %arg1: i32) -> (i32, i32, i32) {
    %c0_i32 = arith.constant 0 : i32
    %c0_i32_0 = arith.constant 0 : i32
    return %arg0, %arg1, %c0_i32 : i32, i32, i32
  }
  func.func @transform_1(%arg0: i32, %arg1: i32) -> (i32, i32) {
    %c0_i32 = arith.constant 0 : i32
    %c0_i32_0 = arith.constant 0 : i32
    %c0_i32_1 = arith.constant 0 : i32
    return %c0_i32, %c0_i32_0 : i32, i32
  }
  func.func @transform_2(%arg0: i32, %arg1: i32) -> (i32, i32) {
    %c0_i32 = arith.constant 0 : i32
    %c0_i32_0 = arith.constant 0 : i32
    %c0_i32_1 = arith.constant 0 : i32
    return %c0_i32, %c0_i32_0 : i32, i32
  }
  func.func @transform_3(%arg0: i32, %arg1: i32) -> (i32, i32, i32) {
    %c0_i32 = arith.constant 0 : i32
    %c0_i32_0 = arith.constant 0 : i32
    return %arg0, %arg1, %c0_i32 : i32, i32, i32
  }
}

module attributes {stable_mosaic.version = 14 : i64} {
  func.func @_stage1_body(%arg0: i32, %arg1: i32, %arg2: memref<1x256x32x3xf32, #tpu.memory_space<vmem>>, %arg3: memref<1x256x32x128xf32, #tpu.memory_space<vmem>>, %arg4: memref<3x128xf32, #tpu.memory_space<vmem>>, %arg5: memref<128x128xf32, #tpu.memory_space<vmem>>, %arg6: memref<1x128xf32, #tpu.memory_space<vmem>>, %arg7: memref<1x128xf32, #tpu.memory_space<vmem>>, %arg8: memref<1x256x128xf32, #tpu.memory_space<vmem>>) attributes {dimension_semantics = [#tpu.dimension_semantics<arbitrary>, #tpu.dimension_semantics<arbitrary>], iteration_bounds = array<i64: 2, 8>, scalar_prefetch = 0 : i64, scratch_operands = 0 : i64, tpu.core_type = #tpu.core_type<tc>, window_params = [{transform_indices = @transform_0, window_bounds = array<i64: 1, 256, 32, 3>}, {transform_indices = @transform_1, window_bounds = array<i64: 1, 256, 32, 128>}, {pipeline_mode = #tpu.pipeline_mode<synchronous>, transform_indices = @transform_2, window_bounds = array<i64: 3, 128>}, {pipeline_mode = #tpu.pipeline_mode<synchronous>, transform_indices = @transform_3, window_bounds = array<i64: 128, 128>}, {pipeline_mode = #tpu.pipeline_mode<synchronous>, transform_indices = @transform_4, window_bounds = array<i64: 1, 128>}, {pipeline_mode = #tpu.pipeline_mode<synchronous>, transform_indices = @transform_5, window_bounds = array<i64: 1, 128>}, {transform_indices = @transform_6, window_bounds = array<i64: 1, 256, 128>}]} {
    %get3A = arith.constant 0 : index
    %get3A_0 = arith.constant 0 : index
    %get3A_1 = arith.constant 0 : index
    %get3A_2 = arith.constant 0 : index
    %get3A_3 = vector.load %arg2[%get3A, %get3A_0, %get3A_1, %get3A_2] : memref<1x256x32x3xf32, #tpu.memory_space<vmem>>, vector<1x256x32x3xf32>
    %reshape3A = vector.shape_cast %get3A_3 : vector<1x256x32x3xf32> to vector<8192x3xf32>
    %get3A_4 = arith.constant 0 : index
    %get3A_5 = arith.constant 0 : index
    %get3A_6 = arith.constant 0 : index
    %get3A_7 = arith.constant 0 : index
    %get3A_8 = vector.load %arg3[%get3A_4, %get3A_5, %get3A_6, %get3A_7] : memref<1x256x32x128xf32, #tpu.memory_space<vmem>>, vector<1x256x32x128xf32>
    %reshape3A_9 = vector.shape_cast %get3A_8 : vector<1x256x32x128xf32> to vector<8192x128xf32>
    %get3A_10 = arith.constant 0 : index
    %get3A_11 = arith.constant 0 : index
    %get3A_12 = vector.load %arg4[%get3A_10, %get3A_11] : memref<3x128xf32, #tpu.memory_space<vmem>>, vector<3x128xf32>
    %dot_general3A = arith.constant dense<0.000000e+00> : vector<8192x128xf32>
    %dot_general3A_13 = tpu.matmul %reshape3A, %get3A_12, %dot_general3A {dimension_numbers = #tpu.dot_dimension_numbers<[1], [0], [0], [1], [0, 0, 1, 1], [], []>, transpose_lhs_hint = false} : vector<8192x3xf32>, vector<3x128xf32>, vector<8192x128xf32> -> vector<8192x128xf32>
    %get3A_14 = arith.constant 0 : index
    %get3A_15 = arith.constant 0 : index
    %get3A_16 = vector.load %arg5[%get3A_14, %get3A_15] : memref<128x128xf32, #tpu.memory_space<vmem>>, vector<128x128xf32>
    %dot_general3A_17 = arith.constant dense<0.000000e+00> : vector<8192x128xf32>
    %dot_general3A_18 = tpu.matmul %reshape3A_9, %get3A_16, %dot_general3A_17 {dimension_numbers = #tpu.dot_dimension_numbers<[1], [0], [0], [1], [0, 0, 1, 1], [], []>, transpose_lhs_hint = false} : vector<8192x128xf32>, vector<128x128xf32>, vector<8192x128xf32> -> vector<8192x128xf32>
    %add3A = arith.addf %dot_general3A_13, %dot_general3A_18 : vector<8192x128xf32>
    %get3A_19 = arith.constant 0 : index
    %get3A_20 = arith.constant 0 : index
    %get3A_21 = vector.load %arg6[%get3A_19, %get3A_20] : memref<1x128xf32, #tpu.memory_space<vmem>>, vector<1x128xf32>
    %mul3A = vector.broadcast %get3A_21 : vector<1x128xf32> to vector<8192x128xf32>
    %mul3A_22 = arith.mulf %add3A, %mul3A : vector<8192x128xf32>
    %get3A_23 = arith.constant 0 : index
    %get3A_24 = arith.constant 0 : index
    %get3A_25 = vector.load %arg7[%get3A_23, %get3A_24] : memref<1x128xf32, #tpu.memory_space<vmem>>, vector<1x128xf32>
    %add3A_26 = vector.broadcast %get3A_25 : vector<1x128xf32> to vector<8192x128xf32>
    %add3A_27 = arith.addf %mul3A_22, %add3A_26 : vector<8192x128xf32>
    %max3A = arith.constant 0.000000e+00 : f32
    %max3A_28 = vector.broadcast %max3A : f32 to vector<8192x128xf32>
    %max3A_29 = arith.maximumf %add3A_27, %max3A_28 : vector<8192x128xf32>
    %reshape3A_30 = vector.shape_cast %max3A_29 : vector<8192x128xf32> to vector<256x32x128xf32>
    %reduce_max3A = arith.constant dense<0xFF800000> : vector<256x128xf32>
    %reduce_max3A_31 = vector.multi_reduction <maximumf>, %reshape3A_30, %reduce_max3A [1] : vector<256x32x128xf32> to vector<256x128xf32>
    %swap3A = arith.constant 0 : index
    %swap3A_32 = arith.constant 0 : index
    %swap3A_33 = arith.constant 0 : index
    %swap3A_34 = vector.load %arg8[%swap3A, %swap3A_32, %swap3A_33] : memref<1x256x128xf32, #tpu.memory_space<vmem>>, vector<1x256x128xf32>
    %swap3A_35 = vector.shape_cast %swap3A_34 : vector<1x256x128xf32> to vector<256x128xf32>
    %swap3A_36 = vector.shape_cast %reduce_max3A_31 : vector<256x128xf32> to vector<1x256x128xf32>
    tpu.vector_store %arg8[%swap3A, %swap3A_32, %swap3A_33], %swap3A_36 {strides = array<i32>} : memref<1x256x128xf32, #tpu.memory_space<vmem>>, vector<1x256x128xf32>,
    return
  }
  func.func @transform_0(%arg0: i32, %arg1: i32) -> (i32, i32, i32, i32) {
    %c0_i32 = arith.constant 0 : i32
    %c0_i32_0 = arith.constant 0 : i32
    %c0_i32_1 = arith.constant 0 : i32
    return %arg0, %arg1, %c0_i32, %c0_i32_0 : i32, i32, i32, i32
  }
  func.func @transform_1(%arg0: i32, %arg1: i32) -> (i32, i32, i32, i32) {
    %c0_i32 = arith.constant 0 : i32
    %c0_i32_0 = arith.constant 0 : i32
    %c0_i32_1 = arith.constant 0 : i32
    return %arg0, %arg1, %c0_i32, %c0_i32_0 : i32, i32, i32, i32
  }
  func.func @transform_2(%arg0: i32, %arg1: i32) -> (i32, i32) {
    %c0_i32 = arith.constant 0 : i32
    %c0_i32_0 = arith.constant 0 : i32
    %c0_i32_1 = arith.constant 0 : i32
    return %c0_i32, %c0_i32_0 : i32, i32
  }
  func.func @transform_3(%arg0: i32, %arg1: i32) -> (i32, i32) {
    %c0_i32 = arith.constant 0 : i32
    %c0_i32_0 = arith.constant 0 : i32
    %c0_i32_1 = arith.constant 0 : i32
    return %c0_i32, %c0_i32_0 : i32, i32
  }
  func.func @transform_4(%arg0: i32, %arg1: i32) -> (i32, i32) {
    %c0_i32 = arith.constant 0 : i32
    %c0_i32_0 = arith.constant 0 : i32
    %c0_i32_1 = arith.constant 0 : i32
    return %c0_i32, %c0_i32_0 : i32, i32
  }
  func.func @transform_5(%arg0: i32, %arg1: i32) -> (i32, i32) {
    %c0_i32 = arith.constant 0 : i32
    %c0_i32_0 = arith.constant 0 : i32
    %c0_i32_1 = arith.constant 0 : i32
    return %c0_i32, %c0_i32_0 : i32, i32
  }
  func.func @transform_6(%arg0: i32, %arg1: i32) -> (i32, i32, i32) {
    %c0_i32 = arith.constant 0 : i32
    %c0_i32_0 = arith.constant 0 : i32
    return %arg0, %arg1, %c0_i32 : i32, i32, i32
  }
}

module attributes {stable_mosaic.version = 14 : i64} {
  func.func @_stage2_body(%arg0: i32, %arg1: i32, %arg2: memref<1x256x32x3xf32, #tpu.memory_space<vmem>>, %arg3: memref<1x256x32x128xf32, #tpu.memory_space<vmem>>, %arg4: memref<1x256x128xf32, #tpu.memory_space<vmem>>, %arg5: memref<3x128xf32, #tpu.memory_space<vmem>>, %arg6: memref<128x128xf32, #tpu.memory_space<vmem>>, %arg7: memref<1x128xf32, #tpu.memory_space<vmem>>, %arg8: memref<1x128xf32, #tpu.memory_space<vmem>>, %arg9: memref<128x512xf32, #tpu.memory_space<vmem>>, %arg10: memref<1x512xf32, #tpu.memory_space<vmem>>, %arg11: memref<1x512xf32, #tpu.memory_space<vmem>>, %arg12: memref<512x128xf32, #tpu.memory_space<vmem>>, %arg13: memref<1x128xf32, #tpu.memory_space<vmem>>, %arg14: memref<1x128xf32, #tpu.memory_space<vmem>>, %arg15: memref<1x256x128xf32, #tpu.memory_space<vmem>>) attributes {dimension_semantics = [#tpu.dimension_semantics<arbitrary>, #tpu.dimension_semantics<arbitrary>], iteration_bounds = array<i64: 2, 8>, scalar_prefetch = 0 : i64, scratch_operands = 0 : i64, tpu.core_type = #tpu.core_type<tc>, window_params = [{transform_indices = @transform_0, window_bounds = array<i64: 1, 256, 32, 3>}, {transform_indices = @transform_1, window_bounds = array<i64: 1, 256, 32, 128>}, {transform_indices = @transform_2, window_bounds = array<i64: 1, 256, 128>}, {pipeline_mode = #tpu.pipeline_mode<synchronous>, transform_indices = @transform_3, window_bounds = array<i64: 3, 128>}, {pipeline_mode = #tpu.pipeline_mode<synchronous>, transform_indices = @transform_4, window_bounds = array<i64: 128, 128>}, {pipeline_mode = #tpu.pipeline_mode<synchronous>, transform_indices = @transform_5, window_bounds = array<i64: 1, 128>}, {pipeline_mode = #tpu.pipeline_mode<synchronous>, transform_indices = @transform_6, window_bounds = array<i64: 1, 128>}, {pipeline_mode = #tpu.pipeline_mode<synchronous>, transform_indices = @transform_7, window_bounds = array<i64: 128, 512>}, {pipeline_mode = #tpu.pipeline_mode<synchronous>, transform_indices = @transform_8, window_bounds = array<i64: 1, 512>}, {pipeline_mode = #tpu.pipeline_mode<synchronous>, transform_indices = @transform_9, window_bounds = array<i64: 1, 512>}, {pipeline_mode = #tpu.pipeline_mode<synchronous>, transform_indices = @transform_10, window_bounds = array<i64: 512, 128>}, {pipeline_mode = #tpu.pipeline_mode<synchronous>, transform_indices = @transform_11, window_bounds = array<i64: 1, 128>}, {pipeline_mode = #tpu.pipeline_mode<synchronous>, transform_indices = @transform_12, window_bounds = array<i64: 1, 128>}, {transform_indices = @transform_13, window_bounds = array<i64: 1, 256, 128>}]} {
    %get3A = arith.constant 0 : index
    %get3A_0 = arith.constant 0 : index
    %get3A_1 = arith.constant 0 : index
    %get3A_2 = arith.constant 0 : index
    %get3A_3 = vector.load %arg2[%get3A, %get3A_0, %get3A_1, %get3A_2] : memref<1x256x32x3xf32, #tpu.memory_space<vmem>>, vector<1x256x32x3xf32>
    %reshape3A = vector.shape_cast %get3A_3 : vector<1x256x32x3xf32> to vector<8192x3xf32>
    %get3A_4 = arith.constant 0 : index
    %get3A_5 = arith.constant 0 : index
    %get3A_6 = arith.constant 0 : index
    %get3A_7 = arith.constant 0 : index
    %get3A_8 = vector.load %arg3[%get3A_4, %get3A_5, %get3A_6, %get3A_7] : memref<1x256x32x128xf32, #tpu.memory_space<vmem>>, vector<1x256x32x128xf32>
    %reshape3A_9 = vector.shape_cast %get3A_8 : vector<1x256x32x128xf32> to vector<8192x128xf32>
    %get3A_10 = arith.constant 0 : index
    %get3A_11 = arith.constant 0 : index
    %get3A_12 = vector.load %arg5[%get3A_10, %get3A_11] : memref<3x128xf32, #tpu.memory_space<vmem>>, vector<3x128xf32>
    %dot_general3A = arith.constant dense<0.000000e+00> : vector<8192x128xf32>
    %dot_general3A_13 = tpu.matmul %reshape3A, %get3A_12, %dot_general3A {dimension_numbers = #tpu.dot_dimension_numbers<[1], [0], [0], [1], [0, 0, 1, 1], [], []>, transpose_lhs_hint = false} : vector<8192x3xf32>, vector<3x128xf32>, vector<8192x128xf32> -> vector<8192x128xf32>
    %get3A_14 = arith.constant 0 : index
    %get3A_15 = arith.constant 0 : index
    %get3A_16 = vector.load %arg6[%get3A_14, %get3A_15] : memref<128x128xf32, #tpu.memory_space<vmem>>, vector<128x128xf32>
    %dot_general3A_17 = arith.constant dense<0.000000e+00> : vector<8192x128xf32>
    %dot_general3A_18 = tpu.matmul %reshape3A_9, %get3A_16, %dot_general3A_17 {dimension_numbers = #tpu.dot_dimension_numbers<[1], [0], [0], [1], [0, 0, 1, 1], [], []>, transpose_lhs_hint = false} : vector<8192x128xf32>, vector<128x128xf32>, vector<8192x128xf32> -> vector<8192x128xf32>
    %add3A = arith.addf %dot_general3A_13, %dot_general3A_18 : vector<8192x128xf32>
    %get3A_19 = arith.constant 0 : index
    %get3A_20 = arith.constant 0 : index
    %get3A_21 = vector.load %arg7[%get3A_19, %get3A_20] : memref<1x128xf32, #tpu.memory_space<vmem>>, vector<1x128xf32>
    %mul3A = vector.broadcast %get3A_21 : vector<1x128xf32> to vector<8192x128xf32>
    %mul3A_22 = arith.mulf %add3A, %mul3A : vector<8192x128xf32>
    %get3A_23 = arith.constant 0 : index
    %get3A_24 = arith.constant 0 : index
    %get3A_25 = vector.load %arg8[%get3A_23, %get3A_24] : memref<1x128xf32, #tpu.memory_space<vmem>>, vector<1x128xf32>
    %add3A_26 = vector.broadcast %get3A_25 : vector<1x128xf32> to vector<8192x128xf32>
    %add3A_27 = arith.addf %mul3A_22, %add3A_26 : vector<8192x128xf32>
    %max3A = arith.constant 0.000000e+00 : f32
    %max3A_28 = vector.broadcast %max3A : f32 to vector<8192x128xf32>
    %max3A_29 = arith.maximumf %add3A_27, %max3A_28 : vector<8192x128xf32>
    %reshape3A_30 = vector.shape_cast %max3A_29 : vector<8192x128xf32> to vector<256x32x128xf32>
    %reduce_max3A = arith.constant dense<0xFF800000> : vector<256x128xf32>
    %reduce_max3A_31 = vector.multi_reduction <maximumf>, %reshape3A_30, %reduce_max3A [1] : vector<256x32x128xf32> to vector<256x128xf32>
    %get3A_32 = arith.constant 0 : index
    %get3A_33 = arith.constant 0 : index
    %get3A_34 = vector.load %arg9[%get3A_32, %get3A_33] : memref<128x512xf32, #tpu.memory_space<vmem>>, vector<128x512xf32>
    %dot_general3A_35 = arith.constant dense<0.000000e+00> : vector<256x512xf32>
    %dot_general3A_36 = tpu.matmul %reduce_max3A_31, %get3A_34, %dot_general3A_35 {dimension_numbers = #tpu.dot_dimension_numbers<[1], [0], [0], [1], [0, 0, 1, 1], [], []>, transpose_lhs_hint = false} : vector<256x128xf32>, vector<128x512xf32>, vector<256x512xf32> -> vector<256x512xf32>
    %get3A_37 = arith.constant 0 : index
    %get3A_38 = arith.constant 0 : index
    %get3A_39 = vector.load %arg10[%get3A_37, %get3A_38] : memref<1x512xf32, #tpu.memory_space<vmem>>, vector<1x512xf32>
    %mul3A_40 = vector.broadcast %get3A_39 : vector<1x512xf32> to vector<256x512xf32>
    %mul3A_41 = arith.mulf %dot_general3A_36, %mul3A_40 : vector<256x512xf32>
    %get3A_42 = arith.constant 0 : index
    %get3A_43 = arith.constant 0 : index
    %get3A_44 = vector.load %arg11[%get3A_42, %get3A_43] : memref<1x512xf32, #tpu.memory_space<vmem>>, vector<1x512xf32>
    %add3A_45 = vector.broadcast %get3A_44 : vector<1x512xf32> to vector<256x512xf32>
    %add3A_46 = arith.addf %mul3A_41, %add3A_45 : vector<256x512xf32>
    %max3A_47 = arith.constant 0.000000e+00 : f32
    %max3A_48 = vector.broadcast %max3A_47 : f32 to vector<256x512xf32>
    %max3A_49 = arith.maximumf %add3A_46, %max3A_48 : vector<256x512xf32>
    %get3A_50 = arith.constant 0 : index
    %get3A_51 = arith.constant 0 : index
    %get3A_52 = vector.load %arg12[%get3A_50, %get3A_51] : memref<512x128xf32, #tpu.memory_space<vmem>>, vector<512x128xf32>
    %dot_general3A_53 = arith.constant dense<0.000000e+00> : vector<256x128xf32>
    %dot_general3A_54 = tpu.matmul %max3A_49, %get3A_52, %dot_general3A_53 {dimension_numbers = #tpu.dot_dimension_numbers<[1], [0], [0], [1], [0, 0, 1, 1], [], []>, transpose_lhs_hint = false} : vector<256x512xf32>, vector<512x128xf32>, vector<256x128xf32> -> vector<256x128xf32>
    %get3A_55 = arith.constant 0 : index
    %get3A_56 = arith.constant 0 : index
    %get3A_57 = vector.load %arg13[%get3A_55, %get3A_56] : memref<1x128xf32, #tpu.memory_space<vmem>>, vector<1x128xf32>
    %mul3A_58 = vector.broadcast %get3A_57 : vector<1x128xf32> to vector<256x128xf32>
    %mul3A_59 = arith.mulf %dot_general3A_54, %mul3A_58 : vector<256x128xf32>
    %get3A_60 = arith.constant 0 : index
    %get3A_61 = arith.constant 0 : index
    %get3A_62 = vector.load %arg14[%get3A_60, %get3A_61] : memref<1x128xf32, #tpu.memory_space<vmem>>, vector<1x128xf32>
    %add3A_63 = vector.broadcast %get3A_62 : vector<1x128xf32> to vector<256x128xf32>
    %add3A_64 = arith.addf %mul3A_59, %add3A_63 : vector<256x128xf32>
    %get3A_65 = arith.constant 0 : index
    %get3A_66 = arith.constant 0 : index
    %get3A_67 = arith.constant 0 : index
    %get3A_68 = vector.load %arg4[%get3A_65, %get3A_66, %get3A_67] : memref<1x256x128xf32, #tpu.memory_space<vmem>>, vector<1x256x128xf32>
    %get3A_69 = vector.shape_cast %get3A_68 : vector<1x256x128xf32> to vector<256x128xf32>
    %add3A_70 = arith.addf %add3A_64, %get3A_69 : vector<256x128xf32>
    %max3A_71 = arith.constant 0.000000e+00 : f32
    %max3A_72 = vector.broadcast %max3A_71 : f32 to vector<256x128xf32>
    %max3A_73 = arith.maximumf %add3A_70, %max3A_72 : vector<256x128xf32>
    %swap3A = arith.constant 0 : index
    %swap3A_74 = arith.constant 0 : index
    %swap3A_75 = arith.constant 0 : index
    %swap3A_76 = vector.load %arg15[%swap3A, %swap3A_74, %swap3A_75] : memref<1x256x128xf32, #tpu.memory_space<vmem>>, vector<1x256x128xf32>
    %swap3A_77 = vector.shape_cast %swap3A_76 : vector<1x256x128xf32> to vector<256x128xf32>
    %swap3A_78 = vector.shape_cast %max3A_73 : vector<256x128xf32> to vector<1x256x128xf32>
    tpu.vector_store %arg15[%swap3A, %swap3A_74, %swap3A_75], %swap3A_78 {strides = array<i32>} : memref<1x256x128xf32, #tpu.memory_space<vmem>>, vector<1x256x128xf32>,
    return
  }
  func.func @transform_0(%arg0: i32, %arg1: i32) -> (i32, i32, i32, i32) {
    %c0_i32 = arith.constant 0 : i32
    %c0_i32_0 = arith.constant 0 : i32
    %c0_i32_1 = arith.constant 0 : i32
    return %arg0, %arg1, %c0_i32, %c0_i32_0 : i32, i32, i32, i32
  }
  func.func @transform_1(%arg0: i32, %arg1: i32) -> (i32, i32, i32, i32) {
    %c0_i32 = arith.constant 0 : i32
    %c0_i32_0 = arith.constant 0 : i32
    %c0_i32_1 = arith.constant 0 : i32
    return %arg0, %arg1, %c0_i32, %c0_i32_0 : i32, i32, i32, i32
  }
  func.func @transform_2(%arg0: i32, %arg1: i32) -> (i32, i32, i32) {
    %c0_i32 = arith.constant 0 : i32
    %c0_i32_0 = arith.constant 0 : i32
    return %arg0, %arg1, %c0_i32 : i32, i32, i32
  }
  func.func @transform_3(%arg0: i32, %arg1: i32) -> (i32, i32) {
    %c0_i32 = arith.constant 0 : i32
    %c0_i32_0 = arith.constant 0 : i32
    %c0_i32_1 = arith.constant 0 : i32
    return %c0_i32, %c0_i32_0 : i32, i32
  }
  func.func @transform_4(%arg0: i32, %arg1: i32) -> (i32, i32) {
    %c0_i32 = arith.constant 0 : i32
    %c0_i32_0 = arith.constant 0 : i32
    %c0_i32_1 = arith.constant 0 : i32
    return %c0_i32, %c0_i32_0 : i32, i32
  }
  func.func @transform_5(%arg0: i32, %arg1: i32) -> (i32, i32) {
    %c0_i32 = arith.constant 0 : i32
    %c0_i32_0 = arith.constant 0 : i32
    %c0_i32_1 = arith.constant 0 : i32
    return %c0_i32, %c0_i32_0 : i32, i32
  }
  func.func @transform_6(%arg0: i32, %arg1: i32) -> (i32, i32) {
    %c0_i32 = arith.constant 0 : i32
    %c0_i32_0 = arith.constant 0 : i32
    %c0_i32_1 = arith.constant 0 : i32
    return %c0_i32, %c0_i32_0 : i32, i32
  }
  func.func @transform_7(%arg0: i32, %arg1: i32) -> (i32, i32) {
    %c0_i32 = arith.constant 0 : i32
    %c0_i32_0 = arith.constant 0 : i32
    %c0_i32_1 = arith.constant 0 : i32
    return %c0_i32, %c0_i32_0 : i32, i32
  }
  func.func @transform_8(%arg0: i32, %arg1: i32) -> (i32, i32) {
    %c0_i32 = arith.constant 0 : i32
    %c0_i32_0 = arith.constant 0 : i32
    %c0_i32_1 = arith.constant 0 : i32
    return %c0_i32, %c0_i32_0 : i32, i32
  }
  func.func @transform_9(%arg0: i32, %arg1: i32) -> (i32, i32) {
    %c0_i32 = arith.constant 0 : i32
    %c0_i32_0 = arith.constant 0 : i32
    %c0_i32_1 = arith.constant 0 : i32
    return %c0_i32, %c0_i32_0 : i32, i32
  }
  func.func @transform_10(%arg0: i32, %arg1: i32) -> (i32, i32) {
    %c0_i32 = arith.constant 0 : i32
    %c0_i32_0 = arith.constant 0 : i32
    %c0_i32_1 = arith.constant 0 : i32
    return %c0_i32, %c0_i32_0 : i32, i32
  }
  func.func @transform_11(%arg0: i32, %arg1: i32) -> (i32, i32) {
    %c0_i32 = arith.constant 0 : i32
    %c0_i32_0 = arith.constant 0 : i32
    %c0_i32_1 = arith.constant 0 : i32
    return %c0_i32, %c0_i32_0 : i32, i32
  }
  func.func @transform_12(%arg0: i32, %arg1: i32) -> (i32, i32) {
    %c0_i32 = arith.constant 0 : i32
    %c0_i32_0 = arith.constant 0 : i32
    %c0_i32_1 = arith.constant 0 : i32
    return %c0_i32, %c0_i32_0 : i32, i32
  }
  func.func @transform_13(%arg0: i32, %arg1: i32) -> (i32, i32, i32) {
    %c0_i32 = arith.constant 0 : i32
    %c0_i32_0 = arith.constant 0 : i32
    return %arg0, %arg1, %c0_i32 : i32, i32, i32
  }
}

</mosaic_0001>

<sc_bundles>
// kernel: gather_offload_async_start
scs
__scs_entry_jumppad:
0x0: {  	(pc) =	sbr.rel $0x88, $3  }
0x1: {  	(tag) =	ssettag $0x0;
	lr =	simm.s32 $0x1  }
0x2: {  	[smem:$0x3F91] =	sst lr;
	_ =	strace $0xD0000000  }
0x3: {  	_ = 	snop  }
0x4: {  	_ = 	snop  }
0x5: {  	_ = 	snop  }
0x6: {  	_ = 	snop  }
0x7: {  	_ = 	snop  }
__scs_overlays_trampoline_lowered:
0x8: {  	[smem:$0x3FA0] =	sst s0  }
0x9: {  	[smem:$0x3FA1] =	sst s1  }
0xa: {  	[smem:$0x3FA2] =	sst s2  }
0xb: {  	[smem:$0x3FA3] =	sst s3  }
0xc: {  	[smem:$0x3FA4] =	sst s4  }
0xd: {  	[smem:$0x3FA5] =	sst s5  }
0xe: {  	[smem:$0x3FA6] =	sst s6  }
0xf: {  	[smem:$0x3FA7] =	sst s7  }
0x10: {  	[smem:$0x3FA8] =	sst s8  }
0x11: {  	[smem:$0x3FA9] =	sst s9;
	s0 =	simm.s32 @!p0 $0x0  }
0x12: {  	s1 =	sld [smem:$0x3F8F];
	s0 =	simm.s32 @p0 $0x1  }
0x13: {  	[smem:$0x3FAA] =	sst s0;
	s0 =	simm.s32 @!p1 $0x0  }
0x14: {  	s2 =	sld [smem:$0x3F8E];
	s0 =	simm.s32 @p1 $0x1  }
0x15: {  	[smem:$0x3FAB] =	sst s0;
	s0 =	simm.s32 @!p2 $0x0  }
0x16: {  	s3 =	sld [smem:$0x3FDB];
	s0 =	simm.s32 @p2 $0x1  }
0x17: {  	s4 =	simm.s32 $0x1BF5;
	[smem:$0x3FAD] =	sst s0  }
0x18: {  	s0 =	sld [smem:$0x3F90];
	_ =	swait.ge [sflag:s4], $0x0  }
0x19: {  	s7 =	sld [smem:$0x3F91]  }
0x1a: {  	s8 =	sadd.s32 $0xFFFFE003, lr  }
0x1b: {  	s9 =	sadd.s32 $0xFFFFFEF7, lr;
	s5 =	simm.s32 $0xFFFFFFFF;
	p2 =	slt.u32 s8, $0xFFFFF086  }
0x1c: {  	p1 =	slt.u32 s9, $0xF7A;
	s5 =	simm.s32 @!p2 $0x0  }
0x1d: {  	s5 =	simm.s32 @p1 $0x1;
	p0 =	seq.s32 s7, s2  }
0x1e: {  	s7 =	smul.u32 @!p0 $0xF7A, s2;
	p2 =	seq.s32 @!p0 s5, $0x0  }
0x1f: {  	s9 =	smul.u32 $0xF7A, s1;
	s8 =	simm.s32 @!p0 $0x1BF5;
	p2 =	por !p2, p0  }
0x20: {  	[sflag:s8] =	ssyncset.s32 @!p0 $0xFFFFF086;
	s6 =	sadd.s32 @!p0 s3, s7;
	s7 =	simm.s32 @!p0 $0x108  }
0x21: {  	s3 =	sadd.s32 s3, s9;
	s6 =	sadd.s32 @!p0 $0x88, s6;
	s7 =	simm.s32 @p2 $0x1082  }
0x22: {  	[simem:s7], [sflag:s8] =	dma.local @!p0 [hbm:s6], $0xF7A  }
0x23: {  	s9 =	sor.u32 $0xD0000000, s2;
	s6 =	simm.s32 $0x108;
	_ =	swait.ge @!p0 [sflag:s8], $0x0  }
0x24: {  	s3 =	sadd.s32 $0x88, s3;
	s6 =	simm.s32 @!p1 $0x1082;
	[sflag:s4] =	ssyncset.s32 $0xFFFFF086  }
0x25: {  	[simem:s6], [sflag:s4] =	dma.local [hbm:s3], $0xF7A  }
0x26: {  	[smem:$0x3F91] =	sst s1;
	(tag) =	ssettag s2;
	_ =	strace s9  }
0x27: {  	s1 =	sld [smem:$0x3FA1]  }
0x28: {  	s2 =	sld [smem:$0x3FA2]  }
0x29: {  	s4 =	sld [smem:$0x3FA4]  }
0x2a: {  	p0 =	seq.s32 s5, $0x0;
	s5 =	sld [smem:$0x3FA5]  }
0x2b: {  	s6 =	sld [smem:$0x3FA6]  }
0x2c: {  	s7 =	sld [smem:$0x3FA7]  }
0x2d: {  	s3 =	simm.s32 $0x108;
	s8 =	sld [smem:$0x3FA8]  }
0x2e: {  	s3 =	simm.s32 @!p0 $0x1082;
	s9 =	sld [smem:$0x3FA9]  }
0x2f: {  	lr =	sadd.s32 s0, s3;
	s0 =	sld [smem:$0x3FA0]  }
0x30: {  	s3 =	sld [smem:$0x3FA3]  }
0x31: {  	[smem:$0x3FAC] =	sst s10  }
0x32: {  	s10 =	sld [smem:$0x3FAA];
	_ =	sdelay $0x3  }
0x33: {  	p0 =	seq.s32 s10, $0x1;
	s10 =	sld [smem:$0x3FAC];
	_ =	sdelay $0x3  }
0x34: {  	[smem:$0x3FAC] =	sst s10  }
0x35: {  	s10 =	sld [smem:$0x3FAB];
	_ =	sdelay $0x3  }
0x36: {  	p1 =	seq.s32 s10, $0x1;
	s10 =	sld [smem:$0x3FAC];
	_ =	sdelay $0x3  }
0x37: {  	[smem:$0x3FAC] =	sst s10  }
0x38: {  	s10 =	sld [smem:$0x3FAD]  }
0x39: {  	_ = 	snop;
	(pc) =	sbr.ind lr, $3  }
0x3a: {  	_ = 	snop  }
0x3b: {  	_ = 	snop  }
0x3c: {  	p2 =	seq.s32 s10, $0x1;
	s10 =	sld [smem:$0x3FAC]  }
0x3d: {  	_ =	shalt  }
0x3e: {  	_ =	shalt  }
0x3f: {  	_ =	shalt  }
0x40: {  	_ =	shalt  }
0x41: {  	_ =	shalt  }
0x42: {  	_ =	shalt  }
0x43: {  	_ =	shalt  }
0x44: {  	_ =	shalt  }
0x45: {  	_ =	shalt  }
0x46: {  	_ =	shalt  }
0x47: {  	_ =	shalt  }
0x48: {  	_ =	shalt  }
0x49: {  	_ =	shalt  }
0x4a: {  	_ =	shalt  }
0x4b: {  	_ =	shalt  }
0x4c: {  	_ =	shalt  }
0x4d: {  	_ =	shalt  }
0x4e: {  	_ =	shalt  }
0x4f: {  	_ =	shalt  }
0x50: {  	_ =	shalt  }
0x51: {  	_ =	shalt  }
0x52: {  	_ =	shalt  }
0x53: {  	_ =	shalt  }
0x54: {  	_ =	shalt  }
0x55: {  	_ =	shalt  }
0x56: {  	_ =	shalt  }
0x57: {  	_ =	shalt  }
0x58: {  	_ =	shalt  }
0x59: {  	_ =	shalt  }
0x5a: {  	_ =	shalt  }
0x5b: {  	_ =	shalt  }
0x5c: {  	_ =	shalt  }
0x5d: {  	_ =	shalt  }
0x5e: {  	_ =	shalt  }
0x5f: {  	_ =	shalt  }
0x60: {  	_ =	shalt  }
0x61: {  	_ =	shalt  }
0x62: {  	_ =	shalt  }
0x63: {  	_ =	shalt  }
0x64: {  	_ =	shalt  }
0x65: {  	_ =	shalt  }
0x66: {  	_ =	shalt  }
0x67: {  	_ =	shalt  }
0x68: {  	_ =	shalt  }
0x69: {  	_ =	shalt  }
0x6a: {  	_ =	shalt  }
0x6b: {  	_ =	shalt  }
0x6c: {  	_ =	shalt  }
0x6d: {  	_ =	shalt  }
0x6e: {  	_ =	shalt  }
0x6f: {  	_ =	shalt  }
0x70: {  	_ =	shalt  }
0x71: {  	_ =	shalt  }
0x72: {  	_ =	shalt  }
0x73: {  	_ =	shalt  }
0x74: {  	_ =	shalt  }
0x75: {  	_ =	shalt  }
0x76: {  	_ =	shalt  }
0x77: {  	_ =	shalt  }
0x78: {  	_ =	shalt  }
0x79: {  	_ =	shalt  }
0x7a: {  	_ =	shalt  }
0x7b: {  	_ =	shalt  }
0x7c: {  	_ =	shalt  }
0x7d: {  	_ =	shalt  }
0x7e: {  	_ =	shalt  }
0x7f: {  	_ =	shalt  }
0x80: {  	_ =	shalt  }
0x81: {  	_ =	shalt  }
0x82: {  	_ =	shalt  }
0x83: {  	_ =	shalt  }
0x84: {  	_ =	shalt  }
0x85: {  	_ =	shalt  }
0x86: {  	_ =	shalt  }
0x87: {  	_ =	shalt  }
.Lfunc_end0:
.L_simem_size_0:
called_computation_lowered:
.L_overlay_start_0:
0x88: {  	s2 =	sld [smem:$0x3FD9]  }
0x89: {  	s3 =	sld [smem:$0x3FFE];
	_ =	sdelay $0x1  }
0x8a: {  	s1 =	srdreg.scid  }
0x8b: {  	s0 =	sand.u32 $0x1, s1  }
0x8c: {  	s17 =	sshll.u32 s0, $0xA;
	s2 =	sadd.s32 s3, s2  }
0x8d: {  	s2 =	sadd.s32 s2, s17  }
0x8e: {  	[smem:$0x3FB8] =	sst s2  }
0x8f: {  	_ = 	snop  }
0x90: {  	s2 =	sld [smem:$0x3FD0];
	(tm) =	ssettm $0x1  }
0x91: {  	s18 =	sld [smem:$0x3FFB];
	_ =	sdelay $0x3  }
0x92: {  	_ =	strace s18  }
0x93: {  	s3 =	sld [smem:$0x3FFC];
	_ =	sdelay $0x3  }
0x94: {  	_ =	strace s3  }
0x95: {  	s3 =	sld [smem:$0x3FFD];
	_ =	sdelay $0x3  }
0x96: {  	_ =	strace s3  }
0x97: {  	_ =	strace $0x8FFFFFFF  }
0x98: {  	s19 =	sld [smem:$0x3FDB];
	_ =	sdelay $0x1  }
0x99: {  	s4 =	simm.s32 $_scs_section_size  }
0x9a: {  	s5 =	simm.s32 $_size__tile_overlayer_lowered;
	s6 =	simm.s32 $_tile_overlayer_lowered  }
0x9b: {  	s22 =	simm.s32 $0x1BFF;
	s21 =	sshll.u32 s6, $0x1;
	s3 =	sadd.s32 s4, s19  }
0x9c: {  	s7 =	simm.s32 $0x0;
	s20 =	sshll.u32 s5, $0x1;
	s5 =	sadd.s32 s21, s3  }
0x9d: {  	[timem:s7], [sflag:s22] =	dma.local [hbm:s5], s20  }
0x9e: {  	_ =	swait.ge [sflag:s22], s20  }
0x9f: {  	s4 =	ssub.s32 $0x0, s20;
	[sflag:s22] =	ssyncset.done $0x0  }
0xa0: {  	[sflag:s22] =	ssyncadd.s32 s4;
	_ =	sdelay $0x1  }
0xa1: {  	s23 =	simm.s32 $0x1B8B  }
0xa2: {  	_ =	swait.ge [sflag:s23], $0x1  }
0xa3: {  	[sflag:s23] =	ssyncset.done $0x0  }
0xa4: {  	s25 =	simm.s32 $0x1B8E;
	s24 =	sld [smem:$0x3FFE];
	[sflag:s23] =	ssyncadd.s32 $0xFFFFFFFF  }
0xa5: {  	s26 =	simm.s32 $execute0_lowered;
	[smem:$0x3FD2] =	sst s25  }
0xa6: {  	s5 =	sshll.u32 s26, $0x1;
	_ =	strace $0x80000046;
	[dreg:$0x1] =	wrdreg $0xFFFFFFFF  }
0xa7: {  	s28 =	simm.s32 $_size_execute0_lowered;
	s3 =	sadd.s32 s3, s5;
	[dreg:$0x0] =	wrdreg $0x0  }
0xa8: {  	s5 =	sshll.u32 s28, $0x1;
	[dreg:$0x2] =	wrdreg s3  }
0xa9: {  	[dreg:$0x3] =	wrdreg s5  }
0xaa: {  	[dreg:$0x4] =	wrdreg $0xC0  }
0xab: {  	_ =	task [dreg:s7], $0x5FFFF  }
0xac: {  	[dreg:$0x1] =	wrdreg $0xFFFFFFFF  }
0xad: {  	[dreg:$0x0] =	wrdreg $0x60  }
0xae: {  	[dreg:$0x2] =	wrdreg s24  }
0xaf: {  	[dreg:$0x3] =	wrdreg s2  }
0xb0: {  	[dreg:$0x4] =	wrdreg $0x9  }
0xb1: {  	_ =	task.clear_ibuf [dreg:s7], $0x5FFFF;
	_ =	strace $0x90000046  }
0xb2: {  	s29 =	simm.s32 $0x9;
	_ =	strace $0x80000048  }
0xb3: {  	_ =	swait.ge [sflag:s29], $0x1  }
0xb4: {  	[sflag:s29] =	ssyncadd.s32 $0xFFFFFFFF  }
0xb5: {  	_ =	strace $0x90000048  }
0xb6: {  	_ =	sfence  }
0xb7: {  	s30 =	sld [smem:$0x0];
	_ =	sdelay $0x2  }
0xb8: {  	s31 =	sshll.u32 s1, $0xD;
	s1 =	sshrl.u32 s1, $0x2  }
0xb9: {  	s3 =	sand.u32 $0x4000, s31;
	s1 =	sadd.s32 s1, s30  }
0xba: {  	s0 =	sor.u32 s3, s0;
	s1 =	sshll.u32 s1, $0x11  }
0xbb: {  	s0 =	sor.u32 s1, s0  }
0xbc: {  	s0 =	sadd.s32 $0x8F2B, s0  }
0xbd: {  	[sflag:s0] =	ssyncadd.remote.s32 $0x1  }
0xbe: {  	_ =	sfence.sel $0xFFFF  }
0xbf: {  	[dreg:$0x0] =	wrdreg $0xFFFFFFFF;
	(pc) =	sbr.abs _section_cstart, $3  }
0xc0: {  	[dreg:$0x1] =	wrdreg $0xFFFFFFFF  }
0xc1: {  	_ =	task.clear_ibuf [dreg:s7], $0x2FFFF;
	_ =	strace $0x9FFFFFFF  }
0xc2: {  	(tm) =	ssettm $0x7FFFFFFF  }
0xc3: {  	_ =	shalt  }
tec
execute0_lowered:
.L_overlay_start_1:
0x0: {  	(tag) =	ssettag $0x1  }
0x1: {  	s7 =	rddreg [dreg:$0x0]  }
0x2: {  	s2 =	rddreg [dreg:$0x1]  }
0x3: {  	s0 =	rddreg [dreg:$0x2]  }
0x4: {  	s1 =	srdreg.scid;
	_ =	strace $0x80000047;
	s4 =	simm.s32 $0x1  }
0x5: {  	s9 =	simm.s32 $0x3;
	s12 =	simm.s32 $0x0;
	s5 =	sshll.u32 s1, $0x4  }
.Ltmp0:
0x6: {  	s1 =	stileid.u32;
	s5 =	sand.u32 $0x10, s5;
	(pc) =	sbr.rel .LBB2_1-.Ltmp0, $4  }
0x7: {  	s10 =	simm.s32 $0x0;
	s3 =	sadd.s32 $0x1200, s7;
	s6 =	sor.u32 s1, s5  }
0x8: {  	[sflag:s4] =	ssyncpa.u1 $0x0;
	s5 =	simm.s32 $0x2;
	s6 =	sshll.u32 s6, $0x7  }
0x9: {  	s7 =	sadd.s32 $0x41200, s7;
	[sflag:s5] =	ssyncpa.u1 $0x0;
	s8 =	sadd.s32 $0x80, s6  }
0xa: {  	vm0 =	vmmov $0xff;
	vm1 =	vcmask $0x3F20;
	[sflag:s9] =	ssyncpa.u1 $0x0;
	s9 =	simm.s32 $0x80;
	s11 =	smov.u32 s6  }
.LBB2_9:
0xb: {  	p0 =	seq.s32 s10, $0x2  }
.Ltmp1:
0xc: {  	_ = 	snop;
	(pc) =	sbr.rel @p0 .LBB2_11-.Ltmp1, $1  }
0xd: {  	_ =	sdelay $0x3  }
.LBB2_10:
0xe: {  	s12 =	sadd.s32 $0x80, s11  }
0xf: {  	s13 =	smov.u32 s6;
	p0 =	slt.s32 s12, s8  }
0x10: {  	s13 =	smov.u32 @p0 s12  }
0x11: {  	s10 =	sadd.s32 $0x1, s10;
	s12 =	smov.u32 s11;
	s11 =	smov.u32 s13  }
.LBB2_1:
0x12: {  	p0 =	sne.s32 s10, $0x0  }
.Ltmp2:
0x13: {  	_ = 	snop;
	(pc) =	sbr.rel @!p0 .LBB2_2-.Ltmp2, $1  }
0x14: {  	_ =	sdelay $0x3  }
0x15: {  	s13 =	sand.u32 $0x1, s10  }
0x16: {  	p0 =	seq.s32 s13, $0x0  }
.Ltmp3:
0x17: {  	_ = 	snop;
	(pc) =	sbr.rel @p0 .LBB2_9-.Ltmp3, $1  }
0x18: {  	_ =	sdelay $0x3  }
0x19: {  	_ =	swait.ge [sflag:s5], $0x80  }
0x1a: {  	[sflag:s5] =	ssyncset.done $0x0  }
0x1b: {  	s13 =	simm.s32 $0x0;
	[sflag:s5] =	ssyncadd.s32 $0xFFFFFF80  }
0x1c: {  	v0 =	vld.msk [tilespmem:s13+$0x80 ss:$0x1], $0xffff;
	_ =	sdelay $0x4  }
0x1d: {  	v1 =	vshll.u32 v0, $0x6  }
0x1e: {  	vm2 =	veq.s32 v0, $0x80000000;
	v0 =	vshll.u32 v0, $0x14;
	v1 =	vand.u32 $0xFFF80, v1  }
0x1f: {  	v0 =	vand.u32 $0x100000, v0;
	v1 =	vsel vm2, $0xFFFFFF80, v1  }
0x20: {  	v0 =	vsel vm2, $0xFFF00000, v0;
	v2 =	vand.u32 $0xFFFFFC00, v1  }
0x21: {  	v1 =	vand.u32 $0x380, v1;
	v0 =	vadd.s32 v0, v2  }
0x22: {  	v0 =	vor.u32 v1, v0  }
0x23: {  	v0 =	vshrl.u32 v0, $0x3;
	_ =	sdelay $0x3  }
0x24: {  	s13 =	simm.s32 $0x4100  }
0x25: {  	[tilespmem:s13], [sflag:$0x1] =	stream.indirect_vreg.gather [hbm:s3], $0x80, v0, vm0, $0x38;
	[tilespmem:$0x8100] =	vst v63  }
0x26: {  	s14 =	simm.s32 $0x4500;
	s31 =	simm.s32 $0x10  }
0x27: {  	[tilespmem:s14], [sflag:$0x1] =	stream.indirect_vreg.gather [hbm:s3], $0x80, v0, vm1, $0x38;
	[tilespmem:$0x8100] =	vst v63  }
0x28: {  	s14 =	simm.s32 $0x80;
	v0 =	vld.msk [tilespmem:s31+$0x80 ss:$0x1], $0xffff  }
.LBB2_5:
0x29: {  	p0 =	sne.s32 s14, $0x1C0;
	_ =	sdelay $0x4  }
0x2a: {  	v1 =	vshll.u32 v0, $0x6  }
0x2b: {  	vm2 =	veq.s32 v0, $0x80000000;
	v0 =	vshll.u32 v0, $0x14;
	v1 =	vand.u32 $0xFFF80, v1  }
0x2c: {  	v0 =	vand.u32 $0x100000, v0;
	v1 =	vsel vm2, $0xFFFFFF80, v1  }
0x2d: {  	v0 =	vsel vm2, $0xFFF00000, v0;
	v2 =	vand.u32 $0xFFFFFC00, v1  }
0x2e: {  	v1 =	vand.u32 $0x380, v1;
	v0 =	vadd.s32 v0, v2  }
0x2f: {  	v0 =	vor.u32 v1, v0  }
0x30: {  	v0 =	vshrl.u32 v0, $0x3;
	_ =	sdelay $0x3  }
.Ltmp4:
0x31: {  	s13 =	sadd.s32 $0x800, s13;
	(pc) =	sbr.rel @p0 .LBB2_5-.Ltmp4, $4  }
0x32: {  	[tilespmem:s13], [sflag:$0x1] =	stream.indirect_vreg.gather [hbm:s3], $0x80, v0, vm0, $0x38;
	[tilespmem:$0x8100] =	vst v63  }
0x33: {  	s15 =	sshra.s32 s14, $0x2;
	s16 =	sadd.s32 $0x400, s13  }
0x34: {  	[tilespmem:s16], [sflag:$0x1] =	stream.indirect_vreg.gather [hbm:s3], $0x80, v0, vm1, $0x38;
	[tilespmem:$0x8100] =	vst v63  }
0x35: {  	s14 =	sadd.s32 $0x40, s14;
	v0 =	vld.msk [tilespmem:s15+$0x80 ss:$0x1], $0xffff  }
0x36: {  	_ =	sdelay $0x3  }
0x37: {  	v1 =	vshll.u32 v0, $0x6  }
0x38: {  	vm2 =	veq.s32 v0, $0x80000000;
	v63 =	vshll.u32 v0, $0x14;
	v1 =	vand.u32 $0xFFF80, v1  }
0x39: {  	v0 =	vand.u32 $0x100000, v63;
	v1 =	vsel vm2, $0xFFFFFF80, v1  }
0x3a: {  	v0 =	vsel vm2, $0xFFF00000, v0;
	v2 =	vand.u32 $0xFFFFFC00, v1  }
0x3b: {  	v1 =	vand.u32 $0x380, v1;
	v0 =	vadd.s32 v0, v2  }
0x3c: {  	v0 =	vor.u32 v1, v0  }
0x3d: {  	v0 =	vshrl.u32 v0, $0x3;
	_ =	sdelay $0x3  }
0x3e: {  	s13 =	sadd.s32 $0x800, s13  }
0x3f: {  	[tilespmem:s13], [sflag:$0x1] =	stream.indirect_vreg.gather [hbm:s3], $0x80, v0, vm0, $0x38;
	[tilespmem:$0x8100] =	vst v63  }
0x40: {  	s13 =	sadd.s32 $0x400, s13  }
0x41: {  	[tilespmem:s13], [sflag:$0x1] =	stream.indirect_vreg.gather [hbm:s3], $0x80, v0, vm1, $0x38;
	[tilespmem:$0x8100] =	vst v63  }
0x42: {  	s12 =	sshll.u32 s12, $0x4;
	s14 =	simm.s32 $0x80;
	_ =	swait.ge [sflag:s4], $0x4000  }
0x43: {  	s15 =	simm.s32 $0x4500;
	s12 =	sadd.s32 s12, s2;
	[sflag:s4] =	ssyncset.done $0x0  }
0x44: {  	s16 =	sadd.s32 $0x0, s12;
	s13 =	simm.s32 $0x4100;
	[sflag:s4] =	ssyncadd.s32 $0xFFFFC000  }
.LBB2_7:
0x45: {  	[hbm:s16] =	stream.linear.scatter [tilespmem:s13], [sflag:$0x3], $0x400, $0x38;
	[tilespmem:$0x8100] =	vst v63  }
0x46: {  	s16 =	smov.u32 s14;
	s13 =	smov.u32 s15;
	p0 =	sne.s32 s14, $0x780  }
.Ltmp5:
0x47: {  	s14 =	sadd.s32 $0x80, s14;
	(pc) =	sbr.rel @p0 .LBB2_7-.Ltmp5, $2  }
0x48: {  	_ =	sdelay $0x2  }
0x49: {  	s15 =	sadd.s32 $0x400, s15;
	s16 =	sadd.s32 s16, s12  }
.Ltmp6:
0x4a: {  	(pc) =	sbr.rel .LBB2_9-.Ltmp6, $2  }
0x4b: {  	_ =	sdelay $0x2  }
0x4c: {  	[hbm:s16] =	stream.linear.scatter [tilespmem:s13], [sflag:$0x3], $0x400, $0x38;
	[tilespmem:$0x8100] =	vst v63  }
.LBB2_2:
.Ltmp7:
0x4d: {  	(pc) =	sbr.rel .LBB2_10-.Ltmp7, $4  }
0x4e: {  	_ = 	snop  }
0x4f: {  	s12 =	sshrl.u32 s11, $0x3  }
0x50: {  	s13 =	sand.u32 $0x7, s11;
	s12 =	sadd.s32 s7, s12  }
0x51: {  	[tilespmem:s9], [sflag:$0x2] =	stream.linear.gather [hbm4b:s12+s13], $0x80, $0x38;
	[tilespmem:$0x8100] =	vst v63  }
.LBB2_11:
0x52: {  	s2 =	simm.s32 $0x3  }
0x53: {  	_ =	swait.ge [sflag:s2], $0x4000  }
0x54: {  	[sflag:s2] =	ssyncset.done $0x0  }
0x55: {  	[sflag:s2] =	ssyncadd.s32 $0xFFFFC000  }
0x56: {  	_ =	sfence.sel $0x180000  }
0x57: {  	s3 =	simm.s32 $0x2;
	[bflag:$0x0] =	sbarrier.arrive $0xFFFF  }
0x58: {  	[sflag:s3] =	ssyncpa.u1 $0x1  }
0x59: {  	s31 =	simm.s32 $0x1;
	[sflag:s2] =	ssyncpa.u1 $0x1  }
0x5a: {  	[sflag:s31] =	ssyncpa.u1 $0x1  }
0x5b: {  	p0 =	sne.s32 s1, $0x0;
	_ =	strace $0x90000047  }
0x5c: {  	s0 =	sadd.s32 @!p0 $0x100000, s0;
	[bflag:$0x2] =	sbarrier.arrive $0xFFFF  }
0x5d: {  	[sflag:s0] =	ssyncadd.tile.s32 @!p0 $0x1;
	_ =	shalt  }
.Lfunc_end2:
_tile_overlayer_lowered:
.L_overlay_start_2:
0x5e: {  	(tag) =	ssettag $0x2  }
0x5f: {  	s0 =	rddreg [dreg:$0x0];
	s2 =	stileid.u32  }
0x60: {  	s1 =	rddreg [dreg:$0x1];
	p0 =	sne.s32 s2, $0x0  }
0x61: {  	s3 =	rddreg [dreg:$0x2];
	[bflag:$0x3] =	sbarrier.arrive $0xFFFF;
	s2 =	simm.s32 @!p0 $0x1C01  }
0x62: {  	[timem:s3], [sflag:s2] =	dma.local @!p0 [hbm:s0], s1  }
0x63: {  	s0 =	simm.s32 @!p0 $0x1  }
0x64: {  	_ =	swait.ge @!p0 [sflag:s0], s1  }
0x65: {  	s1 =	ssub.s32 @!p0 $0x0, s1;
	[sflag:s0] =	ssyncset.done @!p0 $0x0  }
0x66: {  	[sflag:s0] =	ssyncadd.s32 @!p0 s1  }
0x67: {  	[bflag:$0x3] =	sbarrier.arrive $0xFFFF  }
0x68: {  	_ =	shalt  }

// kernel: kernel.11.cloned.1.call-start
scs
__scs_entry_jumppad:
0x0: {  	(pc) =	sbr.rel $0x88, $3  }
0x1: {  	(tag) =	ssettag $0x0;
	lr =	simm.s32 $0x1  }
0x2: {  	[smem:$0x3F91] =	sst lr;
	_ =	strace $0xD0000000  }
0x3: {  	_ = 	snop  }
0x4: {  	_ = 	snop  }
0x5: {  	_ = 	snop  }
0x6: {  	_ = 	snop  }
0x7: {  	_ = 	snop  }
__scs_overlays_trampoline_lowered:
0x8: {  	[smem:$0x3FA0] =	sst s0  }
0x9: {  	[smem:$0x3FA1] =	sst s1  }
0xa: {  	[smem:$0x3FA2] =	sst s2  }
0xb: {  	[smem:$0x3FA3] =	sst s3  }
0xc: {  	[smem:$0x3FA4] =	sst s4  }
0xd: {  	[smem:$0x3FA5] =	sst s5  }
0xe: {  	[smem:$0x3FA6] =	sst s6  }
0xf: {  	[smem:$0x3FA7] =	sst s7  }
0x10: {  	[smem:$0x3FA8] =	sst s8  }
0x11: {  	[smem:$0x3FA9] =	sst s9;
	s0 =	simm.s32 @!p0 $0x0  }
0x12: {  	s1 =	sld [smem:$0x3F8F];
	s0 =	simm.s32 @p0 $0x1  }
0x13: {  	[smem:$0x3FAA] =	sst s0;
	s0 =	simm.s32 @!p1 $0x0  }
0x14: {  	s2 =	sld [smem:$0x3F8E];
	s0 =	simm.s32 @p1 $0x1  }
0x15: {  	[smem:$0x3FAB] =	sst s0;
	s0 =	simm.s32 @!p2 $0x0  }
0x16: {  	s3 =	sld [smem:$0x3FDB];
	s0 =	simm.s32 @p2 $0x1  }
0x17: {  	s4 =	simm.s32 $0x1BF5;
	[smem:$0x3FAD] =	sst s0  }
0x18: {  	s0 =	sld [smem:$0x3F90];
	_ =	swait.ge [sflag:s4], $0x0  }
0x19: {  	s7 =	sld [smem:$0x3F91]  }
0x1a: {  	s8 =	sadd.s32 $0xFFFFE003, lr  }
0x1b: {  	s9 =	sadd.s32 $0xFFFFFEF7, lr;
	s5 =	simm.s32 $0xFFFFFFFF;
	p2 =	slt.u32 s8, $0xFFFFF086  }
0x1c: {  	p1 =	slt.u32 s9, $0xF7A;
	s5 =	simm.s32 @!p2 $0x0  }
0x1d: {  	s5 =	simm.s32 @p1 $0x1;
	p0 =	seq.s32 s7, s2  }
0x1e: {  	s7 =	smul.u32 @!p0 $0xF7A, s2;
	p2 =	seq.s32 @!p0 s5, $0x0  }
0x1f: {  	s9 =	smul.u32 $0xF7A, s1;
	s8 =	simm.s32 @!p0 $0x1BF5;
	p2 =	por !p2, p0  }
0x20: {  	[sflag:s8] =	ssyncset.s32 @!p0 $0xFFFFF086;
	s6 =	sadd.s32 @!p0 s3, s7;
	s7 =	simm.s32 @!p0 $0x108  }
0x21: {  	s3 =	sadd.s32 s3, s9;
	s6 =	sadd.s32 @!p0 $0x88, s6;
	s7 =	simm.s32 @p2 $0x1082  }
0x22: {  	[simem:s7], [sflag:s8] =	dma.local @!p0 [hbm:s6], $0xF7A  }
0x23: {  	s9 =	sor.u32 $0xD0000000, s2;
	s6 =	simm.s32 $0x108;
	_ =	swait.ge @!p0 [sflag:s8], $0x0  }
0x24: {  	s3 =	sadd.s32 $0x88, s3;
	s6 =	simm.s32 @!p1 $0x1082;
	[sflag:s4] =	ssyncset.s32 $0xFFFFF086  }
0x25: {  	[simem:s6], [sflag:s4] =	dma.local [hbm:s3], $0xF7A  }
0x26: {  	[smem:$0x3F91] =	sst s1;
	(tag) =	ssettag s2;
	_ =	strace s9  }
0x27: {  	s1 =	sld [smem:$0x3FA1]  }
0x28: {  	s2 =	sld [smem:$0x3FA2]  }
0x29: {  	s4 =	sld [smem:$0x3FA4]  }
0x2a: {  	p0 =	seq.s32 s5, $0x0;
	s5 =	sld [smem:$0x3FA5]  }
0x2b: {  	s6 =	sld [smem:$0x3FA6]  }
0x2c: {  	s7 =	sld [smem:$0x3FA7]  }
0x2d: {  	s3 =	simm.s32 $0x108;
	s8 =	sld [smem:$0x3FA8]  }
0x2e: {  	s3 =	simm.s32 @!p0 $0x1082;
	s9 =	sld [smem:$0x3FA9]  }
0x2f: {  	lr =	sadd.s32 s0, s3;
	s0 =	sld [smem:$0x3FA0]  }
0x30: {  	s3 =	sld [smem:$0x3FA3]  }
0x31: {  	[smem:$0x3FAC] =	sst s10  }
0x32: {  	s10 =	sld [smem:$0x3FAA];
	_ =	sdelay $0x3  }
0x33: {  	p0 =	seq.s32 s10, $0x1;
	s10 =	sld [smem:$0x3FAC];
	_ =	sdelay $0x3  }
0x34: {  	[smem:$0x3FAC] =	sst s10  }
0x35: {  	s10 =	sld [smem:$0x3FAB];
	_ =	sdelay $0x3  }
0x36: {  	p1 =	seq.s32 s10, $0x1;
	s10 =	sld [smem:$0x3FAC];
	_ =	sdelay $0x3  }
0x37: {  	[smem:$0x3FAC] =	sst s10  }
0x38: {  	s10 =	sld [smem:$0x3FAD]  }
0x39: {  	_ = 	snop;
	(pc) =	sbr.ind lr, $3  }
0x3a: {  	_ = 	snop  }
0x3b: {  	_ = 	snop  }
0x3c: {  	p2 =	seq.s32 s10, $0x1;
	s10 =	sld [smem:$0x3FAC]  }
0x3d: {  	_ =	shalt  }
0x3e: {  	_ =	shalt  }
0x3f: {  	_ =	shalt  }
0x40: {  	_ =	shalt  }
0x41: {  	_ =	shalt  }
0x42: {  	_ =	shalt  }
0x43: {  	_ =	shalt  }
0x44: {  	_ =	shalt  }
0x45: {  	_ =	shalt  }
0x46: {  	_ =	shalt  }
0x47: {  	_ =	shalt  }
0x48: {  	_ =	shalt  }
0x49: {  	_ =	shalt  }
0x4a: {  	_ =	shalt  }
0x4b: {  	_ =	shalt  }
0x4c: {  	_ =	shalt  }
0x4d: {  	_ =	shalt  }
0x4e: {  	_ =	shalt  }
0x4f: {  	_ =	shalt  }
0x50: {  	_ =	shalt  }
0x51: {  	_ =	shalt  }
0x52: {  	_ =	shalt  }
0x53: {  	_ =	shalt  }
0x54: {  	_ =	shalt  }
0x55: {  	_ =	shalt  }
0x56: {  	_ =	shalt  }
0x57: {  	_ =	shalt  }
0x58: {  	_ =	shalt  }
0x59: {  	_ =	shalt  }
0x5a: {  	_ =	shalt  }
0x5b: {  	_ =	shalt  }
0x5c: {  	_ =	shalt  }
0x5d: {  	_ =	shalt  }
0x5e: {  	_ =	shalt  }
0x5f: {  	_ =	shalt  }
0x60: {  	_ =	shalt  }
0x61: {  	_ =	shalt  }
0x62: {  	_ =	shalt  }
0x63: {  	_ =	shalt  }
0x64: {  	_ =	shalt  }
0x65: {  	_ =	shalt  }
0x66: {  	_ =	shalt  }
0x67: {  	_ =	shalt  }
0x68: {  	_ =	shalt  }
0x69: {  	_ =	shalt  }
0x6a: {  	_ =	shalt  }
0x6b: {  	_ =	shalt  }
0x6c: {  	_ =	shalt  }
0x6d: {  	_ =	shalt  }
0x6e: {  	_ =	shalt  }
0x6f: {  	_ =	shalt  }
0x70: {  	_ =	shalt  }
0x71: {  	_ =	shalt  }
0x72: {  	_ =	shalt  }
0x73: {  	_ =	shalt  }
0x74: {  	_ =	shalt  }
0x75: {  	_ =	shalt  }
0x76: {  	_ =	shalt  }
0x77: {  	_ =	shalt  }
0x78: {  	_ =	shalt  }
0x79: {  	_ =	shalt  }
0x7a: {  	_ =	shalt  }
0x7b: {  	_ =	shalt  }
0x7c: {  	_ =	shalt  }
0x7d: {  	_ =	shalt  }
0x7e: {  	_ =	shalt  }
0x7f: {  	_ =	shalt  }
0x80: {  	_ =	shalt  }
0x81: {  	_ =	shalt  }
0x82: {  	_ =	shalt  }
0x83: {  	_ =	shalt  }
0x84: {  	_ =	shalt  }
0x85: {  	_ =	shalt  }
0x86: {  	_ =	shalt  }
0x87: {  	_ =	shalt  }
.Lfunc_end0:
.L_simem_size_0:
called_computation.2_lowered:
.L_overlay_start_0:
0x88: {  	s2 =	sld [smem:$0x3FD9]  }
0x89: {  	s3 =	sld [smem:$0x3FFE];
	_ =	sdelay $0x1  }
0x8a: {  	s1 =	srdreg.scid  }
0x8b: {  	s0 =	sand.u32 $0x1, s1  }
0x8c: {  	s16 =	sshll.u32 s0, $0xA;
	s2 =	sadd.s32 s3, s2  }
0x8d: {  	s2 =	sadd.s32 s2, s16  }
0x8e: {  	[smem:$0x3FB8] =	sst s2  }
0x8f: {  	_ = 	snop  }
0x90: {  	(tm) =	ssettm $0x1  }
0x91: {  	s17 =	sld [smem:$0x3FFB];
	_ =	sdelay $0x3  }
0x92: {  	_ =	strace s17  }
0x93: {  	s2 =	sld [smem:$0x3FFC];
	_ =	sdelay $0x3  }
0x94: {  	_ =	strace s2  }
0x95: {  	s2 =	sld [smem:$0x3FFD];
	_ =	sdelay $0x3  }
0x96: {  	_ =	strace s2  }
0x97: {  	_ =	strace $0x8FFFFFFF  }
0x98: {  	s18 =	sld [smem:$0x3FDB];
	_ =	sdelay $0x1  }
0x99: {  	s19 =	simm.s32 $_scs_section_size  }
0x9a: {  	s4 =	simm.s32 $_size__tile_overlayer_lowered;
	s5 =	simm.s32 $_tile_overlayer_lowered  }
0x9b: {  	s22 =	simm.s32 $0x1BFF;
	s21 =	sshll.u32 s5, $0x1;
	s2 =	sadd.s32 s19, s18  }
0x9c: {  	s6 =	simm.s32 $0x0;
	s20 =	sshll.u32 s4, $0x1;
	s4 =	sadd.s32 s21, s2  }
0x9d: {  	[timem:s6], [sflag:s22] =	dma.local [hbm:s4], s20  }
0x9e: {  	_ =	swait.ge [sflag:s22], s20  }
0x9f: {  	s3 =	ssub.s32 $0x0, s20;
	[sflag:s22] =	ssyncset.done $0x0  }
0xa0: {  	[sflag:s22] =	ssyncadd.s32 s3;
	_ =	sdelay $0x1  }
0xa1: {  	s23 =	simm.s32 $0x1B8B  }
0xa2: {  	_ =	swait.ge [sflag:s23], $0x1  }
0xa3: {  	[sflag:s23] =	ssyncset.done $0x0  }
0xa4: {  	s25 =	simm.s32 $0x1B8E;
	s24 =	sld [smem:$0x3FFE];
	[sflag:s23] =	ssyncadd.s32 $0xFFFFFFFF  }
0xa5: {  	s26 =	simm.s32 $execute0_lowered;
	[smem:$0x3FD2] =	sst s25  }
0xa6: {  	s4 =	sshll.u32 s26, $0x1;
	_ =	strace $0x80000049;
	[dreg:$0x1] =	wrdreg $0xFFFFFFFF  }
0xa7: {  	s28 =	simm.s32 $_size_execute0_lowered;
	s2 =	sadd.s32 s2, s4;
	[dreg:$0x0] =	wrdreg $0x0  }
0xa8: {  	s4 =	sshll.u32 s28, $0x1;
	[dreg:$0x2] =	wrdreg s2  }
0xa9: {  	[dreg:$0x3] =	wrdreg s4  }
0xaa: {  	[dreg:$0x4] =	wrdreg $0xC0  }
0xab: {  	_ =	task [dreg:s6], $0x5FFFF  }
0xac: {  	[dreg:$0x1] =	wrdreg $0xFFFFFFFF  }
0xad: {  	[dreg:$0x0] =	wrdreg $0x60  }
0xae: {  	[dreg:$0x2] =	wrdreg s24  }
0xaf: {  	[dreg:$0x3] =	wrdreg $0xA  }
0xb0: {  	_ =	task.clear_ibuf [dreg:s6], $0x4FFFF;
	_ =	strace $0x90000049  }
0xb1: {  	s29 =	simm.s32 $0xA;
	_ =	strace $0x8000004B  }
0xb2: {  	_ =	swait.ge [sflag:s29], $0x1  }
0xb3: {  	[sflag:s29] =	ssyncadd.s32 $0xFFFFFFFF  }
0xb4: {  	_ =	strace $0x9000004B  }
0xb5: {  	_ =	sfence  }
0xb6: {  	s30 =	sld [smem:$0x0];
	_ =	sdelay $0x2  }
0xb7: {  	s31 =	sshll.u32 s1, $0xD;
	s1 =	sshrl.u32 s1, $0x2  }
0xb8: {  	s3 =	sand.u32 $0x4000, s31;
	s1 =	sadd.s32 s1, s30  }
0xb9: {  	s0 =	sor.u32 s3, s0;
	s1 =	sshll.u32 s1, $0x11  }
0xba: {  	s0 =	sor.u32 s1, s0  }
0xbb: {  	s0 =	sadd.s32 $0x8F2B, s0  }
0xbc: {  	[sflag:s0] =	ssyncadd.remote.s32 $0x1  }
0xbd: {  	_ =	sfence.sel $0xFFFF  }
0xbe: {  	[dreg:$0x0] =	wrdreg $0xFFFFFFFF;
	(pc) =	sbr.abs _section_cstart, $3  }
0xbf: {  	[dreg:$0x1] =	wrdreg $0xFFFFFFFF  }
0xc0: {  	_ =	task.clear_ibuf [dreg:s6], $0x2FFFF;
	_ =	strace $0x9FFFFFFF  }
0xc1: {  	(tm) =	ssettm $0x7FFFFFFF  }
tec
execute0_lowered:
.L_overlay_start_1:
0x0: {  	(tag) =	ssettag $0x1  }
0x1: {  	s0 =	rddreg [dreg:$0x0];
	s4 =	stileid.u32  }
0x2: {  	s1 =	srdreg.scid;
	s2 =	simm.s32 $0x0;
	s16 =	simm.s32 $0x80  }
0x3: {  	s17 =	simm.s32 $0x100;
	s18 =	simm.s32 $0x2;
	s19 =	simm.s32 $0x2000  }
0x4: {  	s20 =	simm.s32 $0x4000;
	s28 =	simm.s32 $0x20;
	s29 =	simm.s32 $0x12580  }
0x5: {  	s30 =	simm.s32 $0x12600;
	s1 =	sand.u32 $0x1, s1;
	s3 =	sshll.u32 s4, $0x1  }
0x6: {  	[smem:$0x7FF] =	sst s2;
	s4 =	sshrl.u32 s4, $0x3;
	s5 =	sor.u32 s1, s3  }
0x7: {  	_ =	strace $0x8000004A;
	s22 =	sshll.u32 s4, $0x4;
	s3 =	sadd.s32 $0x42C00, s0  }
0x8: {  	s1 =	ssub.s32 $0x2, s1;
	s4 =	sshll.u32 s4, $0xD;
	s6 =	sshll.u32 s5, $0x4  }
0x9: {  	s7 =	sadd.s32 s22, s0;
	s8 =	sshll.u32 s5, $0x9;
	s5 =	sshll.u32 s5, $0x10  }
0xa: {  	s23 =	sshrl.u32 s1, $0x1;
	s22 =	simm.s32 $0x0;
	s6 =	sadd.s32 s6, s0  }
0xb: {  	s14 =	sadd.s32 s8, s0;
	s0 =	sadd.s32 s5, s0;
	s24 =	sadd.s32 $0x42400, s7  }
0xc: {  	s1 =	ssub.s32 s1, s23;
	s25 =	sadd.s32 $0x41C00, s7;
	[dreg:$0x2] =	wrdreg s24  }
0xd: {  	s26 =	sadd.s32 $0x41400, s7;
	s23 =	simm.s32 $0x0;
	[dreg:$0x3] =	wrdreg s25  }
.Ltmp0:
0xe: {  	[dreg:$0x4] =	wrdreg s26;
	s31 =	sadd.s32 $0x1400, s6;
	(pc) =	sbr.rel .LBB2_1-.Ltmp0, $4  }
0xf: {  	v0 =	vlaneseq.u32;
	s8 =	sadd.s32 $0x1800, s6;
	s9 =	sadd.s32 $0x1C00, s6;
	s10 =	sadd.s32 $0x82C00, s0  }
0x10: {  	v3 =	vmul.u32 $0xFFFFFFFF, v0;
	s11 =	sadd.s32 $0x1E00, s14;
	s12 =	sadd.s32 $0x5E00, s14;
	s13 =	sadd.s32 $0x9E00, s14  }
0x11: {  	v2 =	vimm.s32 $0x0;
	s14 =	sadd.s32 $0xDE00, s14;
	s15 =	smax.u32 s1, $0x1;
	s24 =	simm.s32 $0xC180  }
0x12: {  	v4 =	vor.u32 $0x10, v0;
	v1 =	vmov s4;
	v3 =	vadd.s32 $0xF, v3;
	s25 =	simm.s32 $0xC380;
	s26 =	simm.s32 $0x1;
	[dreg:$0x5] =	wrdreg s31  }
.LBB2_18:
0x13: {  	s0 =	simm.s32 $0xC580  }
0x14: {  	[hbm4b:s11+s2] =	stream.linear.scatter [tilespmem:s0], [sflag:$0x2], $0x1000, $0x38;
	[tilespmem:$0x13600] =	vst v63  }
0x15: {  	_ =	swait.ge [sflag:s18], $0x1000  }
0x16: {  	[sflag:s18] =	ssyncset.done $0x0  }
0x17: {  	s7 =	simm.s32 $0xD580;
	[sflag:s18] =	ssyncadd.s32 $0xFFFFF000  }
0x18: {  	[hbm4b:s12+s2] =	stream.linear.scatter [tilespmem:s7], [sflag:$0x2], $0x1000, $0x38;
	[tilespmem:$0x13600] =	vst v63  }
0x19: {  	_ =	swait.ge [sflag:s18], $0x1000  }
0x1a: {  	[sflag:s18] =	ssyncset.done $0x0  }
0x1b: {  	s21 =	simm.s32 $0xE580;
	[sflag:s18] =	ssyncadd.s32 $0xFFFFF000  }
0x1c: {  	[hbm4b:s13+s2] =	stream.linear.scatter [tilespmem:s21], [sflag:$0x2], $0x1000, $0x38;
	[tilespmem:$0x13600] =	vst v63  }
0x1d: {  	s22 =	sadd.s32 $0x1, s22;
	_ =	swait.ge [sflag:s18], $0x1000  }
0x1e: {  	p0 =	sne.s32 s22, s15;
	[sflag:s18] =	ssyncset.done $0x0  }
.Ltmp1:
0x1f: {  	s31 =	simm.s32 $0xF580;
	[sflag:s18] =	ssyncadd.s32 $0xFFFFF000;
	(pc) =	sbr.rel @!p0 .LBB2_19-.Ltmp1, $4  }
0x20: {  	[hbm4b:s14+s2] =	stream.linear.scatter [tilespmem:s31], [sflag:$0x2], $0x1000, $0x38;
	[tilespmem:$0x13600] =	vst v63  }
0x21: {  	_ =	swait.ge [sflag:s18], $0x1000  }
0x22: {  	[sflag:s18] =	ssyncset.done $0x0  }
0x23: {  	[sflag:s18] =	ssyncadd.s32 $0xFFFFF000  }
.LBB2_1:
0x24: {  	s0 =	rddreg [dreg:$0x2]  }
0x25: {  	[tilespmem:s2], [sflag:$0x2] =	stream.strided.gather [hbm4b:s0+s16], $0x2000, s17, s16, $0x38;
	[tilespmem:$0x13600] =	vst v63  }
0x26: {  	_ =	swait.ge [sflag:s18], $0x2000  }
0x27: {  	[sflag:s18] =	ssyncset.done $0x0  }
0x28: {  	s5 =	rddreg [dreg:$0x3];
	[sflag:s18] =	ssyncadd.s32 $0xFFFFE000  }
0x29: {  	[tilespmem:s19], [sflag:$0x2] =	stream.strided.gather [hbm4b:s5+s16], $0x2000, s17, s16, $0x38;
	[tilespmem:$0x13600] =	vst v63  }
0x2a: {  	_ =	swait.ge [sflag:s18], $0x2000  }
0x2b: {  	[sflag:s18] =	ssyncset.done $0x0  }
0x2c: {  	s6 =	rddreg [dreg:$0x4];
	[sflag:s18] =	ssyncadd.s32 $0xFFFFE000  }
0x2d: {  	[tilespmem:s20], [sflag:$0x2] =	stream.strided.gather [hbm4b:s6+s16], $0x2000, s17, s16, $0x38;
	[tilespmem:$0x13600] =	vst v63  }
0x2e: {  	_ =	swait.ge [sflag:s18], $0x2000  }
0x2f: {  	[sflag:s18] =	ssyncset.done $0x0  }
0x30: {  	s1 =	simm.s32 $0xC000;
	s7 =	rddreg [dreg:$0x5];
	[sflag:s18] =	ssyncadd.s32 $0xFFFFE000  }
0x31: {  	[tilespmem:s1], [sflag:$0x2] =	stream.linear.gather [hbm4b:s7+s2], $0x80, $0x38;
	[tilespmem:$0x13600] =	vst v63  }
0x32: {  	_ =	swait.ge [sflag:s18], $0x80  }
0x33: {  	[sflag:s18] =	ssyncset.done $0x0  }
0x34: {  	s21 =	simm.s32 $0xC080;
	[sflag:s18] =	ssyncadd.s32 $0xFFFFFF80  }
0x35: {  	[tilespmem:s21], [sflag:$0x2] =	stream.linear.gather [hbm4b:s8+s2], $0x80, $0x38;
	[tilespmem:$0x13600] =	vst v63  }
0x36: {  	_ =	swait.ge [sflag:s18], $0x80  }
0x37: {  	[sflag:s18] =	ssyncset.done $0x0  }
0x38: {  	s31 =	simm.s32 $0xC100;
	[sflag:s18] =	ssyncadd.s32 $0xFFFFFF80  }
0x39: {  	[tilespmem:s31], [sflag:$0x2] =	stream.linear.gather [hbm4b:s9+s2], $0x80, $0x38;
	[tilespmem:$0x13600] =	vst v63  }
0x3a: {  	_ =	swait.ge [sflag:s18], $0x80  }
0x3b: {  	[sflag:s18] =	ssyncset.done $0x0  }
0x3c: {  	s1 =	simm.s32 $0x0;
	[sflag:s18] =	ssyncadd.s32 $0xFFFFFF80  }
0x3d: {  	v5 =	vld [tilespmem:s1+$0x0]  }
0x3e: {  	v6 =	vld [tilespmem:s1+$0x2000]  }
0x3f: {  	v9 =	vld [tilespmem:s1+$0x4000];
	_ =	sdelay $0x3  }
0x40: {  	s0 =	simm.s32 $0x10;
	v8 =	vmul.f32 v5, v5;
	v10 =	vmul.f32 v6, v6;
	v11 =	vshrl.u32 v5, $0x10  }
0x41: {  	v7 =	vld [tilespmem:s0+$0x0];
	v12 =	vshrl.u32 v6, $0x10;
	v13 =	vmul.f32 v9, v9;
	v14 =	vshrl.u32 v9, $0x10  }
0x42: {  	v11 =	vand.u32 $0x1, v11;
	v12 =	vand.u32 $0x1, v12;
	v10 =	vadd.f32 v10, v8;
	v8 =	vld [tilespmem:s0+$0x2000]  }
0x43: {  	v11 =	vadd.s32 v11, v5;
	v6 =	vadd.s32 v12, v6;
	v12 =	vand.u32 $0x1, v14  }
0x44: {  	v5 =	vld [tilespmem:s0+$0x4000];
	v11 =	vadd.s32 $0x7FFF, v11;
	v9 =	vadd.s32 v12, v9  }
0x45: {  	v6 =	vadd.s32 $0x7FFF, v6;
	v10 =	vadd.f32 v13, v10;
	v11 =	vand.u32 $0xFFFF0000, v11  }
0x46: {  	v12 =	vshrl.u32 v7, $0x10;
	v9 =	vadd.s32 $0x7FFF, v9;
	v14 =	vand.u32 $0xFFFF0000, v6;
	[tilespmem:s1+$0x6000] =	vst v11  }
0x47: {  	s4 =	simm.s32 $0x20;
	[tilespmem:s1+$0x10580] =	vst v10;
	v10 =	vmul.f32 v7, v7;
	v11 =	vshrl.u32 v8, $0x10;
	v13 =	vmul.f32 v8, v8  }
0x48: {  	s5 =	simm.s32 $0xC0;
	v12 =	vand.u32 $0x1, v12;
	v9 =	vand.u32 $0xFFFF0000, v9;
	v6 =	vld [tilespmem:s4+$0x0];
	[tilespmem:s1+$0x8000] =	vst v14;
	v11 =	vand.u32 $0x1, v11  }
.LBB2_2:
0x49: {  	p0 =	sne.s32 s5, $0x7FC0;
	v14 =	vld [tilespmem:s4+$0x2000];
	v10 =	vadd.f32 v13, v10;
	v13 =	vmul.f32 v5, v5;
	v15 =	vshrl.u32 v5, $0x10;
	[tilespmem:s1+$0xA000] =	vst v9;
	s1 =	smov.u32 s0;
	s0 =	smov.u32 s4  }
0x4a: {  	v7 =	vadd.s32 v12, v7;
	v8 =	vadd.s32 v11, v8;
	v9 =	vand.u32 $0x1, v15  }
.Ltmp2:
0x4b: {  	v16 =	vadd.s32 $0x7FFF, v7;
	v10 =	vadd.f32 v13, v10;
	v9 =	vadd.s32 v9, v5;
	v5 =	vld [tilespmem:s0+$0x4000];
	(pc) =	sbr.rel @p0 .LBB2_2-.Ltmp2, $4  }
0x4c: {  	v11 =	vand.u32 $0xFFFF0000, v16;
	v13 =	vadd.s32 $0x7FFF, v8;
	v17 =	vadd.s32 $0x7FFF, v9  }
0x4d: {  	v15 =	vand.u32 $0xFFFF0000, v13;
	v12 =	vshrl.u32 v6, $0x10;
	[tilespmem:s1+$0x10580] =	vst v10;
	v9 =	vand.u32 $0xFFFF0000, v17;
	v7 =	vmovc v6  }
0x4e: {  	s4 =	sshra.s32 s5, $0x2;
	v10 =	vmul.f32 v6, v7;
	v13 =	vmul.f32 v14, v14;
	v16 =	vshrl.u32 v14, $0x10;
	[tilespmem:s1+$0x6000] =	vst v11;
	v8 =	vmovc v14  }
0x4f: {  	s5 =	sadd.s32 $0x40, s5;
	v12 =	vand.u32 $0x1, v12;
	v6 =	vld [tilespmem:s4+$0x0];
	v11 =	vand.u32 $0x1, v16;
	[tilespmem:s1+$0x8000] =	vst v15  }
0x50: {  	v14 =	vld [tilespmem:s4+$0x2000];
	v10 =	vadd.f32 v13, v10;
	[tilespmem:s1+$0xA000] =	vst v9;
	v54 =	vmul.f32 v5, v5  }
0x51: {  	v55 =	vshrl.u32 v5, $0x10;
	v7 =	vadd.s32 v12, v7;
	v8 =	vadd.s32 v11, v8;
	v56 =	vld [tilespmem:s4+$0x4000]  }
0x52: {  	v57 =	vand.u32 $0x1, v55;
	v7 =	vadd.s32 $0x7FFF, v7;
	v8 =	vadd.s32 $0x7FFF, v8  }
0x53: {  	v9 =	vadd.f32 v54, v10;
	v5 =	vadd.s32 v57, v5;
	v7 =	vand.u32 $0xFFFF0000, v7  }
0x54: {  	v8 =	vand.u32 $0xFFFF0000, v8;
	v5 =	vadd.s32 $0x7FFF, v5;
	v58 =	vmul.f32 v6, v6  }
0x55: {  	v60 =	vshrl.u32 v6, $0x10;
	v5 =	vand.u32 $0xFFFF0000, v5;
	v59 =	vmul.f32 v14, v14  }
0x56: {  	[tilespmem:s0+$0x6000] =	vst v7;
	v61 =	vshrl.u32 v14, $0x10;
	v7 =	vand.u32 $0x1, v60;
	v62 =	vmul.f32 v56, v56  }
0x57: {  	[tilespmem:s0+$0x10580] =	vst v9;
	v9 =	vand.u32 $0x1, v61;
	v6 =	vadd.s32 v7, v6;
	v10 =	vadd.f32 v59, v58  }
0x58: {  	[tilespmem:s0+$0xA000] =	vst v5;
	v63 =	vshrl.u32 v56, $0x10;
	v5 =	vadd.s32 v9, v14;
	v6 =	vadd.s32 $0x7FFF, v6  }
.Ltmp3:
0x59: {  	[tilespmem:s0+$0x8000] =	vst v8;
	v8 =	vand.u32 $0x1, v63;
	v6 =	vand.u32 $0xFFFF0000, v6;
	v7 =	vadd.f32 v62, v10;
	(pc) =	sbr.rel .LBB2_4-.Ltmp3, $4  }
0x5a: {  	v8 =	vadd.s32 v8, v56;
	v5 =	vadd.s32 $0x7FFF, v5;
	[tilespmem:s4+$0x6000] =	vst v6  }
0x5b: {  	v5 =	vand.u32 $0xFFFF0000, v5;
	[tilespmem:s4+$0x10580] =	vst v7;
	v7 =	vadd.s32 $0x7FFF, v8  }
0x5c: {  	[tilespmem:s4+$0x8000] =	vst v5;
	v6 =	vand.u32 $0xFFFF0000, v7  }
0x5d: {  	s31 =	simm.s32 $0x0;
	[tilespmem:s4+$0xA000] =	vst v6  }
.LBB2_10:
0x5e: {  	v10 =	vimm.s32 $0x0  }
.LBB2_17:
0x5f: {  	v11 =	vperm.xlane v8, v2  }
0x60: {  	vm0 =	vgt.s32 v9, v0  }
0x61: {  	v8 =	vsel vm0, v8, v11;
	_ =	sdelay $0x1  }
0x62: {  	vm15 =	vgt.s32 v9, v4;
	s0 =	sshll.u32 s31, $0x5  }
0x63: {  	v9 =	vsel vm15, v10, v11;
	[tilespmem:s0+$0xC580] =	vst v8  }
0x64: {  	[tilespmem:s0+$0xC590] =	vst v9  }
0x65: {  	v63 =	vld.idx.msk [tilespmem:v8+s2+$0x0], $0xffff;
	_ =	sdelay $0x4  }
0x66: {  	v10 =	vsub.f32 v63, v7;
	_ =	sdelay $0x1  }
0x67: {  	[tilespmem:s0+$0xD580] =	vst v10  }
0x68: {  	v10 =	vld.idx.msk [tilespmem:v9+s2+$0x0], $0xffff;
	_ =	sdelay $0x4  }
0x69: {  	v7 =	vsub.f32 v10, v7;
	_ =	sdelay $0x1  }
0x6a: {  	[tilespmem:s0+$0xD590] =	vst v7  }
0x6b: {  	v7 =	vld.idx.msk [tilespmem:v8+s19+$0x0], $0xffff;
	_ =	sdelay $0x4  }
0x6c: {  	v7 =	vsub.f32 v7, v6;
	_ =	sdelay $0x1  }
0x6d: {  	[tilespmem:s0+$0xE580] =	vst v7  }
0x6e: {  	v7 =	vld.idx.msk [tilespmem:v9+s19+$0x0], $0xffff;
	_ =	sdelay $0x4  }
0x6f: {  	v6 =	vsub.f32 v7, v6;
	_ =	sdelay $0x1  }
0x70: {  	[tilespmem:s0+$0xE590] =	vst v6  }
0x71: {  	v6 =	vld.idx.msk [tilespmem:v8+s20+$0x0], $0xffff;
	_ =	sdelay $0x4  }
0x72: {  	v6 =	vsub.f32 v6, v5;
	_ =	sdelay $0x1  }
0x73: {  	[tilespmem:s0+$0xF580] =	vst v6  }
0x74: {  	v6 =	vld.idx.msk [tilespmem:v9+s20+$0x0], $0xffff;
	_ =	sdelay $0x4  }
0x75: {  	v5 =	vsub.f32 v6, v5;
	_ =	sdelay $0x1  }
0x76: {  	[tilespmem:s0+$0xF590] =	vst v5;
	v5 =	vadd.s32 v1, v8  }
0x77: {  	[tilespmem:$0x12580] =	vst v5;
	v5 =	vadd.s32 v1, v9  }
0x78: {  	[tilespmem:$0x12590] =	vst v5  }
0x79: {  	[tilespmem:s30], [sflag:$0x1] =	stream.indirect.gather [hbm4b:s3+s28], $0x80, s29, s28, $0xb8;
	[tilespmem:$0x13600] =	vst v63  }
0x7a: {  	s21 =	sshll.u32 s31, $0x9;
	s31 =	sadd.s32 $0x1, s31;
	_ =	swait.ge [sflag:s26], $0x1000  }
0x7b: {  	p0 =	sne.s32 s31, $0x80;
	[sflag:s26] =	ssyncset.done $0x0  }
.Ltmp4:
0x7c: {  	s0 =	sadd.s32 s21, s10;
	[sflag:s26] =	ssyncadd.s32 $0xFFFFF000;
	(pc) =	sbr.rel @!p0 .LBB2_18-.Ltmp4, $4  }
0x7d: {  	[hbm4b:s0+s2] =	stream.linear.scatter [tilespmem:s30], [sflag:$0x2], $0x1000, $0x38;
	[tilespmem:$0x13600] =	vst v63  }
0x7e: {  	_ =	swait.ge [sflag:s18], $0x1000  }
0x7f: {  	[sflag:s18] =	ssyncset.done $0x0  }
0x80: {  	[sflag:s18] =	ssyncadd.s32 $0xFFFFF000  }
.LBB2_4:
0x81: {  	s0 =	sand.u32 $0x70, s31  }
0x82: {  	v5 =	vld [tilespmem:s0+$0xC000]  }
0x83: {  	v6 =	vld [tilespmem:s0+$0xC080]  }
0x84: {  	v8 =	vld [tilespmem:s0+$0xC100];
	_ =	sdelay $0x1  }
0x85: {  	s6 =	sand.u32 $0xF, s31  }
0x86: {  	v9 =	vmov s6  }
0x87: {  	v7 =	vperm.xlane v5, v9;
	v6 =	vperm.xlane v6, v9  }
0x88: {  	v5 =	vperm.xlane v8, v9  }
0x89: {  	v8 =	vmul.f32 v7, v7;
	v9 =	vmul.f32 v6, v6;
	_ =	sdelay $0x1  }
0x8a: {  	v8 =	vadd.f32 v9, v8;
	v9 =	vmul.f32 v5, v5;
	_ =	sdelay $0x1  }
0x8b: {  	p1 =	por $0x1, $0x1;
	v9 =	vadd.f32 v9, v8;
	v8 =	vshrl.u32 v7, $0x10  }
.Ltmp5:
0x8c: {  	v10 =	vshrl.u32 v6, $0x10;
	v11 =	vshrl.u32 v5, $0x10;
	v8 =	vand.u32 $0x1, v8;
	(pc) =	sbr.rel @!p1 .LBB2_5-.Ltmp5, $4  }
0x8d: {  	v10 =	vand.u32 $0x1, v10;
	v11 =	vand.u32 $0x1, v11;
	v8 =	vadd.s32 v8, v7  }
0x8e: {  	s7 =	simm.s32 $0x6000;
	v12 =	vadd.s32 v10, v6;
	v11 =	vadd.s32 v11, v5;
	v8 =	vadd.s32 $0x7FFF, v8  }
0x8f: {  	s4 =	simm.s32 $0x8000;
	s21 =	simm.s32 $0xA000;
	v15 =	vld [tilespmem:s7+$0x0];
	v11 =	vadd.s32 $0x7FFF, v11;
	v10 =	vand.u32 $0xFFFF0000, v8;
	v8 =	vadd.s32 $0x7FFF, v12  }
0x90: {  	s1 =	simm.s32 $0x10580;
	p0 =	por $0x0, $0x0;
	v16 =	vld [tilespmem:s4+$0x0];
	s0 =	simm.s32 $0x10;
	v11 =	vand.u32 $0xFFFF0000, v11;
	v12 =	vand.u32 $0xFFFF0000, v8;
	v8 =	vimm.s32 $0x0  }
0x91: {  	_ = 	snop  }
0x92: {  	v13 =	vld [tilespmem:s21+$0x0];
	_ =	sdelay $0x2  }
0x93: {  	v14 =	vmul.f32 v10, v15;
	v15 =	vmul.f32 v12, v16  }
0x94: {  	v16 =	vld [tilespmem:s1+$0x0]  }
0x95: {  	v13 =	vmul.f32 v11, v13;
	v14 =	vadd.f32 v15, v14;
	_ =	sdelay $0x1  }
0x96: {  	v13 =	vadd.f32 v13, v14;
	_ =	sdelay $0x1  }
0x97: {  	v14 =	vadd.f32 v16, v9;
	v13 =	vadd.f32 v13, v13;
	_ =	sdelay $0x1  }
0x98: {  	v13 =	vsub.f32 v14, v13;
	_ =	sdelay $0x1  }
0x99: {  	vm0 =	vle.f32 v13, $9.999999770e-03  }
0x9a: {  	v14 =	vsel vm0, $0x1, v2  }
0x9b: {  	(xrf0) =	vadd.scan.msk.s32 $0xffff, v14;
	_ =	sdelay $0x5  }
0x9c: {  	v14, _, _ =	vpop (xrf0)  }
0x9d: {  	v14 =	vadd.s32 v14, v8  }
0x9e: {  	v14 =	vadd.s32 $0xFFFFFFFF, v14  }
0x9f: {  	vm1 =	vlt.s32 v14, $0x1FF  }
0xa0: {  	v14 =	vnsel vm1, $0x1FF, v14;
	_ =	sdelay $0x3  }
0xa1: {  	p1 =	por $0x1, $0x1  }
.Ltmp6:
0xa2: {  	v15 =	vmpcnt.ones.xlane vm0;
	[tilespmem:v14+s24+$0x0] =	vst.idx.msk vm0, v13;
	v13 =	vor.u32 s23, v0;
	(pc) =	sbr.rel @!p1 .LBB2_7-.Ltmp6, $4  }
0xa3: {  	s5 =	simm.s32 $0x6010;
	[tilespmem:v14+s25+$0x0] =	vst.idx.msk vm0, v13  }
0xa4: {  	s6 =	simm.s32 $0x8010;
	v13 =	vadd.s32 v8, v15;
	v15 =	vld [tilespmem:s5+$0x0]  }
0xa5: {  	s7 =	simm.s32 $0x20;
	v16 =	vld [tilespmem:s6+$0x0]  }
0xa6: {  	s21 =	simm.s32 $0xA010;
	p0 =	por $0x1, $0x1;
	s4 =	simm.s32 $0x10580;
	v14 =	vmov v13  }
.LBB2_8:
0xa7: {  	p1 =	sne.s32 s7, $0x1FF0;
	v17 =	vld [tilespmem:s21+$0x0];
	_ =	sdelay $0x2  }
0xa8: {  	s4 =	sadd.s32 $0x10, s4;
	v15 =	vmul.f32 v10, v15;
	v16 =	vmul.f32 v12, v16  }
0xa9: {  	v18 =	vld [tilespmem:s4+$0x0]  }
0xaa: {  	v15 =	vadd.f32 v16, v15;
	v16 =	vmul.f32 v11, v17;
	_ =	sdelay $0x1  }
0xab: {  	v15 =	vadd.f32 v16, v15;
	_ =	sdelay $0x1  }
0xac: {  	v16 =	vadd.f32 v18, v9;
	v15 =	vadd.f32 v15, v15;
	_ =	sdelay $0x1  }
0xad: {  	v15 =	vsub.f32 v16, v15;
	_ =	sdelay $0x1  }
0xae: {  	vm0 =	vle.f32 v15, $9.999999770e-03  }
0xaf: {  	v16 =	vsel vm0, $0x1, v2;
	v17 =	vmpcnt.ones.xlane vm0  }
0xb0: {  	(xrf0) =	vadd.scan.msk.s32 $0xffff, v16  }
0xb1: {  	v13 =	vadd.s32 v13, v17;
	_ =	sdelay $0x4  }
0xb2: {  	v16, _, _ =	vpop (xrf0)  }
0xb3: {  	v16 =	vadd.s32 v16, v14;
	v14 =	vmov v13  }
0xb4: {  	v16 =	vadd.s32 $0xFFFFFFFF, v16  }
0xb5: {  	vm1 =	vlt.s32 v16, $0x1FF  }
0xb6: {  	v16 =	vnsel vm1, $0x1FF, v16;
	_ =	sdelay $0x4  }
.Ltmp7:
0xb7: {  	[tilespmem:v16+s24+$0x0] =	vst.idx.msk vm0, v15;
	v15 =	vor.u32 s0, v0;
	s0 =	smov.u32 s7;
	(pc) =	sbr.rel @p1 .LBB2_8-.Ltmp7, $4  }
0xb8: {  	s5 =	sadd.s32 $0x10, s5;
	[tilespmem:v16+s25+$0x0] =	vst.idx.msk vm0, v15  }
0xb9: {  	s6 =	sadd.s32 $0x10, s6;
	v15 =	vld [tilespmem:s5+$0x0]  }
0xba: {  	v16 =	vld [tilespmem:s6+$0x0]  }
0xbb: {  	s21 =	sadd.s32 $0x10, s21;
	s7 =	sadd.s32 $0x10, s7  }
.LBB2_9:
0xbc: {  	v17 =	vld [tilespmem:s21+$0x0];
	_ =	sdelay $0x1  }
0xbd: {  	s4 =	sadd.s32 @p0 $0x10, s4  }
0xbe: {  	s1 =	smov.u32 @p0 s4;
	v10 =	vmul.f32 v10, v15;
	v12 =	vmul.f32 v12, v16  }
0xbf: {  	v62 =	vld [tilespmem:s1+$0x0]  }
0xc0: {  	v10 =	vadd.f32 v12, v10;
	v11 =	vmul.f32 v11, v17;
	_ =	sdelay $0x1  }
0xc1: {  	v10 =	vadd.f32 v11, v10;
	_ =	sdelay $0x1  }
0xc2: {  	v9 =	vadd.f32 v62, v9;
	v10 =	vadd.f32 v10, v10;
	_ =	sdelay $0x1  }
0xc3: {  	v10 =	vsub.f32 v9, v10;
	_ =	sdelay $0x1  }
0xc4: {  	vm0 =	vle.f32 v10, $9.999999770e-03  }
0xc5: {  	v9 =	vmpcnt.ones.xlane vm0;
	_ =	sdelay $0x1  }
0xc6: {  	v11 =	vsel vm0, $0x1, v2;
	v9 =	vadd.s32 v13, v9  }
0xc7: {  	(xrf0) =	vadd.scan.msk.s32 $0xffff, v11;
	v11 =	vxor.u32 $0x80000000, v9  }
0xc8: {  	(xrf0) =	vmax.scan.msk.u32 $0xffff, v11;
	_ =	sdelay $0x4  }
0xc9: {  	v11, _, _ =	vpop (xrf0)  }
0xca: {  	v63, _, _ =	vpop (xrf0)  }
0xcb: {  	(v2sf) =	vpush v63, $0xF;
	_ =	sdelay $0xe  }
0xcc: {  	s7 =	spop (v2sf)  }
0xcd: {  	s1 =	sxor.u32 $0x80000000, s7  }
0xce: {  	v11 =	vadd.s32 v11, v14;
	p0 =	slt.s32 s1, $0x200;
	s4 =	smov.u32 s1  }
0xcf: {  	v11 =	vadd.s32 $0xFFFFFFFF, v11;
	s4 =	simm.s32 @!p0 $0x200  }
0xd0: {  	vm1 =	vlt.s32 v11, $0x1FF;
	s4 =	sadd.s32 $0xF, s4  }
0xd1: {  	v11 =	vnsel vm1, $0x1FF, v11;
	s5 =	sand.u32 $0xF, s4  }
0xd2: {  	p6 =	slt.s32 s1, $0xFFFFFFF2;
	s21 =	sshra.s32 s4, $0x1F;
	p1 =	sne.s32 s5, $0x0  }
0xd3: {  	s5 =	sshrl.u32 s21, $0x1C;
	p0 =	por !p6, !p1  }
0xd4: {  	s4 =	sadd.s32 s5, s4;
	s5 =	simm.s32 $0x1;
	p0 =	por !p0, !p0  }
0xd5: {  	s4 =	sshra.s32 s4, $0x4;
	s5 =	simm.s32 @!p0 $0x0  }
0xd6: {  	[tilespmem:v11+s24+$0x0] =	vst.idx.msk vm0, v10;
	v10 =	vor.u32 s0, v0;
	p0 =	slt.s32 s1, $0x1F0;
	s0 =	ssub.s32 s4, s5  }
0xd7: {  	s1 =	simm.s32 @!p0 $0x1F0;
	p0 =	slt.s32 s0, $0x1  }
.Ltmp8:
0xd8: {  	_ = 	snop;
	(pc) =	sbr.rel @p0 .LBB2_10-.Ltmp8, $3  }
0xd9: {  	_ =	sdelay $0x1  }
0xda: {  	[tilespmem:v11+s25+$0x0] =	vst.idx.msk vm0, v10;
	v10 =	vimm.f32 $1.000000020e+30  }
0xdb: {  	[tilespmem:s1+$0xC180] =	vst v10  }
0xdc: {  	s1 =	simm.s32 $0xC180  }
0xdd: {  	s4 =	simm.s32 $0xC380;
	v11 =	vld [tilespmem:s1+$0x0]  }
0xde: {  	p1 =	sne.s32 s0, $0x1;
	v12 =	vld [tilespmem:s4+$0x0]  }
.Ltmp9:
0xdf: {  	_ = 	snop;
	(pc) =	sbr.rel @!p1 .LBB2_12-.Ltmp9, $2  }
0xe0: {  	_ =	sdelay $0x2  }
0xe1: {  	p0 =	por $0x0, $0x0;
	s4 =	sadd.s32 $0xFFFFFFFF, s0;
	(xrf1) =	vsort.ascd.msk.f32 $0xffff, v11, v12  }
0xe2: {  	_ =	sdelay $0xc  }
0xe3: {  	v11, v12, _ =	vpop (xrf1)  }
0xe4: {  	s0 =	simm.s32 $0xC190;
	v11 =	vperm.xlane v11, v3  }
0xe5: {  	s1 =	simm.s32 $0xC390;
	v13 =	vld [tilespmem:s0+$0x0];
	v12 =	vperm.xlane v12, v3  }
0xe6: {  	p1 =	sne.s32 s4, $0x1;
	v14 =	vld [tilespmem:s1+$0x0];
	vm0 =	vle.f32 v10, v11  }
.Ltmp10:
0xe7: {  	v11 =	vsel vm0, v10, v11;
	v12 =	vsel vm0, v8, v12;
	(pc) =	sbr.rel @!p1 .LBB2_14-.Ltmp10, $2  }
0xe8: {  	(xrf1) =	vsort.ascd.msk.f32 $0xffff, v11, v12;
	_ =	sdelay $0x2  }
0xe9: {  	s4 =	sadd.s32 $0xFFFFFFFF, s4;
	p0 =	por $0x1, $0x1;
	v12 =	vimm.f32 $1.000000020e+30;
	v11 =	vimm.s32 $0x0;
	(xrf1) =	vsort.ascd.msk.f32 $0xffff, v13, v14  }
.LBB2_15:
0xea: {  	_ = 	snop  }
0xeb: {  	p1 =	sne.s32 s4, $0x1;
	s4 =	sadd.s32 $0xFFFFFFFF, s4;
	_ =	sdelay $0x8  }
0xec: {  	v13, v14, _ =	vpop (xrf1)  }
0xed: {  	v13 =	vperm.xlane v13, v3  }
0xee: {  	v14 =	vperm.xlane v14, v3  }
0xef: {  	v15, v16, _ =	vpop (xrf1);
	vm0 =	vle.f32 v12, v13  }
0xf0: {  	v15 =	vperm.xlane v15, v3;
	v17 =	vsel vm0, v13, v12;
	v18 =	vsel vm0, v14, v11  }
0xf1: {  	v12 =	vsel vm0, v12, v13;
	v11 =	vsel vm0, v11, v14;
	(xrf1) =	vsort.ascd.msk.f32 $0xffff, v17, v18  }
0xf2: {  	(xrf1) =	vsort.ascd.msk.f32 $0xffff, v12, v11;
	_ =	sdelay $0xb  }
0xf3: {  	s0 =	sadd.s32 $0x10, s0  }
0xf4: {  	s1 =	sadd.s32 $0x10, s1;
	v14 =	vperm.xlane v16, v3;
	v13 =	vld [tilespmem:s0+$0x0];
	v16, v17, _ =	vpop (xrf1)  }
0xf5: {  	v18 =	vld [tilespmem:s1+$0x0];
	vm0 =	vle.f32 v16, v15;
	v12, v11, _ =	vpop (xrf1)  }
.Ltmp11:
0xf6: {  	v15 =	vsel vm0, v16, v15;
	v14 =	vsel vm0, v17, v14;
	(pc) =	sbr.rel @p1 .LBB2_15-.Ltmp11, $2  }
0xf7: {  	(xrf1) =	vsort.ascd.msk.f32 $0xffff, v15, v14;
	_ =	sdelay $0x2  }
0xf8: {  	(xrf1) =	vsort.ascd.msk.f32 $0xffff, v13, v18  }
.LBB2_16:
0xf9: {  	_ =	sdelay $0x9  }
0xfa: {  	v13, v14, _ =	vpop @p0 (xrf1)  }
0xfb: {  	v13 =	vperm.xlane @p0 v13, v3  }
0xfc: {  	v14 =	vperm.xlane @p0 v14, v3  }
0xfd: {  	vm0 =	vle.f32 @p0 v12, v13  }
0xfe: {  	v15 =	vsel @p0 vm0, v13, v12;
	v16 =	vsel @p0 vm0, v14, v11  }
0xff: {  	(xrf1) =	vsort.ascd.msk.f32 @p0 $0xffff, v15, v16;
	_ =	sdelay $0xc  }
0x100: {  	v15, v16, _ =	vpop (xrf1)  }
0x101: {  	v15 =	vperm.xlane v15, v3;
	v17, v18, _ =	vpop @p0 (xrf1)  }
0x102: {  	v12 =	vsel @p0 vm0, v12, v13;
	v59 =	vperm.xlane v16, v3;
	v60 =	vpsel p0, v17, v10  }
0x103: {  	v11 =	vsel @p0 vm0, v11, v14;
	v61 =	vpsel p0, v18, v8;
	vm14 =	vle.f32 v60, v15  }
0x104: {  	(xrf1) =	vsort.ascd.msk.f32 @p0 $0xffff, v12, v11;
	v11 =	vsel vm14, v60, v15;
	v62 =	vsel vm14, v61, v59  }
0x105: {  	(xrf1) =	vsort.ascd.msk.f32 $0xffff, v11, v62;
	_ =	sdelay $0xc  }
0x106: {  	v11, v12, _ =	vpop @p0 (xrf1)  }
0x107: {  	v13, v14, _ =	vpop (xrf1)  }
0x108: {  	v13 =	vperm.xlane v13, v3  }
0x109: {  	v10 =	vpsel p0, v11, v10;
	v11 =	vperm.xlane v14, v3  }
0x10a: {  	v8 =	vpsel p0, v12, v8;
	vm15 =	vle.f32 v10, v13  }
0x10b: {  	v63 =	vsel vm15, v13, v10;
	v14 =	vsel vm15, v11, v8  }
0x10c: {  	(xrf1) =	vsort.ascd.msk.f32 $0xffff, v63, v14  }
0x10d: {  	v10 =	vsel vm15, v10, v13;
	v8 =	vsel vm15, v8, v11  }
0x10e: {  	(xrf1) =	vsort.ascd.msk.f32 $0xffff, v10, v8;
	_ =	sdelay $0x9  }
.Ltmp12:
0x10f: {  	_ = 	snop;
	(pc) =	sbr.rel .LBB2_17-.Ltmp12, $3  }
0x110: {  	_ = 	snop  }
0x111: {  	v8, v10, _ =	vpop (xrf1);
	_ =	sdelay $0x1  }
0x112: {  	v11, v8, _ =	vpop (xrf1)  }
.LBB2_5:
.Ltmp13:
0x113: {  	(pc) =	sbr.rel .LBB2_9-.Ltmp13, $2  }
0x114: {  	_ =	sdelay $0x2  }
0x115: {  	s4 =	simm.s32 $0x10580;
	v13 =	vimm.s32 $0x0;
	v14 =	vimm.s32 $0x0;
	s0 =	simm.s32 $0x0  }
.LBB2_7:
.Ltmp14:
0x116: {  	(pc) =	sbr.rel .LBB2_9-.Ltmp14, $2  }
0x117: {  	_ =	sdelay $0x2  }
0x118: {  	s4 =	simm.s32 $0x10580;
	v14 =	vmov v13  }
.LBB2_12:
.Ltmp15:
0x119: {  	(pc) =	sbr.rel .LBB2_16-.Ltmp15, $2  }
0x11a: {  	_ =	sdelay $0x2  }
0x11b: {  	v12 =	vimm.f32 $1.000000020e+30;
	v11 =	vimm.s32 $0x0  }
.LBB2_14:
.Ltmp16:
0x11c: {  	(pc) =	sbr.rel .LBB2_16-.Ltmp16, $2  }
0x11d: {  	_ =	sdelay $0x2  }
0x11e: {  	v12 =	vimm.f32 $1.000000020e+30;
	v11 =	vimm.s32 $0x0  }
.LBB2_19:
0x11f: {  	_ =	sfence.sel $0x180000  }
0x120: {  	[bflag:$0x0] =	sbarrier.arrive $0xFFFF  }
0x121: {  	_ =	strace $0x9000004A  }
0x122: {  	s0 =	stileid.u32;
	[bflag:$0x2] =	sbarrier.arrive $0xFFFF  }
0x123: {  	p0 =	sne.s32 s0, $0x0;
	s0 =	rddreg [dreg:$0x1]  }
0x124: {  	s0 =	sadd.s32 @!p0 $0x100000, s0  }
0x125: {  	[sflag:s0] =	ssyncadd.tile.s32 @!p0 $0x1;
	_ =	shalt  }
.Lfunc_end2:
_tile_overlayer_lowered:
.L_overlay_start_2:
0x126: {  	(tag) =	ssettag $0x2  }
0x127: {  	s0 =	rddreg [dreg:$0x0];
	s2 =	stileid.u32  }
0x128: {  	s1 =	rddreg [dreg:$0x1];
	p0 =	sne.s32 s2, $0x0  }
0x129: {  	s3 =	rddreg [dreg:$0x2];
	[bflag:$0x3] =	sbarrier.arrive $0xFFFF;
	s2 =	simm.s32 @!p0 $0x1C02  }
0x12a: {  	[timem:s3], [sflag:s2] =	dma.local @!p0 [hbm:s0], s1  }
0x12b: {  	s0 =	simm.s32 @!p0 $0x2  }
0x12c: {  	_ =	swait.ge @!p0 [sflag:s0], s1  }
0x12d: {  	s1 =	ssub.s32 @!p0 $0x0, s1;
	[sflag:s0] =	ssyncset.done @!p0 $0x0  }
0x12e: {  	[sflag:s0] =	ssyncadd.s32 @!p0 s1  }
0x12f: {  	[bflag:$0x3] =	sbarrier.arrive $0xFFFF  }
0x130: {  	_ =	shalt  }

// kernel: kernel.14.cloned.1.call-start
scs
__scs_entry_jumppad:
0x0: {  	(pc) =	sbr.rel $0x88, $3  }
0x1: {  	(tag) =	ssettag $0x0;
	lr =	simm.s32 $0x1  }
0x2: {  	[smem:$0x3F91] =	sst lr;
	_ =	strace $0xD0000000  }
0x3: {  	_ = 	snop  }
0x4: {  	_ = 	snop  }
0x5: {  	_ = 	snop  }
0x6: {  	_ = 	snop  }
0x7: {  	_ = 	snop  }
__scs_overlays_trampoline_lowered:
0x8: {  	[smem:$0x3FA0] =	sst s0  }
0x9: {  	[smem:$0x3FA1] =	sst s1  }
0xa: {  	[smem:$0x3FA2] =	sst s2  }
0xb: {  	[smem:$0x3FA3] =	sst s3  }
0xc: {  	[smem:$0x3FA4] =	sst s4  }
0xd: {  	[smem:$0x3FA5] =	sst s5  }
0xe: {  	[smem:$0x3FA6] =	sst s6  }
0xf: {  	[smem:$0x3FA7] =	sst s7  }
0x10: {  	[smem:$0x3FA8] =	sst s8  }
0x11: {  	[smem:$0x3FA9] =	sst s9;
	s0 =	simm.s32 @!p0 $0x0  }
0x12: {  	s1 =	sld [smem:$0x3F8F];
	s0 =	simm.s32 @p0 $0x1  }
0x13: {  	[smem:$0x3FAA] =	sst s0;
	s0 =	simm.s32 @!p1 $0x0  }
0x14: {  	s2 =	sld [smem:$0x3F8E];
	s0 =	simm.s32 @p1 $0x1  }
0x15: {  	[smem:$0x3FAB] =	sst s0;
	s0 =	simm.s32 @!p2 $0x0  }
0x16: {  	s3 =	sld [smem:$0x3FDB];
	s0 =	simm.s32 @p2 $0x1  }
0x17: {  	s4 =	simm.s32 $0x1BF5;
	[smem:$0x3FAD] =	sst s0  }
0x18: {  	s0 =	sld [smem:$0x3F90];
	_ =	swait.ge [sflag:s4], $0x0  }
0x19: {  	s7 =	sld [smem:$0x3F91]  }
0x1a: {  	s8 =	sadd.s32 $0xFFFFE003, lr  }
0x1b: {  	s9 =	sadd.s32 $0xFFFFFEF7, lr;
	s5 =	simm.s32 $0xFFFFFFFF;
	p2 =	slt.u32 s8, $0xFFFFF086  }
0x1c: {  	p1 =	slt.u32 s9, $0xF7A;
	s5 =	simm.s32 @!p2 $0x0  }
0x1d: {  	s5 =	simm.s32 @p1 $0x1;
	p0 =	seq.s32 s7, s2  }
0x1e: {  	s7 =	smul.u32 @!p0 $0xF7A, s2;
	p2 =	seq.s32 @!p0 s5, $0x0  }
0x1f: {  	s9 =	smul.u32 $0xF7A, s1;
	s8 =	simm.s32 @!p0 $0x1BF5;
	p2 =	por !p2, p0  }
0x20: {  	[sflag:s8] =	ssyncset.s32 @!p0 $0xFFFFF086;
	s6 =	sadd.s32 @!p0 s3, s7;
	s7 =	simm.s32 @!p0 $0x108  }
0x21: {  	s3 =	sadd.s32 s3, s9;
	s6 =	sadd.s32 @!p0 $0x88, s6;
	s7 =	simm.s32 @p2 $0x1082  }
0x22: {  	[simem:s7], [sflag:s8] =	dma.local @!p0 [hbm:s6], $0xF7A  }
0x23: {  	s9 =	sor.u32 $0xD0000000, s2;
	s6 =	simm.s32 $0x108;
	_ =	swait.ge @!p0 [sflag:s8], $0x0  }
0x24: {  	s3 =	sadd.s32 $0x88, s3;
	s6 =	simm.s32 @!p1 $0x1082;
	[sflag:s4] =	ssyncset.s32 $0xFFFFF086  }
0x25: {  	[simem:s6], [sflag:s4] =	dma.local [hbm:s3], $0xF7A  }
0x26: {  	[smem:$0x3F91] =	sst s1;
	(tag) =	ssettag s2;
	_ =	strace s9  }
0x27: {  	s1 =	sld [smem:$0x3FA1]  }
0x28: {  	s2 =	sld [smem:$0x3FA2]  }
0x29: {  	s4 =	sld [smem:$0x3FA4]  }
0x2a: {  	p0 =	seq.s32 s5, $0x0;
	s5 =	sld [smem:$0x3FA5]  }
0x2b: {  	s6 =	sld [smem:$0x3FA6]  }
0x2c: {  	s7 =	sld [smem:$0x3FA7]  }
0x2d: {  	s3 =	simm.s32 $0x108;
	s8 =	sld [smem:$0x3FA8]  }
0x2e: {  	s3 =	simm.s32 @!p0 $0x1082;
	s9 =	sld [smem:$0x3FA9]  }
0x2f: {  	lr =	sadd.s32 s0, s3;
	s0 =	sld [smem:$0x3FA0]  }
0x30: {  	s3 =	sld [smem:$0x3FA3]  }
0x31: {  	[smem:$0x3FAC] =	sst s10  }
0x32: {  	s10 =	sld [smem:$0x3FAA];
	_ =	sdelay $0x3  }
0x33: {  	p0 =	seq.s32 s10, $0x1;
	s10 =	sld [smem:$0x3FAC];
	_ =	sdelay $0x3  }
0x34: {  	[smem:$0x3FAC] =	sst s10  }
0x35: {  	s10 =	sld [smem:$0x3FAB];
	_ =	sdelay $0x3  }
0x36: {  	p1 =	seq.s32 s10, $0x1;
	s10 =	sld [smem:$0x3FAC];
	_ =	sdelay $0x3  }
0x37: {  	[smem:$0x3FAC] =	sst s10  }
0x38: {  	s10 =	sld [smem:$0x3FAD]  }
0x39: {  	_ = 	snop;
	(pc) =	sbr.ind lr, $3  }
0x3a: {  	_ = 	snop  }
0x3b: {  	_ = 	snop  }
0x3c: {  	p2 =	seq.s32 s10, $0x1;
	s10 =	sld [smem:$0x3FAC]  }
0x3d: {  	_ =	shalt  }
0x3e: {  	_ =	shalt  }
0x3f: {  	_ =	shalt  }
0x40: {  	_ =	shalt  }
0x41: {  	_ =	shalt  }
0x42: {  	_ =	shalt  }
0x43: {  	_ =	shalt  }
0x44: {  	_ =	shalt  }
0x45: {  	_ =	shalt  }
0x46: {  	_ =	shalt  }
0x47: {  	_ =	shalt  }
0x48: {  	_ =	shalt  }
0x49: {  	_ =	shalt  }
0x4a: {  	_ =	shalt  }
0x4b: {  	_ =	shalt  }
0x4c: {  	_ =	shalt  }
0x4d: {  	_ =	shalt  }
0x4e: {  	_ =	shalt  }
0x4f: {  	_ =	shalt  }
0x50: {  	_ =	shalt  }
0x51: {  	_ =	shalt  }
0x52: {  	_ =	shalt  }
0x53: {  	_ =	shalt  }
0x54: {  	_ =	shalt  }
0x55: {  	_ =	shalt  }
0x56: {  	_ =	shalt  }
0x57: {  	_ =	shalt  }
0x58: {  	_ =	shalt  }
0x59: {  	_ =	shalt  }
0x5a: {  	_ =	shalt  }
0x5b: {  	_ =	shalt  }
0x5c: {  	_ =	shalt  }
0x5d: {  	_ =	shalt  }
0x5e: {  	_ =	shalt  }
0x5f: {  	_ =	shalt  }
0x60: {  	_ =	shalt  }
0x61: {  	_ =	shalt  }
0x62: {  	_ =	shalt  }
0x63: {  	_ =	shalt  }
0x64: {  	_ =	shalt  }
0x65: {  	_ =	shalt  }
0x66: {  	_ =	shalt  }
0x67: {  	_ =	shalt  }
0x68: {  	_ =	shalt  }
0x69: {  	_ =	shalt  }
0x6a: {  	_ =	shalt  }
0x6b: {  	_ =	shalt  }
0x6c: {  	_ =	shalt  }
0x6d: {  	_ =	shalt  }
0x6e: {  	_ =	shalt  }
0x6f: {  	_ =	shalt  }
0x70: {  	_ =	shalt  }
0x71: {  	_ =	shalt  }
0x72: {  	_ =	shalt  }
0x73: {  	_ =	shalt  }
0x74: {  	_ =	shalt  }
0x75: {  	_ =	shalt  }
0x76: {  	_ =	shalt  }
0x77: {  	_ =	shalt  }
0x78: {  	_ =	shalt  }
0x79: {  	_ =	shalt  }
0x7a: {  	_ =	shalt  }
0x7b: {  	_ =	shalt  }
0x7c: {  	_ =	shalt  }
0x7d: {  	_ =	shalt  }
0x7e: {  	_ =	shalt  }
0x7f: {  	_ =	shalt  }
0x80: {  	_ =	shalt  }
0x81: {  	_ =	shalt  }
0x82: {  	_ =	shalt  }
0x83: {  	_ =	shalt  }
0x84: {  	_ =	shalt  }
0x85: {  	_ =	shalt  }
0x86: {  	_ =	shalt  }
0x87: {  	_ =	shalt  }
.Lfunc_end0:
.L_simem_size_0:
called_computation.3_lowered:
.L_overlay_start_0:
0x88: {  	s2 =	sld [smem:$0x3FD9]  }
0x89: {  	s3 =	sld [smem:$0x3FFE];
	_ =	sdelay $0x1  }
0x8a: {  	s1 =	srdreg.scid  }
0x8b: {  	s0 =	sand.u32 $0x1, s1  }
0x8c: {  	s17 =	sshll.u32 s0, $0xA;
	s2 =	sadd.s32 s3, s2  }
0x8d: {  	s2 =	sadd.s32 s2, s17  }
0x8e: {  	[smem:$0x3FB8] =	sst s2  }
0x8f: {  	_ = 	snop  }
0x90: {  	s2 =	sld [smem:$0x3FD0];
	(tm) =	ssettm $0x1  }
0x91: {  	s18 =	sld [smem:$0x3FFB];
	_ =	sdelay $0x3  }
0x92: {  	_ =	strace s18  }
0x93: {  	s3 =	sld [smem:$0x3FFC];
	_ =	sdelay $0x3  }
0x94: {  	_ =	strace s3  }
0x95: {  	s3 =	sld [smem:$0x3FFD];
	_ =	sdelay $0x3  }
0x96: {  	_ =	strace s3  }
0x97: {  	_ =	strace $0x8FFFFFFF  }
0x98: {  	s19 =	sld [smem:$0x3FDB];
	_ =	sdelay $0x1  }
0x99: {  	s4 =	simm.s32 $_scs_section_size  }
0x9a: {  	s5 =	simm.s32 $_size__tile_overlayer_lowered;
	s6 =	simm.s32 $_tile_overlayer_lowered  }
0x9b: {  	s22 =	simm.s32 $0x1BFF;
	s21 =	sshll.u32 s6, $0x1;
	s3 =	sadd.s32 s4, s19  }
0x9c: {  	s7 =	simm.s32 $0x0;
	s20 =	sshll.u32 s5, $0x1;
	s5 =	sadd.s32 s21, s3  }
0x9d: {  	[timem:s7], [sflag:s22] =	dma.local [hbm:s5], s20  }
0x9e: {  	_ =	swait.ge [sflag:s22], s20  }
0x9f: {  	s4 =	ssub.s32 $0x0, s20;
	[sflag:s22] =	ssyncset.done $0x0  }
0xa0: {  	[sflag:s22] =	ssyncadd.s32 s4;
	_ =	sdelay $0x1  }
0xa1: {  	s23 =	simm.s32 $0x1B8B  }
0xa2: {  	_ =	swait.ge [sflag:s23], $0x1  }
0xa3: {  	[sflag:s23] =	ssyncset.done $0x0  }
0xa4: {  	s25 =	simm.s32 $0x1B8E;
	s24 =	sld [smem:$0x3FFE];
	[sflag:s23] =	ssyncadd.s32 $0xFFFFFFFF  }
0xa5: {  	s26 =	simm.s32 $execute0_lowered;
	[smem:$0x3FD2] =	sst s25  }
0xa6: {  	s5 =	sshll.u32 s26, $0x1;
	_ =	strace $0x8000004F;
	[dreg:$0x1] =	wrdreg $0xFFFFFFFF  }
0xa7: {  	s28 =	simm.s32 $_size_execute0_lowered;
	s3 =	sadd.s32 s3, s5;
	[dreg:$0x0] =	wrdreg $0x0  }
0xa8: {  	s5 =	sshll.u32 s28, $0x1;
	[dreg:$0x2] =	wrdreg s3  }
0xa9: {  	[dreg:$0x3] =	wrdreg s5  }
0xaa: {  	[dreg:$0x4] =	wrdreg $0xC0  }
0xab: {  	_ =	task [dreg:s7], $0x5FFFF  }
0xac: {  	[dreg:$0x1] =	wrdreg $0xFFFFFFFF  }
0xad: {  	[dreg:$0x0] =	wrdreg $0x60  }
0xae: {  	[dreg:$0x2] =	wrdreg s24  }
0xaf: {  	[dreg:$0x3] =	wrdreg s2  }
0xb0: {  	[dreg:$0x4] =	wrdreg $0x9  }
0xb1: {  	_ =	task.clear_ibuf [dreg:s7], $0x5FFFF;
	_ =	strace $0x9000004F  }
0xb2: {  	s29 =	simm.s32 $0x9;
	_ =	strace $0x80000051  }
0xb3: {  	_ =	swait.ge [sflag:s29], $0x1  }
0xb4: {  	[sflag:s29] =	ssyncadd.s32 $0xFFFFFFFF  }
0xb5: {  	_ =	strace $0x90000051  }
0xb6: {  	_ =	sfence  }
0xb7: {  	s30 =	sld [smem:$0x0];
	_ =	sdelay $0x2  }
0xb8: {  	s31 =	sshll.u32 s1, $0xD;
	s1 =	sshrl.u32 s1, $0x2  }
0xb9: {  	s3 =	sand.u32 $0x4000, s31;
	s1 =	sadd.s32 s1, s30  }
0xba: {  	s0 =	sor.u32 s3, s0;
	s1 =	sshll.u32 s1, $0x11  }
0xbb: {  	s0 =	sor.u32 s1, s0  }
0xbc: {  	s0 =	sadd.s32 $0x8F2B, s0  }
0xbd: {  	[sflag:s0] =	ssyncadd.remote.s32 $0x1  }
0xbe: {  	_ =	sfence.sel $0xFFFF  }
0xbf: {  	[dreg:$0x0] =	wrdreg $0xFFFFFFFF;
	(pc) =	sbr.abs _section_cstart, $3  }
0xc0: {  	[dreg:$0x1] =	wrdreg $0xFFFFFFFF  }
0xc1: {  	_ =	task.clear_ibuf [dreg:s7], $0x2FFFF;
	_ =	strace $0x9FFFFFFF  }
0xc2: {  	(tm) =	ssettm $0x7FFFFFFF  }
0xc3: {  	_ =	shalt  }
tec
execute0_lowered:
.L_overlay_start_1:
0x0: {  	(tag) =	ssettag $0x1  }
0x1: {  	s4 =	rddreg [dreg:$0x0]  }
0x2: {  	s2 =	rddreg [dreg:$0x1];
	s3 =	srdreg.scid  }
0x3: {  	s0 =	rddreg [dreg:$0x2];
	s1 =	stileid.u32  }
0x4: {  	s10 =	simm.s32 $0x1;
	s11 =	simm.s32 $0x0;
	s5 =	sand.u32 $0x1, s3  }
0x5: {  	s3 =	simm.s32 $0x0;
	s6 =	sshll.u32 s1, $0xD;
	s8 =	sshll.u32 s1, $0x11  }
0x6: {  	s7 =	sshll.u32 s5, $0xC;
	[smem:$0x7FF] =	sst s3;
	s29 =	ssub.s32 $0x2, s5  }
0x7: {  	s8 =	sadd.s32 s8, s4;
	s30 =	sshll.u32 s5, $0x10;
	s6 =	sor.u32 s7, s6  }
0x8: {  	_ =	strace $0x80000050;
	s9 =	sshrl.u32 s29, $0x1;
	s31 =	sadd.s32 s30, s8  }
0x9: {  	s8 =	simm.s32 $0x20;
	s6 =	sshrl.u32 s6, $0x3;
	s7 =	ssub.s32 s29, s9  }
0xa: {  	s9 =	simm.s32 $0x1000;
	s6 =	sadd.s32 s6, s4;
	s5 =	smax.u32 s7, $0x1  }
0xb: {  	s7 =	simm.s32 $0x2;
	s4 =	sadd.s32 $0x1200, s6;
	s6 =	sadd.s32 $0x1DE00, s31  }
.LBB2_1:
0xc: {  	[tilespmem:s3], [sflag:$0x2] =	stream.linear.gather [hbm4b:s4+s3], $0x1000, $0x38;
	[tilespmem:$0x2000] =	vst v63  }
0xd: {  	_ =	swait.ge [sflag:s7], $0x1000  }
0xe: {  	[sflag:s7] =	ssyncset.done $0x0  }
0xf: {  	s12 =	simm.s32 $0x0;
	[sflag:s7] =	ssyncadd.s32 $0xFFFFF000  }
0x10: {  	[tilespmem:s9], [sflag:$0x1] =	stream.indirect.gather [hbm4b:s2+s8], $0x80, s12, s8, $0xb8;
	[tilespmem:$0x2000] =	vst v63  }
0x11: {  	_ =	swait.ge [sflag:s10], $0x1000  }
0x12: {  	[sflag:s10] =	ssyncset.done $0x0  }
0x13: {  	[sflag:s10] =	ssyncadd.s32 $0xFFFFF000  }
0x14: {  	[hbm4b:s6+s3] =	stream.linear.scatter [tilespmem:s9], [sflag:$0x2], $0x1000, $0x38;
	[tilespmem:$0x2000] =	vst v63  }
0x15: {  	s13 =	simm.s32 $0x80;
	_ =	swait.ge [sflag:s7], $0x1000  }
0x16: {  	s14 =	simm.s32 $0x100;
	s12 =	sadd.s32 $0x200, s6;
	[sflag:s7] =	ssyncset.done $0x0  }
.LBB2_2:
0x17: {  	s15 =	sshra.s32 s13, $0x2  }
0x18: {  	[sflag:s7] =	ssyncadd.s32 $0xFFFFF000;
	s13 =	smov.u32 s14;
	s16 =	sadd.s32 $0x80, s14  }
0x19: {  	[tilespmem:s9], [sflag:$0x1] =	stream.indirect.gather [hbm4b:s2+s8], $0x80, s15, s8, $0xb8;
	[tilespmem:$0x2000] =	vst v63  }
0x1a: {  	p0 =	sne.s32 s14, $0x3F80;
	_ =	swait.ge [sflag:s10], $0x1000  }
.Ltmp0:
0x1b: {  	[sflag:s10] =	ssyncset.done $0x0;
	(pc) =	sbr.rel @p0 .LBB2_2-.Ltmp0, $4  }
0x1c: {  	[sflag:s10] =	ssyncadd.s32 $0xFFFFF000  }
0x1d: {  	[hbm4b:s12+s3] =	stream.linear.scatter [tilespmem:s9], [sflag:$0x2], $0x1000, $0x38;
	[tilespmem:$0x2000] =	vst v63  }
0x1e: {  	_ =	swait.ge [sflag:s7], $0x1000  }
0x1f: {  	s14 =	smov.u32 s16;
	s12 =	sadd.s32 $0x200, s12;
	[sflag:s7] =	ssyncset.done $0x0  }
0x20: {  	s13 =	sshra.s32 s13, $0x2;
	[sflag:s7] =	ssyncadd.s32 $0xFFFFF000  }
0x21: {  	[tilespmem:s9], [sflag:$0x1] =	stream.indirect.gather [hbm4b:s2+s8], $0x80, s13, s8, $0xb8;
	[tilespmem:$0x2000] =	vst v63  }
0x22: {  	s11 =	sadd.s32 $0x1, s11;
	_ =	swait.ge [sflag:s10], $0x1000  }
0x23: {  	p0 =	sne.s32 s11, s5;
	[sflag:s10] =	ssyncset.done $0x0  }
.Ltmp1:
0x24: {  	[sflag:s10] =	ssyncadd.s32 $0xFFFFF000;
	(pc) =	sbr.rel @p0 .LBB2_1-.Ltmp1, $4  }
0x25: {  	[hbm4b:s12+s3] =	stream.linear.scatter [tilespmem:s9], [sflag:$0x2], $0x1000, $0x38;
	[tilespmem:$0x2000] =	vst v63  }
0x26: {  	_ =	swait.ge [sflag:s7], $0x1000  }
0x27: {  	[sflag:s7] =	ssyncset.done $0x0  }
0x28: {  	[sflag:s7] =	ssyncadd.s32 $0xFFFFF000  }
0x29: {  	_ =	sfence.sel $0x180000  }
0x2a: {  	[bflag:$0x0] =	sbarrier.arrive $0xFFFF  }
0x2b: {  	p0 =	sne.s32 s1, $0x0;
	_ =	strace $0x90000050  }
0x2c: {  	s0 =	sadd.s32 @!p0 $0x100000, s0;
	[bflag:$0x2] =	sbarrier.arrive $0xFFFF  }
0x2d: {  	[sflag:s0] =	ssyncadd.tile.s32 @!p0 $0x1;
	_ =	shalt  }
.Lfunc_end2:
_tile_overlayer_lowered:
.L_overlay_start_2:
0x2e: {  	(tag) =	ssettag $0x2  }
0x2f: {  	s0 =	rddreg [dreg:$0x0];
	s2 =	stileid.u32  }
0x30: {  	s1 =	rddreg [dreg:$0x1];
	p0 =	sne.s32 s2, $0x0  }
0x31: {  	s3 =	rddreg [dreg:$0x2];
	[bflag:$0x3] =	sbarrier.arrive $0xFFFF;
	s2 =	simm.s32 @!p0 $0x1C02  }
0x32: {  	[timem:s3], [sflag:s2] =	dma.local @!p0 [hbm:s0], s1  }
0x33: {  	s0 =	simm.s32 @!p0 $0x2  }
0x34: {  	_ =	swait.ge @!p0 [sflag:s0], s1  }
0x35: {  	s1 =	ssub.s32 @!p0 $0x0, s1;
	[sflag:s0] =	ssyncset.done @!p0 $0x0  }
0x36: {  	[sflag:s0] =	ssyncadd.s32 @!p0 s1  }
0x37: {  	[bflag:$0x3] =	sbarrier.arrive $0xFFFF  }
0x38: {  	_ =	shalt  }

// kernel: kernel.8.cloned.1.call-start
scs
__scs_entry_jumppad:
0x0: {  	(pc) =	sbr.rel $0x88, $3  }
0x1: {  	(tag) =	ssettag $0x0;
	lr =	simm.s32 $0x1  }
0x2: {  	[smem:$0x3F91] =	sst lr;
	_ =	strace $0xD0000000  }
0x3: {  	_ = 	snop  }
0x4: {  	_ = 	snop  }
0x5: {  	_ = 	snop  }
0x6: {  	_ = 	snop  }
0x7: {  	_ = 	snop  }
__scs_overlays_trampoline_lowered:
0x8: {  	[smem:$0x3FA0] =	sst s0  }
0x9: {  	[smem:$0x3FA1] =	sst s1  }
0xa: {  	[smem:$0x3FA2] =	sst s2  }
0xb: {  	[smem:$0x3FA3] =	sst s3  }
0xc: {  	[smem:$0x3FA4] =	sst s4  }
0xd: {  	[smem:$0x3FA5] =	sst s5  }
0xe: {  	[smem:$0x3FA6] =	sst s6  }
0xf: {  	[smem:$0x3FA7] =	sst s7  }
0x10: {  	[smem:$0x3FA8] =	sst s8  }
0x11: {  	[smem:$0x3FA9] =	sst s9;
	s0 =	simm.s32 @!p0 $0x0  }
0x12: {  	s1 =	sld [smem:$0x3F8F];
	s0 =	simm.s32 @p0 $0x1  }
0x13: {  	[smem:$0x3FAA] =	sst s0;
	s0 =	simm.s32 @!p1 $0x0  }
0x14: {  	s2 =	sld [smem:$0x3F8E];
	s0 =	simm.s32 @p1 $0x1  }
0x15: {  	[smem:$0x3FAB] =	sst s0;
	s0 =	simm.s32 @!p2 $0x0  }
0x16: {  	s3 =	sld [smem:$0x3FDB];
	s0 =	simm.s32 @p2 $0x1  }
0x17: {  	s4 =	simm.s32 $0x1BF5;
	[smem:$0x3FAD] =	sst s0  }
0x18: {  	s0 =	sld [smem:$0x3F90];
	_ =	swait.ge [sflag:s4], $0x0  }
0x19: {  	s7 =	sld [smem:$0x3F91]  }
0x1a: {  	s8 =	sadd.s32 $0xFFFFE003, lr  }
0x1b: {  	s9 =	sadd.s32 $0xFFFFFEF7, lr;
	s5 =	simm.s32 $0xFFFFFFFF;
	p2 =	slt.u32 s8, $0xFFFFF086  }
0x1c: {  	p1 =	slt.u32 s9, $0xF7A;
	s5 =	simm.s32 @!p2 $0x0  }
0x1d: {  	s5 =	simm.s32 @p1 $0x1;
	p0 =	seq.s32 s7, s2  }
0x1e: {  	s7 =	smul.u32 @!p0 $0xF7A, s2;
	p2 =	seq.s32 @!p0 s5, $0x0  }
0x1f: {  	s9 =	smul.u32 $0xF7A, s1;
	s8 =	simm.s32 @!p0 $0x1BF5;
	p2 =	por !p2, p0  }
0x20: {  	[sflag:s8] =	ssyncset.s32 @!p0 $0xFFFFF086;
	s6 =	sadd.s32 @!p0 s3, s7;
	s7 =	simm.s32 @!p0 $0x108  }
0x21: {  	s3 =	sadd.s32 s3, s9;
	s6 =	sadd.s32 @!p0 $0x88, s6;
	s7 =	simm.s32 @p2 $0x1082  }
0x22: {  	[simem:s7], [sflag:s8] =	dma.local @!p0 [hbm:s6], $0xF7A  }
0x23: {  	s9 =	sor.u32 $0xD0000000, s2;
	s6 =	simm.s32 $0x108;
	_ =	swait.ge @!p0 [sflag:s8], $0x0  }
0x24: {  	s3 =	sadd.s32 $0x88, s3;
	s6 =	simm.s32 @!p1 $0x1082;
	[sflag:s4] =	ssyncset.s32 $0xFFFFF086  }
0x25: {  	[simem:s6], [sflag:s4] =	dma.local [hbm:s3], $0xF7A  }
0x26: {  	[smem:$0x3F91] =	sst s1;
	(tag) =	ssettag s2;
	_ =	strace s9  }
0x27: {  	s1 =	sld [smem:$0x3FA1]  }
0x28: {  	s2 =	sld [smem:$0x3FA2]  }
0x29: {  	s4 =	sld [smem:$0x3FA4]  }
0x2a: {  	p0 =	seq.s32 s5, $0x0;
	s5 =	sld [smem:$0x3FA5]  }
0x2b: {  	s6 =	sld [smem:$0x3FA6]  }
0x2c: {  	s7 =	sld [smem:$0x3FA7]  }
0x2d: {  	s3 =	simm.s32 $0x108;
	s8 =	sld [smem:$0x3FA8]  }
0x2e: {  	s3 =	simm.s32 @!p0 $0x1082;
	s9 =	sld [smem:$0x3FA9]  }
0x2f: {  	lr =	sadd.s32 s0, s3;
	s0 =	sld [smem:$0x3FA0]  }
0x30: {  	s3 =	sld [smem:$0x3FA3]  }
0x31: {  	[smem:$0x3FAC] =	sst s10  }
0x32: {  	s10 =	sld [smem:$0x3FAA];
	_ =	sdelay $0x3  }
0x33: {  	p0 =	seq.s32 s10, $0x1;
	s10 =	sld [smem:$0x3FAC];
	_ =	sdelay $0x3  }
0x34: {  	[smem:$0x3FAC] =	sst s10  }
0x35: {  	s10 =	sld [smem:$0x3FAB];
	_ =	sdelay $0x3  }
0x36: {  	p1 =	seq.s32 s10, $0x1;
	s10 =	sld [smem:$0x3FAC];
	_ =	sdelay $0x3  }
0x37: {  	[smem:$0x3FAC] =	sst s10  }
0x38: {  	s10 =	sld [smem:$0x3FAD]  }
0x39: {  	_ = 	snop;
	(pc) =	sbr.ind lr, $3  }
0x3a: {  	_ = 	snop  }
0x3b: {  	_ = 	snop  }
0x3c: {  	p2 =	seq.s32 s10, $0x1;
	s10 =	sld [smem:$0x3FAC]  }
0x3d: {  	_ =	shalt  }
0x3e: {  	_ =	shalt  }
0x3f: {  	_ =	shalt  }
0x40: {  	_ =	shalt  }
0x41: {  	_ =	shalt  }
0x42: {  	_ =	shalt  }
0x43: {  	_ =	shalt  }
0x44: {  	_ =	shalt  }
0x45: {  	_ =	shalt  }
0x46: {  	_ =	shalt  }
0x47: {  	_ =	shalt  }
0x48: {  	_ =	shalt  }
0x49: {  	_ =	shalt  }
0x4a: {  	_ =	shalt  }
0x4b: {  	_ =	shalt  }
0x4c: {  	_ =	shalt  }
0x4d: {  	_ =	shalt  }
0x4e: {  	_ =	shalt  }
0x4f: {  	_ =	shalt  }
0x50: {  	_ =	shalt  }
0x51: {  	_ =	shalt  }
0x52: {  	_ =	shalt  }
0x53: {  	_ =	shalt  }
0x54: {  	_ =	shalt  }
0x55: {  	_ =	shalt  }
0x56: {  	_ =	shalt  }
0x57: {  	_ =	shalt  }
0x58: {  	_ =	shalt  }
0x59: {  	_ =	shalt  }
0x5a: {  	_ =	shalt  }
0x5b: {  	_ =	shalt  }
0x5c: {  	_ =	shalt  }
0x5d: {  	_ =	shalt  }
0x5e: {  	_ =	shalt  }
0x5f: {  	_ =	shalt  }
0x60: {  	_ =	shalt  }
0x61: {  	_ =	shalt  }
0x62: {  	_ =	shalt  }
0x63: {  	_ =	shalt  }
0x64: {  	_ =	shalt  }
0x65: {  	_ =	shalt  }
0x66: {  	_ =	shalt  }
0x67: {  	_ =	shalt  }
0x68: {  	_ =	shalt  }
0x69: {  	_ =	shalt  }
0x6a: {  	_ =	shalt  }
0x6b: {  	_ =	shalt  }
0x6c: {  	_ =	shalt  }
0x6d: {  	_ =	shalt  }
0x6e: {  	_ =	shalt  }
0x6f: {  	_ =	shalt  }
0x70: {  	_ =	shalt  }
0x71: {  	_ =	shalt  }
0x72: {  	_ =	shalt  }
0x73: {  	_ =	shalt  }
0x74: {  	_ =	shalt  }
0x75: {  	_ =	shalt  }
0x76: {  	_ =	shalt  }
0x77: {  	_ =	shalt  }
0x78: {  	_ =	shalt  }
0x79: {  	_ =	shalt  }
0x7a: {  	_ =	shalt  }
0x7b: {  	_ =	shalt  }
0x7c: {  	_ =	shalt  }
0x7d: {  	_ =	shalt  }
0x7e: {  	_ =	shalt  }
0x7f: {  	_ =	shalt  }
0x80: {  	_ =	shalt  }
0x81: {  	_ =	shalt  }
0x82: {  	_ =	shalt  }
0x83: {  	_ =	shalt  }
0x84: {  	_ =	shalt  }
0x85: {  	_ =	shalt  }
0x86: {  	_ =	shalt  }
0x87: {  	_ =	shalt  }
.Lfunc_end0:
.L_simem_size_0:
called_computation.1_lowered:
.L_overlay_start_0:
0x88: {  	s2 =	sld [smem:$0x3FD9]  }
0x89: {  	s3 =	sld [smem:$0x3FFE];
	_ =	sdelay $0x1  }
0x8a: {  	s1 =	srdreg.scid  }
0x8b: {  	s0 =	sand.u32 $0x1, s1  }
0x8c: {  	s17 =	sshll.u32 s0, $0xA;
	s2 =	sadd.s32 s3, s2  }
0x8d: {  	s2 =	sadd.s32 s2, s17  }
0x8e: {  	[smem:$0x3FB8] =	sst s2  }
0x8f: {  	_ = 	snop  }
0x90: {  	s18 =	sld [smem:$0x3FD0];
	(tm) =	ssettm $0x1  }
0x91: {  	s19 =	sld [smem:$0x3FFB];
	_ =	sdelay $0x3  }
0x92: {  	_ =	strace s19  }
0x93: {  	s2 =	sld [smem:$0x3FFC];
	_ =	sdelay $0x3  }
0x94: {  	_ =	strace s2  }
0x95: {  	s2 =	sld [smem:$0x3FFD];
	_ =	sdelay $0x3  }
0x96: {  	_ =	strace s2  }
0x97: {  	_ =	strace $0x8FFFFFFF  }
0x98: {  	s20 =	sld [smem:$0x3FDB];
	_ =	sdelay $0x1  }
0x99: {  	s4 =	simm.s32 $_scs_section_size  }
0x9a: {  	s5 =	simm.s32 $_size__tile_overlayer_lowered;
	s6 =	simm.s32 $_tile_overlayer_lowered  }
0x9b: {  	s7 =	simm.s32 $0x1BFF;
	s21 =	sshll.u32 s6, $0x1;
	s4 =	sadd.s32 s4, s20  }
0x9c: {  	s22 =	simm.s32 $0x0;
	s5 =	sshll.u32 s5, $0x1;
	s6 =	sadd.s32 s21, s4  }
0x9d: {  	[timem:s22], [sflag:s7] =	dma.local [hbm:s6], s5  }
0x9e: {  	_ =	swait.ge [sflag:s7], s5  }
0x9f: {  	s5 =	ssub.s32 $0x0, s5;
	[sflag:s7] =	ssyncset.done $0x0  }
0xa0: {  	[sflag:s7] =	ssyncadd.s32 s5;
	_ =	sdelay $0x1  }
0xa1: {  	s23 =	simm.s32 $0x1B8B  }
0xa2: {  	_ =	swait.ge [sflag:s23], $0x1  }
0xa3: {  	[sflag:s23] =	ssyncset.done $0x0  }
0xa4: {  	[sflag:s23] =	ssyncadd.s32 $0xFFFFFFFF  }
0xa5: {  	s5 =	sld [smem:$0x0]  }
0xa6: {  	s6 =	sand.u32 $0xFFFFFFFE, s1  }
0xa7: {  	p0 =	sne.s32 s1, s6  }
0xa8: {  	s6 =	sshll.u32 @p0 s6, $0xE  }
0xa9: {  	s6 =	sadd.s32 @p0 $0x11B8D, s6;
	s7 =	sshll.u32 @p0 s5, $0x11  }
0xaa: {  	s6 =	sor.u32 @p0 s7, s6  }
0xab: {  	[sflag:s6] =	ssyncadd.remote.s32 @p0 $0x1;
	_ =	sdelay $0x1  }
0xac: {  	s6 =	simm.s32 @p0 $0x1B8D  }
0xad: {  	_ =	swait.eq @p0 [sflag:s6], $0x1  }
0xae: {  	[sflag:s6] =	ssyncadd.s32 @p0 $0xFFFFFFFF  }
0xaf: {  	s7 =	sshll.u32 @!p0 s1, $0xE  }
0xb0: {  	s7 =	sor.u32 @!p0 $0x4000, s7;
	s6 =	simm.s32 @!p0 $0x1B8D  }
0xb1: {  	s5 =	sshll.u32 @!p0 s5, $0x11;
	s7 =	sadd.s32 @!p0 $0x11B8D, s7;
	_ =	swait.eq @!p0 [sflag:s6], $0x1  }
0xb2: {  	s5 =	sor.u32 @!p0 s5, s7;
	[sflag:s6] =	ssyncadd.s32 @!p0 $0xFFFFFFFF  }
0xb3: {  	s25 =	simm.s32 $0x1B8E;
	s24 =	sld [smem:$0x3FFE];
	[sflag:s5] =	ssyncadd.remote.s32 @!p0 $0x1  }
0xb4: {  	s26 =	simm.s32 $execute0_lowered;
	[smem:$0x3FD2] =	sst s25  }
0xb5: {  	s6 =	sshll.u32 s26, $0x1;
	_ =	strace $0x8000004C;
	[dreg:$0x1] =	wrdreg $0xFFFFFFFF  }
0xb6: {  	s28 =	simm.s32 $_size_execute0_lowered;
	s4 =	sadd.s32 s4, s6;
	[dreg:$0x0] =	wrdreg $0x0  }
0xb7: {  	s6 =	sshll.u32 s28, $0x1;
	[dreg:$0x2] =	wrdreg s4  }
0xb8: {  	[dreg:$0x3] =	wrdreg s6  }
0xb9: {  	[dreg:$0x4] =	wrdreg $0xC0  }
0xba: {  	_ =	task [dreg:s22], $0x5FFFF  }
0xbb: {  	[dreg:$0x1] =	wrdreg $0xFFFFFFFF  }
0xbc: {  	[dreg:$0x0] =	wrdreg $0x60  }
0xbd: {  	[dreg:$0x2] =	wrdreg s24  }
0xbe: {  	[dreg:$0x3] =	wrdreg s18  }
0xbf: {  	[dreg:$0x4] =	wrdreg $0x9  }
0xc0: {  	_ =	task.clear_ibuf [dreg:s22], $0x5FFFF;
	_ =	strace $0x9000004C  }
0xc1: {  	s29 =	simm.s32 $0x9;
	_ =	strace $0x8000004E  }
0xc2: {  	_ =	swait.ge [sflag:s29], $0x1  }
0xc3: {  	[sflag:s29] =	ssyncadd.s32 $0xFFFFFFFF  }
0xc4: {  	_ =	strace $0x9000004E  }
0xc5: {  	_ =	sfence  }
0xc6: {  	s30 =	sld [smem:$0x0];
	_ =	sdelay $0x2  }
0xc7: {  	s31 =	sshll.u32 s1, $0xD;
	s1 =	sshrl.u32 s1, $0x2  }
0xc8: {  	s4 =	sand.u32 $0x4000, s31;
	s1 =	sadd.s32 s1, s30  }
0xc9: {  	s0 =	sor.u32 s4, s0;
	s1 =	sshll.u32 s1, $0x11  }
0xca: {  	s0 =	sor.u32 s1, s0  }
0xcb: {  	s0 =	sadd.s32 $0x8F2B, s0  }
0xcc: {  	[sflag:s0] =	ssyncadd.remote.s32 $0x1  }
0xcd: {  	_ =	sfence.sel $0xFFFF  }
0xce: {  	[dreg:$0x0] =	wrdreg $0xFFFFFFFF;
	(pc) =	sbr.abs _section_cstart, $3  }
0xcf: {  	[dreg:$0x1] =	wrdreg $0xFFFFFFFF  }
0xd0: {  	_ =	task.clear_ibuf [dreg:s22], $0x2FFFF;
	_ =	strace $0x9FFFFFFF  }
0xd1: {  	(tm) =	ssettm $0x7FFFFFFF  }
tec
execute0_lowered:
.L_overlay_start_1:
0x0: {  	(tag) =	ssettag $0x1  }
0x1: {  	s0 =	rddreg [dreg:$0x0]  }
0x2: {  	s1 =	rddreg [dreg:$0x1];
	s3 =	stileid.u32  }
0x3: {  	s2 =	simm.s32 $0x0;
	s4 =	srdreg.scid;
	s14 =	simm.s32 $0x80  }
0x4: {  	s15 =	simm.s32 $0x100;
	s16 =	simm.s32 $0x1;
	s17 =	simm.s32 $0x800  }
0x5: {  	s18 =	simm.s32 $0x1000;
	s22 =	simm.s32 $0x3180;
	s23 =	simm.s32 $0x3380  }
0x6: {  	s26 =	simm.s32 $0x5580;
	s28 =	simm.s32 $0x6580;
	s29 =	simm.s32 $0x0  }
0x7: {  	s30 =	simm.s32 $0x0;
	s3 =	sshll.u32 s3, $0x1;
	[smem:$0x7FF] =	sst s2  }
0x8: {  	s4 =	sand.u32 $0x1, s4;
	s5 =	sand.u32 $0x10, s3;
	_ =	strace $0x8000004D  }
0x9: {  	s3 =	sor.u32 s4, s3;
	s31 =	ssub.s32 $0x2, s4;
	s5 =	sadd.s32 s5, s0  }
0xa: {  	s6 =	sshll.u32 s3, $0x4;
	s9 =	sshll.u32 s3, $0x9;
	s4 =	sshrl.u32 s31, $0x1  }
.Ltmp0:
0xb: {  	s8 =	sadd.s32 s6, s0;
	s0 =	sadd.s32 s9, s0;
	(pc) =	sbr.rel .LBB2_1-.Ltmp0, $4  }
0xc: {  	v0 =	vlaneseq.u32;
	s13 =	ssub.s32 s31, s4;
	s3 =	sadd.s32 $0x1200, s5;
	s4 =	sadd.s32 $0x1600, s5  }
0xd: {  	v2 =	vmul.u32 $0xFFFFFFFF, v0;
	s5 =	sadd.s32 $0x1A00, s5;
	s9 =	sadd.s32 s1, s9;
	s6 =	sadd.s32 $0x1400, s8  }
0xe: {  	s7 =	sadd.s32 $0x1800, s8;
	s8 =	sadd.s32 $0x1C00, s8;
	s10 =	sadd.s32 $0x11E00, s0  }
0xf: {  	v1 =	vimm.s32 $0x0;
	v3 =	vor.u32 $0x10, v0;
	v2 =	vadd.s32 $0xF, v2;
	s11 =	sadd.s32 $0x15E00, s0;
	s12 =	sadd.s32 $0x19E00, s0;
	s13 =	smax.u32 s13, $0x1  }
.LBB2_18:
0x10: {  	s0 =	simm.s32 $0x3580  }
0x11: {  	[hbm4b:s9+s2] =	stream.linear.scatter [tilespmem:s0], [sflag:$0x1], $0x1000, $0x38;
	[tilespmem:$0x7D80] =	vst v63  }
0x12: {  	_ =	swait.ge [sflag:s16], $0x1000  }
0x13: {  	[sflag:s16] =	ssyncset.done $0x0  }
0x14: {  	s31 =	simm.s32 $0x4580;
	[sflag:s16] =	ssyncadd.s32 $0xFFFFF000  }
0x15: {  	[hbm4b:s10+s2] =	stream.linear.scatter [tilespmem:s31], [sflag:$0x1], $0x1000, $0x38;
	[tilespmem:$0x7D80] =	vst v63  }
0x16: {  	_ =	swait.ge [sflag:s16], $0x1000  }
0x17: {  	[sflag:s16] =	ssyncset.done $0x0  }
0x18: {  	[sflag:s16] =	ssyncadd.s32 $0xFFFFF000  }
0x19: {  	[hbm4b:s11+s2] =	stream.linear.scatter [tilespmem:s26], [sflag:$0x1], $0x1000, $0x38;
	[tilespmem:$0x7D80] =	vst v63  }
0x1a: {  	s29 =	sadd.s32 $0x1, s29;
	_ =	swait.ge [sflag:s16], $0x1000  }
0x1b: {  	p0 =	sne.s32 s29, s13;
	[sflag:s16] =	ssyncset.done $0x0  }
.Ltmp1:
0x1c: {  	[sflag:s16] =	ssyncadd.s32 $0xFFFFF000;
	(pc) =	sbr.rel @!p0 .LBB2_19-.Ltmp1, $4  }
0x1d: {  	[hbm4b:s12+s2] =	stream.linear.scatter [tilespmem:s28], [sflag:$0x1], $0x1000, $0x38;
	[tilespmem:$0x7D80] =	vst v63  }
0x1e: {  	_ =	swait.ge [sflag:s16], $0x1000  }
0x1f: {  	[sflag:s16] =	ssyncset.done $0x0  }
0x20: {  	[sflag:s16] =	ssyncadd.s32 $0xFFFFF000  }
.LBB2_1:
0x21: {  	[tilespmem:s2], [sflag:$0x1] =	stream.strided.gather [hbm4b:s3+s14], $0x800, s15, s14, $0x38;
	[tilespmem:$0x7D80] =	vst v63  }
0x22: {  	_ =	swait.ge [sflag:s16], $0x800  }
0x23: {  	[sflag:s16] =	ssyncset.done $0x0  }
0x24: {  	[sflag:s16] =	ssyncadd.s32 $0xFFFFF800  }
0x25: {  	[tilespmem:s17], [sflag:$0x1] =	stream.strided.gather [hbm4b:s4+s14], $0x800, s15, s14, $0x38;
	[tilespmem:$0x7D80] =	vst v63  }
0x26: {  	_ =	swait.ge [sflag:s16], $0x800  }
0x27: {  	[sflag:s16] =	ssyncset.done $0x0  }
0x28: {  	[sflag:s16] =	ssyncadd.s32 $0xFFFFF800  }
0x29: {  	[tilespmem:s18], [sflag:$0x1] =	stream.strided.gather [hbm4b:s5+s14], $0x800, s15, s14, $0x38;
	[tilespmem:$0x7D80] =	vst v63  }
0x2a: {  	_ =	swait.ge [sflag:s16], $0x800  }
0x2b: {  	[sflag:s16] =	ssyncset.done $0x0  }
0x2c: {  	s0 =	simm.s32 $0x3000;
	[sflag:s16] =	ssyncadd.s32 $0xFFFFF800  }
0x2d: {  	[tilespmem:s0], [sflag:$0x1] =	stream.linear.gather [hbm4b:s6+s2], $0x80, $0x38;
	[tilespmem:$0x7D80] =	vst v63  }
0x2e: {  	_ =	swait.ge [sflag:s16], $0x80  }
0x2f: {  	[sflag:s16] =	ssyncset.done $0x0  }
0x30: {  	s25 =	simm.s32 $0x3080;
	[sflag:s16] =	ssyncadd.s32 $0xFFFFFF80  }
0x31: {  	[tilespmem:s25], [sflag:$0x1] =	stream.linear.gather [hbm4b:s7+s2], $0x80, $0x38;
	[tilespmem:$0x7D80] =	vst v63  }
0x32: {  	_ =	swait.ge [sflag:s16], $0x80  }
0x33: {  	[sflag:s16] =	ssyncset.done $0x0  }
0x34: {  	s31 =	simm.s32 $0x3100;
	[sflag:s16] =	ssyncadd.s32 $0xFFFFFF80  }
0x35: {  	[tilespmem:s31], [sflag:$0x1] =	stream.linear.gather [hbm4b:s8+s2], $0x80, $0x38;
	[tilespmem:$0x7D80] =	vst v63  }
0x36: {  	_ =	swait.ge [sflag:s16], $0x80  }
0x37: {  	[sflag:s16] =	ssyncset.done $0x0  }
0x38: {  	s1 =	simm.s32 $0x0;
	[sflag:s16] =	ssyncadd.s32 $0xFFFFFF80  }
0x39: {  	v4 =	vld [tilespmem:s1+$0x0]  }
0x3a: {  	v5 =	vld [tilespmem:s1+$0x800]  }
0x3b: {  	v8 =	vld [tilespmem:s1+$0x1000];
	_ =	sdelay $0x3  }
0x3c: {  	s0 =	simm.s32 $0x10;
	v7 =	vmul.f32 v4, v4;
	v9 =	vmul.f32 v5, v5;
	v10 =	vshrl.u32 v4, $0x10  }
0x3d: {  	v6 =	vld [tilespmem:s0+$0x0];
	v11 =	vshrl.u32 v5, $0x10;
	v12 =	vmul.f32 v8, v8;
	v13 =	vshrl.u32 v8, $0x10  }
0x3e: {  	v10 =	vand.u32 $0x1, v10;
	v11 =	vand.u32 $0x1, v11;
	v9 =	vadd.f32 v9, v7;
	v7 =	vld [tilespmem:s0+$0x800]  }
0x3f: {  	v10 =	vadd.s32 v10, v4;
	v5 =	vadd.s32 v11, v5;
	v11 =	vand.u32 $0x1, v13  }
0x40: {  	v4 =	vld [tilespmem:s0+$0x1000];
	v10 =	vadd.s32 $0x7FFF, v10;
	v8 =	vadd.s32 v11, v8  }
0x41: {  	v5 =	vadd.s32 $0x7FFF, v5;
	v9 =	vadd.f32 v12, v9;
	v10 =	vand.u32 $0xFFFF0000, v10  }
0x42: {  	v11 =	vshrl.u32 v6, $0x10;
	v8 =	vadd.s32 $0x7FFF, v8;
	v13 =	vand.u32 $0xFFFF0000, v5;
	[tilespmem:s1+$0x1800] =	vst v10  }
0x43: {  	s19 =	simm.s32 $0x20;
	[tilespmem:s1+$0x7580] =	vst v9;
	v9 =	vmul.f32 v6, v6;
	v10 =	vshrl.u32 v7, $0x10;
	v12 =	vmul.f32 v7, v7  }
0x44: {  	s20 =	simm.s32 $0xC0;
	v11 =	vand.u32 $0x1, v11;
	v8 =	vand.u32 $0xFFFF0000, v8;
	v5 =	vld [tilespmem:s19+$0x0];
	[tilespmem:s1+$0x2000] =	vst v13;
	v10 =	vand.u32 $0x1, v10  }
.LBB2_2:
0x45: {  	p0 =	sne.s32 s20, $0x1FC0;
	v13 =	vld [tilespmem:s19+$0x800];
	v9 =	vadd.f32 v12, v9;
	v12 =	vmul.f32 v4, v4;
	v14 =	vshrl.u32 v4, $0x10;
	[tilespmem:s1+$0x2800] =	vst v8;
	s1 =	smov.u32 s0;
	s0 =	smov.u32 s19  }
0x46: {  	v6 =	vadd.s32 v11, v6;
	v7 =	vadd.s32 v10, v7;
	v8 =	vand.u32 $0x1, v14  }
.Ltmp2:
0x47: {  	v15 =	vadd.s32 $0x7FFF, v6;
	v9 =	vadd.f32 v12, v9;
	v8 =	vadd.s32 v8, v4;
	v4 =	vld [tilespmem:s0+$0x1000];
	(pc) =	sbr.rel @p0 .LBB2_2-.Ltmp2, $4  }
0x48: {  	v10 =	vand.u32 $0xFFFF0000, v15;
	v12 =	vadd.s32 $0x7FFF, v7;
	v16 =	vadd.s32 $0x7FFF, v8  }
0x49: {  	v14 =	vand.u32 $0xFFFF0000, v12;
	v11 =	vshrl.u32 v5, $0x10;
	[tilespmem:s1+$0x7580] =	vst v9;
	v8 =	vand.u32 $0xFFFF0000, v16;
	v6 =	vmovc v5  }
0x4a: {  	s19 =	sshra.s32 s20, $0x2;
	v9 =	vmul.f32 v5, v6;
	v12 =	vmul.f32 v13, v13;
	v15 =	vshrl.u32 v13, $0x10;
	[tilespmem:s1+$0x1800] =	vst v10;
	v7 =	vmovc v13  }
0x4b: {  	s20 =	sadd.s32 $0x40, s20;
	v11 =	vand.u32 $0x1, v11;
	v5 =	vld [tilespmem:s19+$0x0];
	v10 =	vand.u32 $0x1, v15;
	[tilespmem:s1+$0x2000] =	vst v14  }
0x4c: {  	v13 =	vld [tilespmem:s19+$0x800];
	v9 =	vadd.f32 v12, v9;
	[tilespmem:s1+$0x2800] =	vst v8;
	v51 =	vmul.f32 v4, v4  }
0x4d: {  	v52 =	vshrl.u32 v4, $0x10;
	v6 =	vadd.s32 v11, v6;
	v7 =	vadd.s32 v10, v7;
	v53 =	vld [tilespmem:s19+$0x1000]  }
0x4e: {  	v54 =	vand.u32 $0x1, v52;
	v6 =	vadd.s32 $0x7FFF, v6;
	v7 =	vadd.s32 $0x7FFF, v7  }
0x4f: {  	v8 =	vadd.f32 v51, v9;
	v4 =	vadd.s32 v54, v4;
	v6 =	vand.u32 $0xFFFF0000, v6  }
0x50: {  	v7 =	vand.u32 $0xFFFF0000, v7;
	v4 =	vadd.s32 $0x7FFF, v4;
	v55 =	vmul.f32 v5, v5  }
0x51: {  	v57 =	vshrl.u32 v5, $0x10;
	v4 =	vand.u32 $0xFFFF0000, v4;
	v56 =	vmul.f32 v13, v13  }
0x52: {  	[tilespmem:s0+$0x1800] =	vst v6;
	v58 =	vshrl.u32 v13, $0x10;
	v60 =	vand.u32 $0x1, v57;
	v59 =	vmul.f32 v53, v53  }
0x53: {  	[tilespmem:s0+$0x7580] =	vst v8;
	v8 =	vand.u32 $0x1, v58;
	v61 =	vshrl.u32 v53, $0x10;
	v5 =	vadd.s32 v60, v5  }
0x54: {  	[tilespmem:s0+$0x2800] =	vst v4;
	v9 =	vadd.f32 v56, v55;
	v4 =	vadd.s32 v8, v13;
	v5 =	vadd.s32 $0x7FFF, v5  }
.Ltmp3:
0x55: {  	[tilespmem:s0+$0x2000] =	vst v7;
	v7 =	vand.u32 $0x1, v61;
	v5 =	vand.u32 $0xFFFF0000, v5;
	v4 =	vadd.s32 $0x7FFF, v4;
	(pc) =	sbr.rel .LBB2_4-.Ltmp3, $4  }
0x56: {  	v7 =	vadd.s32 v7, v53;
	v62 =	vadd.f32 v59, v9;
	v4 =	vand.u32 $0xFFFF0000, v4;
	[tilespmem:s19+$0x1800] =	vst v5  }
0x57: {  	v63 =	vadd.s32 $0x7FFF, v7;
	[tilespmem:s19+$0x2000] =	vst v4  }
0x58: {  	v5 =	vand.u32 $0xFFFF0000, v63;
	[tilespmem:s19+$0x7580] =	vst v62  }
0x59: {  	s31 =	simm.s32 $0x0;
	[tilespmem:s19+$0x2800] =	vst v5  }
.LBB2_10:
0x5a: {  	v9 =	vimm.s32 $0x0  }
.LBB2_17:
0x5b: {  	v10 =	vperm.xlane v7, v1  }
0x5c: {  	vm0 =	vgt.s32 v8, v0  }
0x5d: {  	v7 =	vsel vm0, v7, v10;
	_ =	sdelay $0x1  }
0x5e: {  	vm15 =	vgt.s32 v8, v3;
	s0 =	sshll.u32 s31, $0x5  }
0x5f: {  	v8 =	vsel vm15, v9, v10;
	[tilespmem:s0+$0x3580] =	vst v7  }
0x60: {  	[tilespmem:s0+$0x3590] =	vst v8  }
0x61: {  	v62 =	vld.idx.msk [tilespmem:v7+s2+$0x0], $0xffff;
	_ =	sdelay $0x4  }
0x62: {  	v9 =	vsub.f32 v62, v6;
	_ =	sdelay $0x1  }
0x63: {  	[tilespmem:s0+$0x4580] =	vst v9  }
0x64: {  	v9 =	vld.idx.msk [tilespmem:v8+s2+$0x0], $0xffff;
	_ =	sdelay $0x4  }
0x65: {  	v63 =	vsub.f32 v9, v6;
	_ =	sdelay $0x1  }
0x66: {  	[tilespmem:s0+$0x4590] =	vst v63  }
0x67: {  	v6 =	vld.idx.msk [tilespmem:v7+s17+$0x0], $0xffff;
	_ =	sdelay $0x4  }
0x68: {  	v6 =	vsub.f32 v6, v5;
	_ =	sdelay $0x1  }
0x69: {  	[tilespmem:s0+$0x5580] =	vst v6  }
0x6a: {  	v6 =	vld.idx.msk [tilespmem:v8+s17+$0x0], $0xffff;
	_ =	sdelay $0x4  }
0x6b: {  	v5 =	vsub.f32 v6, v5;
	_ =	sdelay $0x1  }
0x6c: {  	[tilespmem:s0+$0x5590] =	vst v5  }
0x6d: {  	v5 =	vld.idx.msk [tilespmem:v7+s18+$0x0], $0xffff;
	_ =	sdelay $0x4  }
0x6e: {  	v5 =	vsub.f32 v5, v4;
	_ =	sdelay $0x1  }
0x6f: {  	[tilespmem:s0+$0x6580] =	vst v5  }
0x70: {  	v5 =	vld.idx.msk [tilespmem:v8+s18+$0x0], $0xffff  }
0x71: {  	s31 =	sadd.s32 $0x1, s31  }
0x72: {  	p0 =	sne.s32 s31, $0x80  }
.Ltmp4:
0x73: {  	_ = 	snop;
	(pc) =	sbr.rel @!p0 .LBB2_18-.Ltmp4, $3  }
0x74: {  	_ = 	snop  }
0x75: {  	v4 =	vsub.f32 v5, v4;
	_ =	sdelay $0x1  }
0x76: {  	[tilespmem:s0+$0x6590] =	vst v4  }
.LBB2_4:
0x77: {  	s0 =	sand.u32 $0x70, s31  }
0x78: {  	v4 =	vld [tilespmem:s0+$0x3000]  }
0x79: {  	v5 =	vld [tilespmem:s0+$0x3080]  }
0x7a: {  	v7 =	vld [tilespmem:s0+$0x3100];
	_ =	sdelay $0x1  }
0x7b: {  	s24 =	sand.u32 $0xF, s31  }
0x7c: {  	v8 =	vmov s24  }
0x7d: {  	v6 =	vperm.xlane v4, v8;
	v5 =	vperm.xlane v5, v8  }
0x7e: {  	v4 =	vperm.xlane v7, v8  }
0x7f: {  	v7 =	vmul.f32 v6, v6;
	v8 =	vmul.f32 v5, v5;
	_ =	sdelay $0x1  }
0x80: {  	v7 =	vadd.f32 v8, v7;
	v8 =	vmul.f32 v4, v4;
	_ =	sdelay $0x1  }
0x81: {  	p1 =	por $0x1, $0x1;
	v8 =	vadd.f32 v8, v7;
	v7 =	vshrl.u32 v6, $0x10  }
.Ltmp5:
0x82: {  	v9 =	vshrl.u32 v5, $0x10;
	v10 =	vshrl.u32 v4, $0x10;
	v7 =	vand.u32 $0x1, v7;
	(pc) =	sbr.rel @!p1 .LBB2_5-.Ltmp5, $4  }
0x83: {  	v9 =	vand.u32 $0x1, v9;
	v10 =	vand.u32 $0x1, v10;
	v7 =	vadd.s32 v7, v6  }
0x84: {  	s25 =	simm.s32 $0x1800;
	v11 =	vadd.s32 v9, v5;
	v10 =	vadd.s32 v10, v4;
	v7 =	vadd.s32 $0x7FFF, v7  }
0x85: {  	s20 =	simm.s32 $0x2000;
	s19 =	simm.s32 $0x2800;
	v14 =	vld [tilespmem:s25+$0x0];
	v10 =	vadd.s32 $0x7FFF, v10;
	v9 =	vand.u32 $0xFFFF0000, v7;
	v7 =	vadd.s32 $0x7FFF, v11  }
0x86: {  	s1 =	simm.s32 $0x7580;
	p0 =	por $0x0, $0x0;
	v15 =	vld [tilespmem:s20+$0x0];
	s0 =	simm.s32 $0x10;
	v10 =	vand.u32 $0xFFFF0000, v10;
	v11 =	vand.u32 $0xFFFF0000, v7;
	v7 =	vimm.s32 $0x0  }
0x87: {  	_ = 	snop  }
0x88: {  	v12 =	vld [tilespmem:s19+$0x0];
	_ =	sdelay $0x2  }
0x89: {  	v13 =	vmul.f32 v9, v14;
	v14 =	vmul.f32 v11, v15  }
0x8a: {  	v15 =	vld [tilespmem:s1+$0x0]  }
0x8b: {  	v12 =	vmul.f32 v10, v12;
	v13 =	vadd.f32 v14, v13;
	_ =	sdelay $0x1  }
0x8c: {  	v12 =	vadd.f32 v12, v13;
	_ =	sdelay $0x1  }
0x8d: {  	v13 =	vadd.f32 v15, v8;
	v12 =	vadd.f32 v12, v12;
	_ =	sdelay $0x1  }
0x8e: {  	v12 =	vsub.f32 v13, v12;
	_ =	sdelay $0x1  }
0x8f: {  	vm0 =	vle.f32 v12, $3.999999910e-02  }
0x90: {  	v13 =	vsel vm0, $0x1, v1  }
0x91: {  	(xrf0) =	vadd.scan.msk.s32 $0xffff, v13;
	_ =	sdelay $0x5  }
0x92: {  	v13, _, _ =	vpop (xrf0)  }
0x93: {  	v13 =	vadd.s32 v13, v7  }
0x94: {  	v13 =	vadd.s32 $0xFFFFFFFF, v13  }
0x95: {  	vm1 =	vlt.s32 v13, $0x1FF  }
0x96: {  	v13 =	vnsel vm1, $0x1FF, v13;
	_ =	sdelay $0x3  }
0x97: {  	p1 =	por $0x1, $0x1  }
.Ltmp6:
0x98: {  	v14 =	vmpcnt.ones.xlane vm0;
	[tilespmem:v13+s22+$0x0] =	vst.idx.msk vm0, v12;
	v12 =	vor.u32 s30, v0;
	(pc) =	sbr.rel @!p1 .LBB2_7-.Ltmp6, $4  }
0x99: {  	s21 =	simm.s32 $0x1810;
	[tilespmem:v13+s23+$0x0] =	vst.idx.msk vm0, v12  }
0x9a: {  	s24 =	simm.s32 $0x2010;
	v12 =	vadd.s32 v7, v14;
	v14 =	vld [tilespmem:s21+$0x0]  }
0x9b: {  	s25 =	simm.s32 $0x20;
	v15 =	vld [tilespmem:s24+$0x0]  }
0x9c: {  	s19 =	simm.s32 $0x2810;
	p0 =	por $0x1, $0x1;
	s20 =	simm.s32 $0x7580;
	v13 =	vmov v12  }
.LBB2_8:
0x9d: {  	p1 =	sne.s32 s25, $0x7F0;
	v16 =	vld [tilespmem:s19+$0x0];
	_ =	sdelay $0x2  }
0x9e: {  	s20 =	sadd.s32 $0x10, s20;
	v14 =	vmul.f32 v9, v14;
	v15 =	vmul.f32 v11, v15  }
0x9f: {  	v17 =	vld [tilespmem:s20+$0x0]  }
0xa0: {  	v14 =	vadd.f32 v15, v14;
	v15 =	vmul.f32 v10, v16;
	_ =	sdelay $0x1  }
0xa1: {  	v14 =	vadd.f32 v15, v14;
	_ =	sdelay $0x1  }
0xa2: {  	v15 =	vadd.f32 v17, v8;
	v14 =	vadd.f32 v14, v14;
	_ =	sdelay $0x1  }
0xa3: {  	v14 =	vsub.f32 v15, v14;
	_ =	sdelay $0x1  }
0xa4: {  	vm0 =	vle.f32 v14, $3.999999910e-02  }
0xa5: {  	v15 =	vsel vm0, $0x1, v1;
	v16 =	vmpcnt.ones.xlane vm0  }
0xa6: {  	(xrf0) =	vadd.scan.msk.s32 $0xffff, v15  }
0xa7: {  	v12 =	vadd.s32 v12, v16;
	_ =	sdelay $0x4  }
0xa8: {  	v15, _, _ =	vpop (xrf0)  }
0xa9: {  	v15 =	vadd.s32 v15, v13;
	v13 =	vmov v12  }
0xaa: {  	v15 =	vadd.s32 $0xFFFFFFFF, v15  }
0xab: {  	vm1 =	vlt.s32 v15, $0x1FF  }
0xac: {  	v15 =	vnsel vm1, $0x1FF, v15;
	_ =	sdelay $0x4  }
.Ltmp7:
0xad: {  	[tilespmem:v15+s22+$0x0] =	vst.idx.msk vm0, v14;
	v14 =	vor.u32 s0, v0;
	s0 =	smov.u32 s25;
	(pc) =	sbr.rel @p1 .LBB2_8-.Ltmp7, $4  }
0xae: {  	s21 =	sadd.s32 $0x10, s21;
	[tilespmem:v15+s23+$0x0] =	vst.idx.msk vm0, v14  }
0xaf: {  	s24 =	sadd.s32 $0x10, s24;
	v14 =	vld [tilespmem:s21+$0x0]  }
0xb0: {  	v15 =	vld [tilespmem:s24+$0x0]  }
0xb1: {  	s19 =	sadd.s32 $0x10, s19;
	s25 =	sadd.s32 $0x10, s25  }
.LBB2_9:
0xb2: {  	v16 =	vld [tilespmem:s19+$0x0];
	_ =	sdelay $0x1  }
0xb3: {  	s19 =	sadd.s32 @p0 $0x10, s20  }
0xb4: {  	s1 =	smov.u32 @p0 s19;
	v9 =	vmul.f32 v9, v14;
	v11 =	vmul.f32 v11, v15  }
0xb5: {  	v63 =	vld [tilespmem:s1+$0x0]  }
0xb6: {  	v9 =	vadd.f32 v11, v9;
	v10 =	vmul.f32 v10, v16;
	_ =	sdelay $0x1  }
0xb7: {  	v9 =	vadd.f32 v10, v9;
	_ =	sdelay $0x1  }
0xb8: {  	v8 =	vadd.f32 v63, v8;
	v9 =	vadd.f32 v9, v9;
	_ =	sdelay $0x1  }
0xb9: {  	v9 =	vsub.f32 v8, v9;
	_ =	sdelay $0x1  }
0xba: {  	vm0 =	vle.f32 v9, $3.999999910e-02  }
0xbb: {  	v8 =	vmpcnt.ones.xlane vm0;
	_ =	sdelay $0x1  }
0xbc: {  	v10 =	vsel vm0, $0x1, v1;
	v8 =	vadd.s32 v12, v8  }
0xbd: {  	(xrf0) =	vadd.scan.msk.s32 $0xffff, v10;
	v10 =	vxor.u32 $0x80000000, v8  }
0xbe: {  	(xrf0) =	vmax.scan.msk.u32 $0xffff, v10;
	_ =	sdelay $0x4  }
0xbf: {  	v10, _, _ =	vpop (xrf0)  }
0xc0: {  	v11, _, _ =	vpop (xrf0)  }
0xc1: {  	(v2sf) =	vpush v11, $0xF;
	_ =	sdelay $0xe  }
0xc2: {  	s21 =	spop (v2sf)  }
0xc3: {  	s1 =	sxor.u32 $0x80000000, s21  }
0xc4: {  	v10 =	vadd.s32 v10, v13;
	p0 =	slt.s32 s1, $0x200;
	s19 =	smov.u32 s1  }
0xc5: {  	v10 =	vadd.s32 $0xFFFFFFFF, v10;
	s19 =	simm.s32 @!p0 $0x200  }
0xc6: {  	vm1 =	vlt.s32 v10, $0x1FF;
	s19 =	sadd.s32 $0xF, s19  }
0xc7: {  	v10 =	vnsel vm1, $0x1FF, v10;
	s24 =	sand.u32 $0xF, s19  }
0xc8: {  	p6 =	slt.s32 s1, $0xFFFFFFF2;
	s25 =	sshra.s32 s19, $0x1F;
	p1 =	sne.s32 s24, $0x0  }
0xc9: {  	s20 =	sshrl.u32 s25, $0x1C;
	p0 =	por !p6, !p1  }
0xca: {  	s19 =	sadd.s32 s20, s19;
	s20 =	simm.s32 $0x1;
	p0 =	por !p0, !p0  }
0xcb: {  	s19 =	sshra.s32 s19, $0x4;
	s20 =	simm.s32 @!p0 $0x0  }
0xcc: {  	[tilespmem:v10+s22+$0x0] =	vst.idx.msk vm0, v9;
	v9 =	vor.u32 s0, v0;
	p0 =	slt.s32 s1, $0x1F0;
	s0 =	ssub.s32 s19, s20  }
0xcd: {  	s1 =	simm.s32 @!p0 $0x1F0;
	p0 =	slt.s32 s0, $0x1  }
.Ltmp8:
0xce: {  	_ = 	snop;
	(pc) =	sbr.rel @p0 .LBB2_10-.Ltmp8, $3  }
0xcf: {  	_ =	sdelay $0x1  }
0xd0: {  	[tilespmem:v10+s23+$0x0] =	vst.idx.msk vm0, v9;
	v9 =	vimm.f32 $1.000000020e+30  }
0xd1: {  	[tilespmem:s1+$0x3180] =	vst v9  }
0xd2: {  	s1 =	simm.s32 $0x3180  }
0xd3: {  	s19 =	simm.s32 $0x3380;
	v10 =	vld [tilespmem:s1+$0x0]  }
0xd4: {  	p1 =	sne.s32 s0, $0x1;
	v11 =	vld [tilespmem:s19+$0x0]  }
.Ltmp9:
0xd5: {  	_ = 	snop;
	(pc) =	sbr.rel @!p1 .LBB2_12-.Ltmp9, $2  }
0xd6: {  	_ =	sdelay $0x2  }
0xd7: {  	p0 =	por $0x0, $0x0;
	s19 =	sadd.s32 $0xFFFFFFFF, s0;
	(xrf1) =	vsort.ascd.msk.f32 $0xffff, v10, v11  }
0xd8: {  	_ =	sdelay $0xc  }
0xd9: {  	v10, v11, _ =	vpop (xrf1)  }
0xda: {  	s0 =	simm.s32 $0x3190;
	v10 =	vperm.xlane v10, v2  }
0xdb: {  	s1 =	simm.s32 $0x3390;
	v12 =	vld [tilespmem:s0+$0x0];
	v11 =	vperm.xlane v11, v2  }
0xdc: {  	p1 =	sne.s32 s19, $0x1;
	v13 =	vld [tilespmem:s1+$0x0];
	vm0 =	vle.f32 v9, v10  }
.Ltmp10:
0xdd: {  	v10 =	vsel vm0, v9, v10;
	v11 =	vsel vm0, v7, v11;
	(pc) =	sbr.rel @!p1 .LBB2_14-.Ltmp10, $2  }
0xde: {  	(xrf1) =	vsort.ascd.msk.f32 $0xffff, v10, v11;
	_ =	sdelay $0x2  }
0xdf: {  	s19 =	sadd.s32 $0xFFFFFFFF, s19;
	p0 =	por $0x1, $0x1;
	v11 =	vimm.f32 $1.000000020e+30;
	v10 =	vimm.s32 $0x0;
	(xrf1) =	vsort.ascd.msk.f32 $0xffff, v12, v13  }
.LBB2_15:
0xe0: {  	_ = 	snop  }
0xe1: {  	p1 =	sne.s32 s19, $0x1;
	s19 =	sadd.s32 $0xFFFFFFFF, s19;
	_ =	sdelay $0x8  }
0xe2: {  	v12, v13, _ =	vpop (xrf1)  }
0xe3: {  	v12 =	vperm.xlane v12, v2  }
0xe4: {  	v13 =	vperm.xlane v13, v2  }
0xe5: {  	v14, v15, _ =	vpop (xrf1);
	vm0 =	vle.f32 v11, v12  }
0xe6: {  	v14 =	vperm.xlane v14, v2;
	v16 =	vsel vm0, v12, v11;
	v17 =	vsel vm0, v13, v10  }
0xe7: {  	v11 =	vsel vm0, v11, v12;
	v10 =	vsel vm0, v10, v13;
	(xrf1) =	vsort.ascd.msk.f32 $0xffff, v16, v17  }
0xe8: {  	(xrf1) =	vsort.ascd.msk.f32 $0xffff, v11, v10;
	_ =	sdelay $0xb  }
0xe9: {  	s0 =	sadd.s32 $0x10, s0  }
0xea: {  	s1 =	sadd.s32 $0x10, s1;
	v13 =	vperm.xlane v15, v2;
	v12 =	vld [tilespmem:s0+$0x0];
	v15, v16, _ =	vpop (xrf1)  }
0xeb: {  	v17 =	vld [tilespmem:s1+$0x0];
	vm0 =	vle.f32 v15, v14;
	v11, v10, _ =	vpop (xrf1)  }
.Ltmp11:
0xec: {  	v14 =	vsel vm0, v15, v14;
	v13 =	vsel vm0, v16, v13;
	(pc) =	sbr.rel @p1 .LBB2_15-.Ltmp11, $2  }
0xed: {  	(xrf1) =	vsort.ascd.msk.f32 $0xffff, v14, v13;
	_ =	sdelay $0x2  }
0xee: {  	(xrf1) =	vsort.ascd.msk.f32 $0xffff, v12, v17  }
.LBB2_16:
0xef: {  	_ =	sdelay $0x9  }
0xf0: {  	v12, v13, _ =	vpop @p0 (xrf1)  }
0xf1: {  	v12 =	vperm.xlane @p0 v12, v2  }
0xf2: {  	v13 =	vperm.xlane @p0 v13, v2  }
0xf3: {  	vm0 =	vle.f32 @p0 v11, v12  }
0xf4: {  	v14 =	vsel @p0 vm0, v12, v11;
	v15 =	vsel @p0 vm0, v13, v10  }
0xf5: {  	(xrf1) =	vsort.ascd.msk.f32 @p0 $0xffff, v14, v15;
	_ =	sdelay $0xc  }
0xf6: {  	v14, v15, _ =	vpop (xrf1)  }
0xf7: {  	v14 =	vperm.xlane v14, v2;
	v16, v17, _ =	vpop @p0 (xrf1)  }
0xf8: {  	v11 =	vsel @p0 vm0, v11, v12;
	v61 =	vperm.xlane v15, v2;
	v62 =	vpsel p0, v16, v9  }
0xf9: {  	v10 =	vsel @p0 vm0, v10, v13;
	v63 =	vpsel p0, v17, v7;
	vm14 =	vle.f32 v62, v14  }
0xfa: {  	(xrf1) =	vsort.ascd.msk.f32 @p0 $0xffff, v11, v10;
	v10 =	vsel vm14, v62, v14;
	v11 =	vsel vm14, v63, v61  }
0xfb: {  	(xrf1) =	vsort.ascd.msk.f32 $0xffff, v10, v11;
	_ =	sdelay $0xc  }
0xfc: {  	v10, v11, _ =	vpop @p0 (xrf1)  }
0xfd: {  	v12, v13, _ =	vpop (xrf1)  }
0xfe: {  	v12 =	vperm.xlane v12, v2  }
0xff: {  	v9 =	vpsel p0, v10, v9;
	v10 =	vperm.xlane v13, v2  }
0x100: {  	v7 =	vpsel p0, v11, v7;
	vm15 =	vle.f32 v9, v12  }
0x101: {  	v11 =	vsel vm15, v12, v9;
	v13 =	vsel vm15, v10, v7  }
0x102: {  	(xrf1) =	vsort.ascd.msk.f32 $0xffff, v11, v13  }
0x103: {  	v9 =	vsel vm15, v9, v12;
	v7 =	vsel vm15, v7, v10  }
0x104: {  	(xrf1) =	vsort.ascd.msk.f32 $0xffff, v9, v7;
	_ =	sdelay $0x9  }
.Ltmp12:
0x105: {  	_ = 	snop;
	(pc) =	sbr.rel .LBB2_17-.Ltmp12, $3  }
0x106: {  	_ = 	snop  }
0x107: {  	v7, v9, _ =	vpop (xrf1);
	_ =	sdelay $0x1  }
0x108: {  	v10, v7, _ =	vpop (xrf1)  }
.LBB2_5:
.Ltmp13:
0x109: {  	(pc) =	sbr.rel .LBB2_9-.Ltmp13, $2  }
0x10a: {  	_ =	sdelay $0x2  }
0x10b: {  	s20 =	simm.s32 $0x7580;
	v12 =	vimm.s32 $0x0;
	v13 =	vimm.s32 $0x0;
	s0 =	simm.s32 $0x0  }
.LBB2_7:
.Ltmp14:
0x10c: {  	(pc) =	sbr.rel .LBB2_9-.Ltmp14, $2  }
0x10d: {  	_ =	sdelay $0x2  }
0x10e: {  	s20 =	simm.s32 $0x7580;
	v13 =	vmov v12  }
.LBB2_12:
.Ltmp15:
0x10f: {  	(pc) =	sbr.rel .LBB2_16-.Ltmp15, $2  }
0x110: {  	_ =	sdelay $0x2  }
0x111: {  	v11 =	vimm.f32 $1.000000020e+30;
	v10 =	vimm.s32 $0x0  }
.LBB2_14:
.Ltmp16:
0x112: {  	(pc) =	sbr.rel .LBB2_16-.Ltmp16, $2  }
0x113: {  	_ =	sdelay $0x2  }
0x114: {  	v11 =	vimm.f32 $1.000000020e+30;
	v10 =	vimm.s32 $0x0  }
.LBB2_19:
0x115: {  	_ =	sfence.sel $0x180000  }
0x116: {  	[bflag:$0x0] =	sbarrier.arrive $0xFFFF  }
0x117: {  	_ =	strace $0x9000004D  }
0x118: {  	s0 =	stileid.u32;
	[bflag:$0x2] =	sbarrier.arrive $0xFFFF  }
0x119: {  	p0 =	sne.s32 s0, $0x0;
	s0 =	rddreg [dreg:$0x2]  }
0x11a: {  	s0 =	sadd.s32 @!p0 $0x100000, s0  }
0x11b: {  	[sflag:s0] =	ssyncadd.tile.s32 @!p0 $0x1;
	_ =	shalt  }
.Lfunc_end2:
_tile_overlayer_lowered:
.L_overlay_start_2:
0x11c: {  	(tag) =	ssettag $0x2  }
0x11d: {  	s0 =	rddreg [dreg:$0x0];
	s2 =	stileid.u32  }
0x11e: {  	s1 =	rddreg [dreg:$0x1];
	p0 =	sne.s32 s2, $0x0  }
0x11f: {  	s3 =	rddreg [dreg:$0x2];
	[bflag:$0x3] =	sbarrier.arrive $0xFFFF;
	s2 =	simm.s32 @!p0 $0x1C01  }
0x120: {  	[timem:s3], [sflag:s2] =	dma.local @!p0 [hbm:s0], s1  }
0x121: {  	s0 =	simm.s32 @!p0 $0x1  }
0x122: {  	_ =	swait.ge @!p0 [sflag:s0], s1  }
0x123: {  	s1 =	ssub.s32 @!p0 $0x0, s1;
	[sflag:s0] =	ssyncset.done @!p0 $0x0  }
0x124: {  	[sflag:s0] =	ssyncadd.s32 @!p0 s1  }
0x125: {  	[bflag:$0x3] =	sbarrier.arrive $0xFFFF  }
0x126: {  	_ =	shalt  }

</sc_bundles>
